<compile_context>
chip_gen: v7x
topology: tpu7x:2x2x1
jax: 0.10.2.dev20260603
libtpu: 0.0.44.dev20260713+nightly
codegen_flags: <defaults>
</compile_context>

<pallas_src>
import functools

import jax
import jax.numpy as jnp
from jax import lax
from jax.experimental import pallas as pl
from jax.experimental.pallas import tpu as pltpu
from jax.experimental.pallas import tpu_sc as plsc

N = 10000
NPAD = 10240
E = 320000
DIN = 128
DH = 20
DOUT = 128
F = 40
NC, NS = 2, 16
NTILES = NC * NS
CHUNK = 128
EPT = 10240
EPAD = NTILES * EPT
NCHUNK = EPT // CHUNK
NPAIR = NCHUNK // 2
SLICE = NPAD // NS


def _sc_degree(edge_hbm, ones_hbm, zeros_hbm, cnt_hbm, idx0, idx1, idx2, idx3,
               ones_v, stage_v, si0, si1, si2, si3, ss0, ss1, ss2, ss3,
               cnt_sh):
    c = lax.axis_index("c")
    s = lax.axis_index("s")
    tid = c * NS + s
    ebase = tid * EPT
    idx = (idx0, idx1, idx2, idx3)
    si = (si0, si1, si2, si3)
    ss = (ss0, ss1, ss2, ss3)
    pltpu.sync_copy(zeros_hbm.at[pl.ds(s * SLICE, SLICE)], stage_v)
    pltpu.sync_copy(stage_v, cnt_sh.at[pl.ds(s * SLICE, SLICE)])
    pltpu.sync_copy(ones_hbm, ones_v)
    plsc.subcore_barrier()

    def fetch_idx(j, t):
        pltpu.async_copy(edge_hbm.at[1, pl.ds(ebase + j * CHUNK, CHUNK)],
                         idx[t], si[t])

    def do_scatter(t):
        pltpu.make_async_copy(edge_hbm.at[1, pl.ds(0, CHUNK)], idx[t],
                              si[t]).wait()
        pltpu.async_copy(ones_v, cnt_sh.at[idx[t]], ss[t], add=True)

    def wait_scatter(t):
        pltpu.make_async_copy(ones_v, cnt_sh.at[pl.ds(0, CHUNK)],
                              ss[t]).wait()

    fetch_idx(0, 0)
    fetch_idx(1, 1)
    do_scatter(0)
    fetch_idx(2, 2)
    do_scatter(1)
    fetch_idx(3, 3)

    def body(p, carry):
        for j in range(4):
            i = 2 + 4 * p + j
            do_scatter((2 + j) % 4)
            wait_scatter(j)
            fetch_idx(i + 2, j)
        return carry

    lax.fori_loop(0, (NCHUNK - 4) // 4, body, 0)
    do_scatter(2)
    do_scatter(3)
    for t in range(4):
        wait_scatter(t)
    plsc.subcore_barrier()
    pltpu.sync_copy(cnt_sh.at[pl.ds(s * SLICE, SLICE)], stage_v)
    pltpu.sync_copy(stage_v, cnt_hbm.at[c, pl.ds(s * SLICE, SLICE)])


@functools.cache
def _sc_degree_call():
    mesh = plsc.VectorSubcoreMesh(core_axis_name="c", subcore_axis_name="s",
                                  num_cores=NC, num_subcores=NS)
    return pl.kernel(
        _sc_degree,
        out_type=jax.ShapeDtypeStruct((NC, NPAD), jnp.float32),
        mesh=mesh,
        scratch_types=(
            [pltpu.VMEM((CHUNK,), jnp.int32)] * 4
            + [pltpu.VMEM((CHUNK,), jnp.float32)]
            + [pltpu.VMEM((SLICE,), jnp.float32)]
            + [pltpu.SemaphoreType.DMA] * 8
            + [pltpu.VMEM_SHARED((NPAD,), jnp.float32)]
        ),
        compiler_params=pltpu.CompilerParams(use_tc_tiling_on_sc=False),
    )


def _sc_aggregate(edge_hbm, xw_hbm, cnt_hbm, zeros_hbm, agg_hbm, isrc0, isrc1,
                  isrc2, isrc3, idst0, idst1, idst2, idst3, rows0, rows1,
                  rows2, rows3, stage_v, stage2_v, c0_v, c1_v, dis_v,
                  sis0, sis1, sis2, sis3, sid0, sid1, sid2, sid3,
                  sg0, sg1, sg2, sg3, ss0, ss1, ss2, ss3, agg_sh, y_sh):
    c = lax.axis_index("c")
    s = lax.axis_index("s")
    tid = c * NS + s
    ebase = tid * EPT
    isrc = (isrc0, isrc1, isrc2, isrc3)
    idst = (idst0, idst1, idst2, idst3)
    rows = (rows0, rows1, rows2, rows3)
    sis = (sis0, sis1, sis2, sis3)
    sid = (sid0, sid1, sid2, sid3)
    sg = (sg0, sg1, sg2, sg3)
    ss = (ss0, ss1, ss2, ss3)
    pltpu.sync_copy(zeros_hbm.at[pl.ds(s * SLICE, SLICE)], stage_v)
    pltpu.sync_copy(stage_v, agg_sh.at[pl.ds(s * SLICE, SLICE)])
    pltpu.sync_copy(xw_hbm.at[pl.ds(s * SLICE, SLICE)], stage_v)
    pltpu.sync_copy(cnt_hbm.at[0, pl.ds(s * SLICE, SLICE)], c0_v)
    pltpu.sync_copy(cnt_hbm.at[1, pl.ds(s * SLICE, SLICE)], c1_v)

    def disbody(k, carry):
        d = 1.0 + c0_v[pl.ds(16 * k, 16)] + c1_v[pl.ds(16 * k, 16)]
        g = plsc.bitcast(0x5F3759DF - (plsc.bitcast(d, jnp.int32) >> 1),
                         jnp.float32)
        g = g * (1.5 - 0.5 * d * g * g)
        g = g * (1.5 - 0.5 * d * g * g)
        g = g * (1.5 - 0.5 * d * g * g)
        dis_v[pl.ds(16 * k, 16)] = g
        return carry

    lax.fori_loop(0, SLICE // 16, disbody, 0)

    def rowblock(k, carry):
        dv = dis_v[pl.ds(16 * k, 16)]
        for j in range(16):
            r = 16 * k + j
            ga = dv[j]
            stage2_v[r, pl.ds(0, 16)] = stage_v[r, pl.ds(0, 16)] * ga
            stage2_v[r, pl.ds(16, 16)] = stage_v[r, pl.ds(16, 16)] * ga
            stage2_v[r, pl.ds(24, 16)] = stage_v[r, pl.ds(24, 16)] * ga
        return carry

    lax.fori_loop(0, SLICE // 16, rowblock, 0)
    pltpu.sync_copy(stage2_v, y_sh.at[pl.ds(s * SLICE, SLICE)])
    plsc.subcore_barrier()

    def fetch_idx(j, t):
        pltpu.async_copy(edge_hbm.at[0, pl.ds(ebase + j * CHUNK, CHUNK)],
                         isrc[t], sis[t])
        pltpu.async_copy(edge_hbm.at[1, pl.ds(ebase + j * CHUNK, CHUNK)],
                         idst[t], sid[t])

    def fire_gather(t):
        pltpu.make_async_copy(edge_hbm.at[0, pl.ds(0, CHUNK)], isrc[t],
                              sis[t]).wait()
        pltpu.async_copy(y_sh.at[isrc[t]], rows[t], sg[t])

    def do_scatter(t):
        pltpu.make_async_copy(y_sh.at[pl.ds(0, CHUNK)], rows[t],
                              sg[t]).wait()
        pltpu.make_async_copy(edge_hbm.at[1, pl.ds(0, CHUNK)], idst[t],
                              sid[t]).wait()
        pltpu.async_copy(rows[t], agg_sh.at[idst[t]], ss[t], add=True)

    def wait_scatter(t):
        pltpu.make_async_copy(rows[t], agg_sh.at[pl.ds(0, CHUNK)],
                              ss[t]).wait()

    fetch_idx(0, 0)
    fetch_idx(1, 1)
    fire_gather(0)
    do_scatter(0)
    fetch_idx(2, 2)
    fire_gather(1)
    do_scatter(1)
    fetch_idx(3, 3)
    fire_gather(2)

    def body(p, carry):
        for j in range(4):
            i = 2 + 4 * p + j
            b = (2 + j) % 4
            do_scatter(b)
            f = (j + 4) % 4
            wait_scatter(f)
            fetch_idx(i + 2, f)
            fire_gather((3 + j) % 4)
        return carry

    lax.fori_loop(0, (NCHUNK - 4) // 4, body, 0)
    do_scatter(2)
    fire_gather(3)
    do_scatter(3)
    for t in range(4):
        wait_scatter(t)
    plsc.subcore_barrier()
    pltpu.sync_copy(agg_sh.at[pl.ds(s * SLICE, SLICE)], stage_v)
    pltpu.sync_copy(stage_v, agg_hbm.at[c, pl.ds(s * SLICE, SLICE)])


@functools.cache
def _sc_aggregate_call():
    mesh = plsc.VectorSubcoreMesh(core_axis_name="c", subcore_axis_name="s",
                                  num_cores=NC, num_subcores=NS)
    return pl.kernel(
        _sc_aggregate,
        out_type=jax.ShapeDtypeStruct((NC, NPAD, F), jnp.float32),
        mesh=mesh,
        scratch_types=(
            [pltpu.VMEM((CHUNK,), jnp.int32)] * 8
            + [pltpu.VMEM((CHUNK, F), jnp.float32)] * 4
            + [pltpu.VMEM((SLICE, F), jnp.float32)] * 2
            + [pltpu.VMEM((SLICE,), jnp.float32)] * 3
            + [pltpu.SemaphoreType.DMA] * 16
            + [pltpu.VMEM_SHARED((NPAD, F), jnp.float32)] * 2
        ),
        compiler_params=pltpu.CompilerParams(use_tc_tiling_on_sc=False,
                                             needs_layout_passes=False),
    )


BM = 2000


def _tc_xw_body(x_ref, w_ref, xw_ref):
    xw_ref[...] = jnp.dot(x_ref[...], w_ref[...],
                          preferred_element_type=jnp.float32)


_tc_xw_call = pl.pallas_call(
    _tc_xw_body,
    grid=(N // BM,),
    in_specs=[
        pl.BlockSpec((BM, DIN), lambda m: (m, 0)),
        pl.BlockSpec((DIN, F), lambda m: (0, 0)),
    ],
    out_specs=pl.BlockSpec((BM, F), lambda m: (m, 0)),
    out_shape=jax.ShapeDtypeStruct((NPAD, F), jnp.float32),
)


def _tc_heads_body(xw_ref, agg_ref, cntT_ref, bc_ref, lw1_ref, lb1_ref,
                   lw2_ref, lb2_ref, o1_ref, o2_ref):
    deg = 1.0 + cntT_ref[:, 0:1] + cntT_ref[:, 1:2]
    dis = lax.rsqrt(deg)
    feat = dis * (agg_ref[0] + agg_ref[1]) + (dis * dis) * xw_ref[...] \
        + bc_ref[...]
    h1 = jnp.dot(feat, lw1_ref[...],
                 preferred_element_type=jnp.float32) + lb1_ref[...]
    h2 = jnp.dot(feat, lw2_ref[...],
                 preferred_element_type=jnp.float32) + lb2_ref[...]
    n1 = jnp.sqrt(jnp.sum(h1 * h1, axis=1, keepdims=True))
    n2 = jnp.sqrt(jnp.sum(h2 * h2, axis=1, keepdims=True))
    o1_ref[...] = h1 / jnp.maximum(n1, 1e-12)
    o2_ref[...] = h2 / jnp.maximum(n2, 1e-12)


_tc_heads_call = pl.pallas_call(
    _tc_heads_body,
    grid=(N // BM,),
    in_specs=[
        pl.BlockSpec((BM, F), lambda m: (m, 0)),
        pl.BlockSpec((NC, BM, F), lambda m: (0, m, 0)),
        pl.BlockSpec((BM, NC), lambda m: (m, 0)),
        pl.BlockSpec((1, F), lambda m: (0, 0)),
        pl.BlockSpec((F, DOUT), lambda m: (0, 0)),
        pl.BlockSpec((1, DOUT), lambda m: (0, 0)),
        pl.BlockSpec((F, DOUT), lambda m: (0, 0)),
        pl.BlockSpec((1, DOUT), lambda m: (0, 0)),
    ],
    out_specs=[
        pl.BlockSpec((BM, DOUT), lambda m: (m, 0)),
        pl.BlockSpec((BM, DOUT), lambda m: (m, 0)),
    ],
    out_shape=[
        jax.ShapeDtypeStruct((N, DOUT), jnp.float32),
        jax.ShapeDtypeStruct((N, DOUT), jnp.float32),
    ],
)


def kernel(x, edge_index, W1, b1, W2, b2, LW1, Lb1, LW2, Lb2):
    f32 = jnp.float32
    edge_p = jnp.pad(edge_index, ((0, 0), (0, EPAD - E)), constant_values=N)
    Wc = jnp.concatenate([W1, W2], axis=1)
    bc = jnp.concatenate([b1, b2])[None, :]
    LW1p = jnp.zeros((F, DOUT), f32).at[0:DH].set(LW1)
    LW2p = jnp.zeros((F, DOUT), f32).at[DH:2 * DH].set(LW2)
    ones = jnp.ones((CHUNK,), f32)
    zeros1 = jnp.zeros((NPAD,), f32)
    zeros2 = jnp.zeros((NPAD, F), f32)

    xw = _tc_xw_call(x, Wc)
    cnt = _sc_degree_call()(edge_p, ones, zeros1)
    agg = _sc_aggregate_call()(edge_p, xw, cnt, zeros2)
    o1, o2 = _tc_heads_call(xw, agg, cnt.T, bc, LW1p, Lb1[None], LW2p,
                            Lb2[None])
    return (o1, o2)

# --- scband reference (transcript-rebuilt; emitter-appended) ---
"""Pipeline reference for scband-my-model1-77360950935759 (READ-ONLY COPY).

The authoritative reference and input builder live on the scoring server;
editing this copy changes nothing except your own understanding.
"""

import jax, jax.numpy as jnp
import numpy as np

N = 10000
E = 320000
D_IN = 128
D_HID = 20
D_OUT = 128


def setup_inputs(seed: int = 0) -> dict:
    key = jax.random.key(seed)
    ks = jax.random.split(key, 12)
    x = jax.random.normal(ks[0], (N, D_IN), dtype=jnp.float32)
    edge_index = jax.random.randint(ks[1], (2, E), 0, N, dtype=jnp.int32)
    # GCNConv params (glorot-ish init)
    W1 = jax.random.normal(ks[2], (D_IN, D_HID), dtype=jnp.float32) * (1.0 / np.sqrt(D_IN))
    b1 = jnp.zeros((D_HID,), dtype=jnp.float32)
    W2 = jax.random.normal(ks[3], (D_IN, D_HID), dtype=jnp.float32) * (1.0 / np.sqrt(D_IN))
    b2 = jnp.zeros((D_HID,), dtype=jnp.float32)
    # Linear params stored as [in, out]
    LW1 = jax.random.normal(ks[4], (D_HID, D_OUT), dtype=jnp.float32) * (1.0 / np.sqrt(D_HID))
    Lb1 = jax.random.normal(ks[5], (D_OUT,), dtype=jnp.float32) * (1.0 / np.sqrt(D_HID))
    LW2 = jax.random.normal(ks[6], (D_HID, D_OUT), dtype=jnp.float32) * (1.0 / np.sqrt(D_HID))
    Lb2 = jax.random.normal(ks[7], (D_OUT,), dtype=jnp.float32) * (1.0 / np.sqrt(D_HID))
    return {"x": x, "edge_index": edge_index, "W1": W1, "b1": b1, "W2": W2, "b2": b2,
            "LW1": LW1, "Lb1": Lb1, "LW2": LW2, "Lb2": Lb2}


def _gcn_conv(x, edge_index, W, b, n_nodes):
    # x' = x @ W ; add self-loops ; symmetric normalization ; scatter-add aggregate
    xw = x @ W
    src = edge_index[0]
    dst = edge_index[1]
    loop = jnp.arange(n_nodes, dtype=src.dtype)
    src = jnp.concatenate([src, loop])
    dst = jnp.concatenate([dst, loop])
    ew = jnp.ones(src.shape[0], dtype=xw.dtype)
    deg = jnp.zeros((n_nodes,), dtype=xw.dtype).at[dst].add(ew)
    deg_inv_sqrt = jnp.where(deg > 0, deg ** -0.5, 0.0)
    norm = deg_inv_sqrt[src] * ew * deg_inv_sqrt[dst]
    msg = xw[src] * norm[:, None]
    out = jnp.zeros((n_nodes, xw.shape[1]), dtype=xw.dtype).at[dst].add(msg)
    return out + b


def _l2_normalize(x, eps=1e-12):
    nrm = jnp.sqrt(jnp.sum(x * x, axis=1, keepdims=True))
    return x / jnp.maximum(nrm, eps)


def reference(x, edge_index, W1, b1, W2, b2, LW1, Lb1, LW2, Lb2):
    n = x.shape[0]
    gcn_out1 = _gcn_conv(x, edge_index, W1, b1, n)  # act = identity
    mlp_out1 = gcn_out1 @ LW1 + Lb1
    gcn_out2 = _gcn_conv(x, edge_index, W2, b2, n)
    mlp_out2 = gcn_out2 @ LW2 + Lb2
    out1 = _l2_normalize(mlp_out1)
    out2 = _l2_normalize(mlp_out2)
    return (out1, out2)

if __name__ == "__main__":
    import jax
    _d = setup_inputs()
    print(jax.jit(kernel)(*tuple(_d.values())))

</pallas_src>

<mosaic_0001>
#map = affine_map<(d0, d1) -> (0, 0)>
#map1 = affine_map<(d0, d1) -> (0, 0, 0)>
module attributes {stable_mosaic.version = 14 : i64} {
  func.func @_sc_aggregate(%arg0: i32, %arg1: i32, %arg2: memref<2x327680xi32, #tpu.memory_space<hbm>>, %arg3: memref<10240x40xf32, #tpu.memory_space<hbm>>, %arg4: memref<2x10240xf32, #tpu.memory_space<hbm>>, %arg5: memref<10240x40xf32, #tpu.memory_space<hbm>>, %arg6: memref<2x10240x40xf32, #tpu.memory_space<hbm>>, %arg7: memref<128xi32, #tpu.memory_space<vmem>>, %arg8: memref<128xi32, #tpu.memory_space<vmem>>, %arg9: memref<128xi32, #tpu.memory_space<vmem>>, %arg10: memref<128xi32, #tpu.memory_space<vmem>>, %arg11: memref<128xi32, #tpu.memory_space<vmem>>, %arg12: memref<128xi32, #tpu.memory_space<vmem>>, %arg13: memref<128xi32, #tpu.memory_space<vmem>>, %arg14: memref<128xi32, #tpu.memory_space<vmem>>, %arg15: memref<128x40xf32, #tpu.memory_space<vmem>>, %arg16: memref<128x40xf32, #tpu.memory_space<vmem>>, %arg17: memref<128x40xf32, #tpu.memory_space<vmem>>, %arg18: memref<128x40xf32, #tpu.memory_space<vmem>>, %arg19: memref<640x40xf32, #tpu.memory_space<vmem>>, %arg20: memref<640x40xf32, #tpu.memory_space<vmem>>, %arg21: memref<640xf32, #tpu.memory_space<vmem>>, %arg22: memref<640xf32, #tpu.memory_space<vmem>>, %arg23: memref<640xf32, #tpu.memory_space<vmem>>, %arg24: memref<!tpu.dma_semaphore, #tpu.memory_space<semaphore_mem>>, %arg25: memref<!tpu.dma_semaphore, #tpu.memory_space<semaphore_mem>>, %arg26: memref<!tpu.dma_semaphore, #tpu.memory_space<semaphore_mem>>, %arg27: memref<!tpu.dma_semaphore, #tpu.memory_space<semaphore_mem>>, %arg28: memref<!tpu.dma_semaphore, #tpu.memory_space<semaphore_mem>>, %arg29: memref<!tpu.dma_semaphore, #tpu.memory_space<semaphore_mem>>, %arg30: memref<!tpu.dma_semaphore, #tpu.memory_space<semaphore_mem>>, %arg31: memref<!tpu.dma_semaphore, #tpu.memory_space<semaphore_mem>>, %arg32: memref<!tpu.dma_semaphore, #tpu.memory_space<semaphore_mem>>, %arg33: memref<!tpu.dma_semaphore, #tpu.memory_space<semaphore_mem>>, %arg34: memref<!tpu.dma_semaphore, #tpu.memory_space<semaphore_mem>>, %arg35: memref<!tpu.dma_semaphore, #tpu.memory_space<semaphore_mem>>, %arg36: memref<!tpu.dma_semaphore, #tpu.memory_space<semaphore_mem>>, %arg37: memref<!tpu.dma_semaphore, #tpu.memory_space<semaphore_mem>>, %arg38: memref<!tpu.dma_semaphore, #tpu.memory_space<semaphore_mem>>, %arg39: memref<!tpu.dma_semaphore, #tpu.memory_space<semaphore_mem>>, %arg40: memref<10240x40xf32, #tpu.memory_space<vmem_shared>>, %arg41: memref<10240x40xf32, #tpu.memory_space<vmem_shared>>) attributes {dimension_semantics = [#tpu.dimension_semantics<core_parallel>, #tpu.dimension_semantics<subcore_parallel>], iteration_bounds = array<i64: 2, 16>, scalar_prefetch = 0 : i64, scratch_operands = 35 : i64, tpu.core_type = #tpu.core_type<sc_vector_subcore>, window_params = [{transform_indices = #map}, {transform_indices = #map}, {transform_indices = #map}, {transform_indices = #map}, {transform_indices = #map1}]} {
    %mul3A = arith.constant 16 : i32
    %mul3A_0 = arith.muli %arg0, %mul3A : i32
    %add3A = arith.addi %mul3A_0, %arg1 : i32
    %mul3A_1 = arith.constant 10240 : i32
    %mul3A_2 = arith.muli %add3A, %mul3A_1 : i32
    %mul3A_3 = arith.constant 640 : i32
    %mul3A_4 = arith.muli %arg1, %mul3A_3 : i32
    "tpu.region"() ({
      %run_scoped3A_220 = tpu.sem_alloc : memref<!tpu.dma_semaphore, #tpu.memory_space<semaphore_mem>>
      %dma_start3A_221 = arith.constant 0 : i32
      %dma_start3A_222 = tpu.memref_slice %arg5[%mul3A_4, %dma_start3A_221] : memref<10240x40xf32, #tpu.memory_space<hbm>> -> memref<640x40xf32, #tpu.memory_space<hbm>>
      %dma_start3A_223 = arith.constant 0 : i32
      %dma_start3A_224 = tpu.memref_slice %arg5[%mul3A_4, %dma_start3A_223] : memref<10240x40xf32, #tpu.memory_space<hbm>> -> memref<640x40xf32, #tpu.memory_space<hbm>>
      tpu.enqueue_dma source(%dma_start3A_224 : memref<640x40xf32, #tpu.memory_space<hbm>>) target(%arg19 : memref<640x40xf32, #tpu.memory_space<vmem>>) target_semaphore(%run_scoped3A_220 : memref<!tpu.dma_semaphore, #tpu.memory_space<semaphore_mem>>)
      %dma_wait3A_225 = arith.constant 0 : i32
      %dma_wait3A_226 = tpu.memref_slice %arg5[%mul3A_4, %dma_wait3A_225] : memref<10240x40xf32, #tpu.memory_space<hbm>> -> memref<640x40xf32, #tpu.memory_space<hbm>>
      %dma_wait3A_227 = arith.constant 0 : i32
      %dma_wait3A_228 = tpu.memref_slice %arg5[%mul3A_4, %dma_wait3A_227] : memref<10240x40xf32, #tpu.memory_space<hbm>> -> memref<640x40xf32, #tpu.memory_space<hbm>>
      tpu.wait_dma2 semaphore(%run_scoped3A_220 : memref<!tpu.dma_semaphore, #tpu.memory_space<semaphore_mem>>) src(%dma_wait3A_228 : memref<640x40xf32, #tpu.memory_space<hbm>>) dst(%arg19 : memref<640x40xf32, #tpu.memory_space<vmem>>)
      tpu.yield
    }) : () -> ()
    %mul3A_5 = arith.constant 640 : i32
    %mul3A_6 = arith.muli %arg1, %mul3A_5 : i32
    "tpu.region"() ({
      %run_scoped3A_220 = tpu.sem_alloc : memref<!tpu.dma_semaphore, #tpu.memory_space<semaphore_mem>>
      %dma_start3A_221 = arith.constant 0 : i32
      %dma_start3A_222 = tpu.memref_slice %arg40[%mul3A_6, %dma_start3A_221] : memref<10240x40xf32, #tpu.memory_space<vmem_shared>> -> memref<640x40xf32, #tpu.memory_space<vmem_shared>>
      %dma_start3A_223 = arith.constant 0 : i32
      %dma_start3A_224 = tpu.memref_slice %arg40[%mul3A_6, %dma_start3A_223] : memref<10240x40xf32, #tpu.memory_space<vmem_shared>> -> memref<640x40xf32, #tpu.memory_space<vmem_shared>>
      tpu.enqueue_dma source(%arg19 : memref<640x40xf32, #tpu.memory_space<vmem>>) target(%dma_start3A_224 : memref<640x40xf32, #tpu.memory_space<vmem_shared>>) target_semaphore(%run_scoped3A_220 : memref<!tpu.dma_semaphore, #tpu.memory_space<semaphore_mem>>)
      %dma_wait3A_225 = arith.constant 0 : i32
      %dma_wait3A_226 = tpu.memref_slice %arg40[%mul3A_6, %dma_wait3A_225] : memref<10240x40xf32, #tpu.memory_space<vmem_shared>> -> memref<640x40xf32, #tpu.memory_space<vmem_shared>>
      %dma_wait3A_227 = arith.constant 0 : i32
      %dma_wait3A_228 = tpu.memref_slice %arg40[%mul3A_6, %dma_wait3A_227] : memref<10240x40xf32, #tpu.memory_space<vmem_shared>> -> memref<640x40xf32, #tpu.memory_space<vmem_shared>>
      tpu.wait_dma2 semaphore(%run_scoped3A_220 : memref<!tpu.dma_semaphore, #tpu.memory_space<semaphore_mem>>) src(%arg19 : memref<640x40xf32, #tpu.memory_space<vmem>>) dst(%dma_wait3A_228 : memref<640x40xf32, #tpu.memory_space<vmem_shared>>)
      tpu.yield
    }) : () -> ()
    %mul3A_7 = arith.constant 640 : i32
    %mul3A_8 = arith.muli %arg1, %mul3A_7 : i32
    "tpu.region"() ({
      %run_scoped3A_220 = tpu.sem_alloc : memref<!tpu.dma_semaphore, #tpu.memory_space<semaphore_mem>>
      %dma_start3A_221 = arith.constant 0 : i32
      %dma_start3A_222 = tpu.memref_slice %arg3[%mul3A_8, %dma_start3A_221] : memref<10240x40xf32, #tpu.memory_space<hbm>> -> memref<640x40xf32, #tpu.memory_space<hbm>>
      %dma_start3A_223 = arith.constant 0 : i32
      %dma_start3A_224 = tpu.memref_slice %arg3[%mul3A_8, %dma_start3A_223] : memref<10240x40xf32, #tpu.memory_space<hbm>> -> memref<640x40xf32, #tpu.memory_space<hbm>>
      tpu.enqueue_dma source(%dma_start3A_224 : memref<640x40xf32, #tpu.memory_space<hbm>>) target(%arg19 : memref<640x40xf32, #tpu.memory_space<vmem>>) target_semaphore(%run_scoped3A_220 : memref<!tpu.dma_semaphore, #tpu.memory_space<semaphore_mem>>)
      %dma_wait3A_225 = arith.constant 0 : i32
      %dma_wait3A_226 = tpu.memref_slice %arg3[%mul3A_8, %dma_wait3A_225] : memref<10240x40xf32, #tpu.memory_space<hbm>> -> memref<640x40xf32, #tpu.memory_space<hbm>>
      %dma_wait3A_227 = arith.constant 0 : i32
      %dma_wait3A_228 = tpu.memref_slice %arg3[%mul3A_8, %dma_wait3A_227] : memref<10240x40xf32, #tpu.memory_space<hbm>> -> memref<640x40xf32, #tpu.memory_space<hbm>>
      tpu.wait_dma2 semaphore(%run_scoped3A_220 : memref<!tpu.dma_semaphore, #tpu.memory_space<semaphore_mem>>) src(%dma_wait3A_228 : memref<640x40xf32, #tpu.memory_space<hbm>>) dst(%arg19 : memref<640x40xf32, #tpu.memory_space<vmem>>)
      tpu.yield
    }) : () -> ()
    %mul3A_9 = arith.constant 640 : i32
    %mul3A_10 = arith.muli %arg1, %mul3A_9 : i32
    %run_scoped3A = arith.constant 0 : i32
    "tpu.region"() ({
      %run_scoped3A_220 = tpu.sem_alloc : memref<!tpu.dma_semaphore, #tpu.memory_space<semaphore_mem>>
      %dma_start3A_221 = tpu.memref_slice %arg4[%run_scoped3A, %mul3A_10] : memref<2x10240xf32, #tpu.memory_space<hbm>> -> memref<1x640xf32, #tpu.memory_space<hbm>>
      %dma_start3A_222 = tpu.memref_squeeze %dma_start3A_221 : memref<1x640xf32, #tpu.memory_space<hbm>> -> memref<640xf32, #tpu.memory_space<hbm>>
      %dma_start3A_223 = tpu.memref_slice %arg4[%run_scoped3A, %mul3A_10] : memref<2x10240xf32, #tpu.memory_space<hbm>> -> memref<1x640xf32, #tpu.memory_space<hbm>>
      %dma_start3A_224 = tpu.memref_squeeze %dma_start3A_223 : memref<1x640xf32, #tpu.memory_space<hbm>> -> memref<640xf32, #tpu.memory_space<hbm>>
      tpu.enqueue_dma source(%dma_start3A_224 : memref<640xf32, #tpu.memory_space<hbm>>) target(%arg21 : memref<640xf32, #tpu.memory_space<vmem>>) target_semaphore(%run_scoped3A_220 : memref<!tpu.dma_semaphore, #tpu.memory_space<semaphore_mem>>)
      %dma_wait3A_225 = tpu.memref_slice %arg4[%run_scoped3A, %mul3A_10] : memref<2x10240xf32, #tpu.memory_space<hbm>> -> memref<1x640xf32, #tpu.memory_space<hbm>>
      %dma_wait3A_226 = tpu.memref_squeeze %dma_wait3A_225 : memref<1x640xf32, #tpu.memory_space<hbm>> -> memref<640xf32, #tpu.memory_space<hbm>>
      %dma_wait3A_227 = tpu.memref_slice %arg4[%run_scoped3A, %mul3A_10] : memref<2x10240xf32, #tpu.memory_space<hbm>> -> memref<1x640xf32, #tpu.memory_space<hbm>>
      %dma_wait3A_228 = tpu.memref_squeeze %dma_wait3A_227 : memref<1x640xf32, #tpu.memory_space<hbm>> -> memref<640xf32, #tpu.memory_space<hbm>>
      tpu.wait_dma2 semaphore(%run_scoped3A_220 : memref<!tpu.dma_semaphore, #tpu.memory_space<semaphore_mem>>) src(%dma_wait3A_228 : memref<640xf32, #tpu.memory_space<hbm>>) dst(%arg21 : memref<640xf32, #tpu.memory_space<vmem>>)
      tpu.yield
    }) : () -> ()
    %mul3A_11 = arith.constant 640 : i32
    %mul3A_12 = arith.muli %arg1, %mul3A_11 : i32
    %run_scoped3A_13 = arith.constant 1 : i32
    "tpu.region"() ({
      %run_scoped3A_220 = tpu.sem_alloc : memref<!tpu.dma_semaphore, #tpu.memory_space<semaphore_mem>>
      %dma_start3A_221 = tpu.memref_slice %arg4[%run_scoped3A_13, %mul3A_12] : memref<2x10240xf32, #tpu.memory_space<hbm>> -> memref<1x640xf32, #tpu.memory_space<hbm>>
      %dma_start3A_222 = tpu.memref_squeeze %dma_start3A_221 : memref<1x640xf32, #tpu.memory_space<hbm>> -> memref<640xf32, #tpu.memory_space<hbm>>
      %dma_start3A_223 = tpu.memref_slice %arg4[%run_scoped3A_13, %mul3A_12] : memref<2x10240xf32, #tpu.memory_space<hbm>> -> memref<1x640xf32, #tpu.memory_space<hbm>>
      %dma_start3A_224 = tpu.memref_squeeze %dma_start3A_223 : memref<1x640xf32, #tpu.memory_space<hbm>> -> memref<640xf32, #tpu.memory_space<hbm>>
      tpu.enqueue_dma source(%dma_start3A_224 : memref<640xf32, #tpu.memory_space<hbm>>) target(%arg22 : memref<640xf32, #tpu.memory_space<vmem>>) target_semaphore(%run_scoped3A_220 : memref<!tpu.dma_semaphore, #tpu.memory_space<semaphore_mem>>)
      %dma_wait3A_225 = tpu.memref_slice %arg4[%run_scoped3A_13, %mul3A_12] : memref<2x10240xf32, #tpu.memory_space<hbm>> -> memref<1x640xf32, #tpu.memory_space<hbm>>
      %dma_wait3A_226 = tpu.memref_squeeze %dma_wait3A_225 : memref<1x640xf32, #tpu.memory_space<hbm>> -> memref<640xf32, #tpu.memory_space<hbm>>
      %dma_wait3A_227 = tpu.memref_slice %arg4[%run_scoped3A_13, %mul3A_12] : memref<2x10240xf32, #tpu.memory_space<hbm>> -> memref<1x640xf32, #tpu.memory_space<hbm>>
      %dma_wait3A_228 = tpu.memref_squeeze %dma_wait3A_227 : memref<1x640xf32, #tpu.memory_space<hbm>> -> memref<640xf32, #tpu.memory_space<hbm>>
      tpu.wait_dma2 semaphore(%run_scoped3A_220 : memref<!tpu.dma_semaphore, #tpu.memory_space<semaphore_mem>>) src(%dma_wait3A_228 : memref<640xf32, #tpu.memory_space<hbm>>) dst(%arg22 : memref<640xf32, #tpu.memory_space<vmem>>)
      tpu.yield
    }) : () -> ()
    %scan3A = arith.constant 0 : i32
    %scan3A_14 = arith.constant 0 : i32
    %scan3A_15 = arith.constant 40 : i32
    %scan3A_16 = arith.addi %scan3A_14, %scan3A_15 : i32
    %scan3A_17 = arith.constant 1 : i32
    scf.for %scan3A_220 = %scan3A_14 to %scan3A_16 step %scan3A_17  : i32 {
      %mul3A_221 = arith.constant 16 : i32
      %mul3A_222 = arith.muli %mul3A_221, %scan3A_220 : i32
      %get3A = arith.index_cast %mul3A_222 : i32 to index
      %get3A_223 = tpu.vector_load %arg21[%get3A] {strides = array<i32>} : memref<640xf32, #tpu.memory_space<vmem>>, vector<16xf32>,
      %add3A_224 = arith.constant 1.000000e+00 : f32
      %add3A_225 = vector.broadcast %add3A_224 : f32 to vector<16xf32>
      %add3A_226 = arith.addf %add3A_225, %get3A_223 : vector<16xf32>
      %mul3A_227 = arith.constant 16 : i32
      %mul3A_228 = arith.muli %mul3A_227, %scan3A_220 : i32
      %get3A_229 = arith.index_cast %mul3A_228 : i32 to index
      %get3A_230 = tpu.vector_load %arg22[%get3A_229] {strides = array<i32>} : memref<640xf32, #tpu.memory_space<vmem>>, vector<16xf32>,
      %add3A_231 = arith.addf %add3A_226, %get3A_230 : vector<16xf32>
      %bitcast3A = vector.bitcast %add3A_231 : vector<16xf32> to vector<16xi32>
      %shift_right_arithmetic3A = arith.constant 1 : i32
      %shift_right_arithmetic3A_232 = vector.broadcast %shift_right_arithmetic3A : i32 to vector<16xi32>
      %shift_right_arithmetic3A_233 = arith.shrsi %bitcast3A, %shift_right_arithmetic3A_232 : vector<16xi32>
      %sub3A = arith.constant 1597463007 : i32
      %sub3A_234 = vector.broadcast %sub3A : i32 to vector<16xi32>
      %sub3A_235 = arith.subi %sub3A_234, %shift_right_arithmetic3A_233 : vector<16xi32>
      %bitcast3A_236 = vector.bitcast %sub3A_235 : vector<16xi32> to vector<16xf32>
      %mul3A_237 = arith.constant 5.000000e-01 : f32
      %mul3A_238 = vector.broadcast %mul3A_237 : f32 to vector<16xf32>
      %mul3A_239 = arith.mulf %mul3A_238, %add3A_231 : vector<16xf32>
      %mul3A_240 = arith.mulf %mul3A_239, %bitcast3A_236 : vector<16xf32>
      %mul3A_241 = arith.mulf %mul3A_240, %bitcast3A_236 : vector<16xf32>
      %sub3A_242 = arith.constant 1.500000e+00 : f32
      %sub3A_243 = vector.broadcast %sub3A_242 : f32 to vector<16xf32>
      %sub3A_244 = arith.subf %sub3A_243, %mul3A_241 : vector<16xf32>
      %mul3A_245 = arith.mulf %bitcast3A_236, %sub3A_244 : vector<16xf32>
      %mul3A_246 = arith.constant 5.000000e-01 : f32
      %mul3A_247 = vector.broadcast %mul3A_246 : f32 to vector<16xf32>
      %mul3A_248 = arith.mulf %mul3A_247, %add3A_231 : vector<16xf32>
      %mul3A_249 = arith.mulf %mul3A_248, %mul3A_245 : vector<16xf32>
      %mul3A_250 = arith.mulf %mul3A_249, %mul3A_245 : vector<16xf32>
      %sub3A_251 = arith.constant 1.500000e+00 : f32
      %sub3A_252 = vector.broadcast %sub3A_251 : f32 to vector<16xf32>
      %sub3A_253 = arith.subf %sub3A_252, %mul3A_250 : vector<16xf32>
      %mul3A_254 = arith.mulf %mul3A_245, %sub3A_253 : vector<16xf32>
      %mul3A_255 = arith.constant 5.000000e-01 : f32
      %mul3A_256 = vector.broadcast %mul3A_255 : f32 to vector<16xf32>
      %mul3A_257 = arith.mulf %mul3A_256, %add3A_231 : vector<16xf32>
      %mul3A_258 = arith.mulf %mul3A_257, %mul3A_254 : vector<16xf32>
      %mul3A_259 = arith.mulf %mul3A_258, %mul3A_254 : vector<16xf32>
      %sub3A_260 = arith.constant 1.500000e+00 : f32
      %sub3A_261 = vector.broadcast %sub3A_260 : f32 to vector<16xf32>
      %sub3A_262 = arith.subf %sub3A_261, %mul3A_259 : vector<16xf32>
      %mul3A_263 = arith.mulf %mul3A_254, %sub3A_262 : vector<16xf32>
      %mul3A_264 = arith.constant 16 : i32
      %mul3A_265 = arith.muli %mul3A_264, %scan3A_220 : i32
      %swap3A = arith.index_cast %mul3A_265 : i32 to index
      %swap3A_266 = tpu.vector_load %arg23[%swap3A] {strides = array<i32>} : memref<640xf32, #tpu.memory_space<vmem>>, vector<16xf32>,
      tpu.vector_store %arg23[%swap3A], %mul3A_263 {strides = array<i32>} : memref<640xf32, #tpu.memory_space<vmem>>, vector<16xf32>,
    }
    %scan3A_18 = arith.constant 40 : i32
    %scan3A_19 = arith.constant 0 : i32
    %scan3A_20 = arith.constant 0 : i32
    %scan3A_21 = arith.constant 40 : i32
    %scan3A_22 = arith.addi %scan3A_20, %scan3A_21 : i32
    %scan3A_23 = arith.constant 1 : i32
    scf.for %scan3A_220 = %scan3A_20 to %scan3A_22 step %scan3A_23  : i32 {
      %mul3A_221 = arith.constant 16 : i32
      %mul3A_222 = arith.muli %mul3A_221, %scan3A_220 : i32
      %get3A = arith.index_cast %mul3A_222 : i32 to index
      %get3A_223 = tpu.vector_load %arg23[%get3A] {strides = array<i32>} : memref<640xf32, #tpu.memory_space<vmem>>, vector<16xf32>,
      %mul3A_224 = arith.constant 16 : i32
      %mul3A_225 = arith.muli %mul3A_224, %scan3A_220 : i32
      %add3A_226 = arith.constant 0 : i32
      %add3A_227 = arith.addi %mul3A_225, %add3A_226 : i32
      %slice3A = vector.extract_strided_slice %get3A_223 {offsets = [0], sizes = [1], strides = [1]} : vector<16xf32> to vector<1xf32>
      %squeeze3A = vector.extract %slice3A[0] : f32 from vector<1xf32>
      %get3A_228 = arith.index_cast %add3A_227 : i32 to index
      %get3A_229 = arith.constant 0 : index
      %get3A_230 = tpu.vector_load %arg19[%get3A_228, %get3A_229] {strides = array<i32>} : memref<640x40xf32, #tpu.memory_space<vmem>>, vector<16xf32>,
      %mul3A_231 = vector.broadcast %squeeze3A : f32 to vector<16xf32>
      %mul3A_232 = arith.mulf %get3A_230, %mul3A_231 : vector<16xf32>
      %swap3A = arith.index_cast %add3A_227 : i32 to index
      %swap3A_233 = arith.constant 0 : index
      %swap3A_234 = tpu.vector_load %arg20[%swap3A, %swap3A_233] {strides = array<i32>} : memref<640x40xf32, #tpu.memory_space<vmem>>, vector<16xf32>,
      tpu.vector_store %arg20[%swap3A, %swap3A_233], %mul3A_232 {strides = array<i32>} : memref<640x40xf32, #tpu.memory_space<vmem>>, vector<16xf32>,
      %get3A_235 = arith.index_cast %add3A_227 : i32 to index
      %get3A_236 = arith.constant 16 : index
      %get3A_237 = tpu.vector_load %arg19[%get3A_235, %get3A_236] {strides = array<i32>} : memref<640x40xf32, #tpu.memory_space<vmem>>, vector<16xf32>,
      %mul3A_238 = vector.broadcast %squeeze3A : f32 to vector<16xf32>
      %mul3A_239 = arith.mulf %get3A_237, %mul3A_238 : vector<16xf32>
      %swap3A_240 = arith.index_cast %add3A_227 : i32 to index
      %swap3A_241 = arith.constant 16 : index
      %swap3A_242 = tpu.vector_load %arg20[%swap3A_240, %swap3A_241] {strides = array<i32>} : memref<640x40xf32, #tpu.memory_space<vmem>>, vector<16xf32>,
      tpu.vector_store %arg20[%swap3A_240, %swap3A_241], %mul3A_239 {strides = array<i32>} : memref<640x40xf32, #tpu.memory_space<vmem>>, vector<16xf32>,
      %get3A_243 = arith.index_cast %add3A_227 : i32 to index
      %get3A_244 = arith.constant 24 : index
      %get3A_245 = tpu.vector_load %arg19[%get3A_243, %get3A_244] {strides = array<i32>} : memref<640x40xf32, #tpu.memory_space<vmem>>, vector<16xf32>,
      %mul3A_246 = vector.broadcast %squeeze3A : f32 to vector<16xf32>
      %mul3A_247 = arith.mulf %get3A_245, %mul3A_246 : vector<16xf32>
      %swap3A_248 = arith.index_cast %add3A_227 : i32 to index
      %swap3A_249 = arith.constant 24 : index
      %swap3A_250 = tpu.vector_load %arg20[%swap3A_248, %swap3A_249] {strides = array<i32>} : memref<640x40xf32, #tpu.memory_space<vmem>>, vector<16xf32>,
      tpu.vector_store %arg20[%swap3A_248, %swap3A_249], %mul3A_247 {strides = array<i32>} : memref<640x40xf32, #tpu.memory_space<vmem>>, vector<16xf32>,
      %mul3A_251 = arith.constant 16 : i32
      %mul3A_252 = arith.muli %mul3A_251, %scan3A_220 : i32
      %add3A_253 = arith.constant 1 : i32
      %add3A_254 = arith.addi %mul3A_252, %add3A_253 : i32
      %slice3A_255 = vector.extract_strided_slice %get3A_223 {offsets = [1], sizes = [1], strides = [1]} : vector<16xf32> to vector<1xf32>
      %squeeze3A_256 = vector.extract %slice3A_255[0] : f32 from vector<1xf32>
      %get3A_257 = arith.index_cast %add3A_254 : i32 to index
      %get3A_258 = arith.constant 0 : index
      %get3A_259 = tpu.vector_load %arg19[%get3A_257, %get3A_258] {strides = array<i32>} : memref<640x40xf32, #tpu.memory_space<vmem>>, vector<16xf32>,
      %mul3A_260 = vector.broadcast %squeeze3A_256 : f32 to vector<16xf32>
      %mul3A_261 = arith.mulf %get3A_259, %mul3A_260 : vector<16xf32>
      %swap3A_262 = arith.index_cast %add3A_254 : i32 to index
      %swap3A_263 = arith.constant 0 : index
      %swap3A_264 = tpu.vector_load %arg20[%swap3A_262, %swap3A_263] {strides = array<i32>} : memref<640x40xf32, #tpu.memory_space<vmem>>, vector<16xf32>,
      tpu.vector_store %arg20[%swap3A_262, %swap3A_263], %mul3A_261 {strides = array<i32>} : memref<640x40xf32, #tpu.memory_space<vmem>>, vector<16xf32>,
      %get3A_265 = arith.index_cast %add3A_254 : i32 to index
      %get3A_266 = arith.constant 16 : index
      %get3A_267 = tpu.vector_load %arg19[%get3A_265, %get3A_266] {strides = array<i32>} : memref<640x40xf32, #tpu.memory_space<vmem>>, vector<16xf32>,
      %mul3A_268 = vector.broadcast %squeeze3A_256 : f32 to vector<16xf32>
      %mul3A_269 = arith.mulf %get3A_267, %mul3A_268 : vector<16xf32>
      %swap3A_270 = arith.index_cast %add3A_254 : i32 to index
      %swap3A_271 = arith.constant 16 : index
      %swap3A_272 = tpu.vector_load %arg20[%swap3A_270, %swap3A_271] {strides = array<i32>} : memref<640x40xf32, #tpu.memory_space<vmem>>, vector<16xf32>,
      tpu.vector_store %arg20[%swap3A_270, %swap3A_271], %mul3A_269 {strides = array<i32>} : memref<640x40xf32, #tpu.memory_space<vmem>>, vector<16xf32>,
      %get3A_273 = arith.index_cast %add3A_254 : i32 to index
      %get3A_274 = arith.constant 24 : index
      %get3A_275 = tpu.vector_load %arg19[%get3A_273, %get3A_274] {strides = array<i32>} : memref<640x40xf32, #tpu.memory_space<vmem>>, vector<16xf32>,
      %mul3A_276 = vector.broadcast %squeeze3A_256 : f32 to vector<16xf32>
      %mul3A_277 = arith.mulf %get3A_275, %mul3A_276 : vector<16xf32>
      %swap3A_278 = arith.index_cast %add3A_254 : i32 to index
      %swap3A_279 = arith.constant 24 : index
      %swap3A_280 = tpu.vector_load %arg20[%swap3A_278, %swap3A_279] {strides = array<i32>} : memref<640x40xf32, #tpu.memory_space<vmem>>, vector<16xf32>,
      tpu.vector_store %arg20[%swap3A_278, %swap3A_279], %mul3A_277 {strides = array<i32>} : memref<640x40xf32, #tpu.memory_space<vmem>>, vector<16xf32>,
      %mul3A_281 = arith.constant 16 : i32
      %mul3A_282 = arith.muli %mul3A_281, %scan3A_220 : i32
      %add3A_283 = arith.constant 2 : i32
      %add3A_284 = arith.addi %mul3A_282, %add3A_283 : i32
      %slice3A_285 = vector.extract_strided_slice %get3A_223 {offsets = [2], sizes = [1], strides = [1]} : vector<16xf32> to vector<1xf32>
      %squeeze3A_286 = vector.extract %slice3A_285[0] : f32 from vector<1xf32>
      %get3A_287 = arith.index_cast %add3A_284 : i32 to index
      %get3A_288 = arith.constant 0 : index
      %get3A_289 = tpu.vector_load %arg19[%get3A_287, %get3A_288] {strides = array<i32>} : memref<640x40xf32, #tpu.memory_space<vmem>>, vector<16xf32>,
      %mul3A_290 = vector.broadcast %squeeze3A_286 : f32 to vector<16xf32>
      %mul3A_291 = arith.mulf %get3A_289, %mul3A_290 : vector<16xf32>
      %swap3A_292 = arith.index_cast %add3A_284 : i32 to index
      %swap3A_293 = arith.constant 0 : index
      %swap3A_294 = tpu.vector_load %arg20[%swap3A_292, %swap3A_293] {strides = array<i32>} : memref<640x40xf32, #tpu.memory_space<vmem>>, vector<16xf32>,
      tpu.vector_store %arg20[%swap3A_292, %swap3A_293], %mul3A_291 {strides = array<i32>} : memref<640x40xf32, #tpu.memory_space<vmem>>, vector<16xf32>,
      %get3A_295 = arith.index_cast %add3A_284 : i32 to index
      %get3A_296 = arith.constant 16 : index
      %get3A_297 = tpu.vector_load %arg19[%get3A_295, %get3A_296] {strides = array<i32>} : memref<640x40xf32, #tpu.memory_space<vmem>>, vector<16xf32>,
      %mul3A_298 = vector.broadcast %squeeze3A_286 : f32 to vector<16xf32>
      %mul3A_299 = arith.mulf %get3A_297, %mul3A_298 : vector<16xf32>
      %swap3A_300 = arith.index_cast %add3A_284 : i32 to index
      %swap3A_301 = arith.constant 16 : index
      %swap3A_302 = tpu.vector_load %arg20[%swap3A_300, %swap3A_301] {strides = array<i32>} : memref<640x40xf32, #tpu.memory_space<vmem>>, vector<16xf32>,
      tpu.vector_store %arg20[%swap3A_300, %swap3A_301], %mul3A_299 {strides = array<i32>} : memref<640x40xf32, #tpu.memory_space<vmem>>, vector<16xf32>,
      %get3A_303 = arith.index_cast %add3A_284 : i32 to index
      %get3A_304 = arith.constant 24 : index
      %get3A_305 = tpu.vector_load %arg19[%get3A_303, %get3A_304] {strides = array<i32>} : memref<640x40xf32, #tpu.memory_space<vmem>>, vector<16xf32>,
      %mul3A_306 = vector.broadcast %squeeze3A_286 : f32 to vector<16xf32>
      %mul3A_307 = arith.mulf %get3A_305, %mul3A_306 : vector<16xf32>
      %swap3A_308 = arith.index_cast %add3A_284 : i32 to index
      %swap3A_309 = arith.constant 24 : index
      %swap3A_310 = tpu.vector_load %arg20[%swap3A_308, %swap3A_309] {strides = array<i32>} : memref<640x40xf32, #tpu.memory_space<vmem>>, vector<16xf32>,
      tpu.vector_store %arg20[%swap3A_308, %swap3A_309], %mul3A_307 {strides = array<i32>} : memref<640x40xf32, #tpu.memory_space<vmem>>, vector<16xf32>,
      %mul3A_311 = arith.constant 16 : i32
      %mul3A_312 = arith.muli %mul3A_311, %scan3A_220 : i32
      %add3A_313 = arith.constant 3 : i32
      %add3A_314 = arith.addi %mul3A_312, %add3A_313 : i32
      %slice3A_315 = vector.extract_strided_slice %get3A_223 {offsets = [3], sizes = [1], strides = [1]} : vector<16xf32> to vector<1xf32>
      %squeeze3A_316 = vector.extract %slice3A_315[0] : f32 from vector<1xf32>
      %get3A_317 = arith.index_cast %add3A_314 : i32 to index
      %get3A_318 = arith.constant 0 : index
      %get3A_319 = tpu.vector_load %arg19[%get3A_317, %get3A_318] {strides = array<i32>} : memref<640x40xf32, #tpu.memory_space<vmem>>, vector<16xf32>,
      %mul3A_320 = vector.broadcast %squeeze3A_316 : f32 to vector<16xf32>
      %mul3A_321 = arith.mulf %get3A_319, %mul3A_320 : vector<16xf32>
      %swap3A_322 = arith.index_cast %add3A_314 : i32 to index
      %swap3A_323 = arith.constant 0 : index
      %swap3A_324 = tpu.vector_load %arg20[%swap3A_322, %swap3A_323] {strides = array<i32>} : memref<640x40xf32, #tpu.memory_space<vmem>>, vector<16xf32>,
      tpu.vector_store %arg20[%swap3A_322, %swap3A_323], %mul3A_321 {strides = array<i32>} : memref<640x40xf32, #tpu.memory_space<vmem>>, vector<16xf32>,
      %get3A_325 = arith.index_cast %add3A_314 : i32 to index
      %get3A_326 = arith.constant 16 : index
      %get3A_327 = tpu.vector_load %arg19[%get3A_325, %get3A_326] {strides = array<i32>} : memref<640x40xf32, #tpu.memory_space<vmem>>, vector<16xf32>,
      %mul3A_328 = vector.broadcast %squeeze3A_316 : f32 to vector<16xf32>
      %mul3A_329 = arith.mulf %get3A_327, %mul3A_328 : vector<16xf32>
      %swap3A_330 = arith.index_cast %add3A_314 : i32 to index
      %swap3A_331 = arith.constant 16 : index
      %swap3A_332 = tpu.vector_load %arg20[%swap3A_330, %swap3A_331] {strides = array<i32>} : memref<640x40xf32, #tpu.memory_space<vmem>>, vector<16xf32>,
      tpu.vector_store %arg20[%swap3A_330, %swap3A_331], %mul3A_329 {strides = array<i32>} : memref<640x40xf32, #tpu.memory_space<vmem>>, vector<16xf32>,
      %get3A_333 = arith.index_cast %add3A_314 : i32 to index
      %get3A_334 = arith.constant 24 : index
      %get3A_335 = tpu.vector_load %arg19[%get3A_333, %get3A_334] {strides = array<i32>} : memref<640x40xf32, #tpu.memory_space<vmem>>, vector<16xf32>,
      %mul3A_336 = vector.broadcast %squeeze3A_316 : f32 to vector<16xf32>
      %mul3A_337 = arith.mulf %get3A_335, %mul3A_336 : vector<16xf32>
      %swap3A_338 = arith.index_cast %add3A_314 : i32 to index
      %swap3A_339 = arith.constant 24 : index
      %swap3A_340 = tpu.vector_load %arg20[%swap3A_338, %swap3A_339] {strides = array<i32>} : memref<640x40xf32, #tpu.memory_space<vmem>>, vector<16xf32>,
      tpu.vector_store %arg20[%swap3A_338, %swap3A_339], %mul3A_337 {strides = array<i32>} : memref<640x40xf32, #tpu.memory_space<vmem>>, vector<16xf32>,
      %mul3A_341 = arith.constant 16 : i32
      %mul3A_342 = arith.muli %mul3A_341, %scan3A_220 : i32
      %add3A_343 = arith.constant 4 : i32
      %add3A_344 = arith.addi %mul3A_342, %add3A_343 : i32
      %slice3A_345 = vector.extract_strided_slice %get3A_223 {offsets = [4], sizes = [1], strides = [1]} : vector<16xf32> to vector<1xf32>
      %squeeze3A_346 = vector.extract %slice3A_345[0] : f32 from vector<1xf32>
      %get3A_347 = arith.index_cast %add3A_344 : i32 to index
      %get3A_348 = arith.constant 0 : index
      %get3A_349 = tpu.vector_load %arg19[%get3A_347, %get3A_348] {strides = array<i32>} : memref<640x40xf32, #tpu.memory_space<vmem>>, vector<16xf32>,
      %mul3A_350 = vector.broadcast %squeeze3A_346 : f32 to vector<16xf32>
      %mul3A_351 = arith.mulf %get3A_349, %mul3A_350 : vector<16xf32>
      %swap3A_352 = arith.index_cast %add3A_344 : i32 to index
      %swap3A_353 = arith.constant 0 : index
      %swap3A_354 = tpu.vector_load %arg20[%swap3A_352, %swap3A_353] {strides = array<i32>} : memref<640x40xf32, #tpu.memory_space<vmem>>, vector<16xf32>,
      tpu.vector_store %arg20[%swap3A_352, %swap3A_353], %mul3A_351 {strides = array<i32>} : memref<640x40xf32, #tpu.memory_space<vmem>>, vector<16xf32>,
      %get3A_355 = arith.index_cast %add3A_344 : i32 to index
      %get3A_356 = arith.constant 16 : index
      %get3A_357 = tpu.vector_load %arg19[%get3A_355, %get3A_356] {strides = array<i32>} : memref<640x40xf32, #tpu.memory_space<vmem>>, vector<16xf32>,
      %mul3A_358 = vector.broadcast %squeeze3A_346 : f32 to vector<16xf32>
      %mul3A_359 = arith.mulf %get3A_357, %mul3A_358 : vector<16xf32>
      %swap3A_360 = arith.index_cast %add3A_344 : i32 to index
      %swap3A_361 = arith.constant 16 : index
      %swap3A_362 = tpu.vector_load %arg20[%swap3A_360, %swap3A_361] {strides = array<i32>} : memref<640x40xf32, #tpu.memory_space<vmem>>, vector<16xf32>,
      tpu.vector_store %arg20[%swap3A_360, %swap3A_361], %mul3A_359 {strides = array<i32>} : memref<640x40xf32, #tpu.memory_space<vmem>>, vector<16xf32>,
      %get3A_363 = arith.index_cast %add3A_344 : i32 to index
      %get3A_364 = arith.constant 24 : index
      %get3A_365 = tpu.vector_load %arg19[%get3A_363, %get3A_364] {strides = array<i32>} : memref<640x40xf32, #tpu.memory_space<vmem>>, vector<16xf32>,
      %mul3A_366 = vector.broadcast %squeeze3A_346 : f32 to vector<16xf32>
      %mul3A_367 = arith.mulf %get3A_365, %mul3A_366 : vector<16xf32>
      %swap3A_368 = arith.index_cast %add3A_344 : i32 to index
      %swap3A_369 = arith.constant 24 : index
      %swap3A_370 = tpu.vector_load %arg20[%swap3A_368, %swap3A_369] {strides = array<i32>} : memref<640x40xf32, #tpu.memory_space<vmem>>, vector<16xf32>,
      tpu.vector_store %arg20[%swap3A_368, %swap3A_369], %mul3A_367 {strides = array<i32>} : memref<640x40xf32, #tpu.memory_space<vmem>>, vector<16xf32>,
      %mul3A_371 = arith.constant 16 : i32
      %mul3A_372 = arith.muli %mul3A_371, %scan3A_220 : i32
      %add3A_373 = arith.constant 5 : i32
      %add3A_374 = arith.addi %mul3A_372, %add3A_373 : i32
      %slice3A_375 = vector.extract_strided_slice %get3A_223 {offsets = [5], sizes = [1], strides = [1]} : vector<16xf32> to vector<1xf32>
      %squeeze3A_376 = vector.extract %slice3A_375[0] : f32 from vector<1xf32>
      %get3A_377 = arith.index_cast %add3A_374 : i32 to index
      %get3A_378 = arith.constant 0 : index
      %get3A_379 = tpu.vector_load %arg19[%get3A_377, %get3A_378] {strides = array<i32>} : memref<640x40xf32, #tpu.memory_space<vmem>>, vector<16xf32>,
      %mul3A_380 = vector.broadcast %squeeze3A_376 : f32 to vector<16xf32>
      %mul3A_381 = arith.mulf %get3A_379, %mul3A_380 : vector<16xf32>
      %swap3A_382 = arith.index_cast %add3A_374 : i32 to index
      %swap3A_383 = arith.constant 0 : index
      %swap3A_384 = tpu.vector_load %arg20[%swap3A_382, %swap3A_383] {strides = array<i32>} : memref<640x40xf32, #tpu.memory_space<vmem>>, vector<16xf32>,
      tpu.vector_store %arg20[%swap3A_382, %swap3A_383], %mul3A_381 {strides = array<i32>} : memref<640x40xf32, #tpu.memory_space<vmem>>, vector<16xf32>,
      %get3A_385 = arith.index_cast %add3A_374 : i32 to index
      %get3A_386 = arith.constant 16 : index
      %get3A_387 = tpu.vector_load %arg19[%get3A_385, %get3A_386] {strides = array<i32>} : memref<640x40xf32, #tpu.memory_space<vmem>>, vector<16xf32>,
      %mul3A_388 = vector.broadcast %squeeze3A_376 : f32 to vector<16xf32>
      %mul3A_389 = arith.mulf %get3A_387, %mul3A_388 : vector<16xf32>
      %swap3A_390 = arith.index_cast %add3A_374 : i32 to index
      %swap3A_391 = arith.constant 16 : index
      %swap3A_392 = tpu.vector_load %arg20[%swap3A_390, %swap3A_391] {strides = array<i32>} : memref<640x40xf32, #tpu.memory_space<vmem>>, vector<16xf32>,
      tpu.vector_store %arg20[%swap3A_390, %swap3A_391], %mul3A_389 {strides = array<i32>} : memref<640x40xf32, #tpu.memory_space<vmem>>, vector<16xf32>,
      %get3A_393 = arith.index_cast %add3A_374 : i32 to index
      %get3A_394 = arith.constant 24 : index
      %get3A_395 = tpu.vector_load %arg19[%get3A_393, %get3A_394] {strides = array<i32>} : memref<640x40xf32, #tpu.memory_space<vmem>>, vector<16xf32>,
      %mul3A_396 = vector.broadcast %squeeze3A_376 : f32 to vector<16xf32>
      %mul3A_397 = arith.mulf %get3A_395, %mul3A_396 : vector<16xf32>
      %swap3A_398 = arith.index_cast %add3A_374 : i32 to index
      %swap3A_399 = arith.constant 24 : index
      %swap3A_400 = tpu.vector_load %arg20[%swap3A_398, %swap3A_399] {strides = array<i32>} : memref<640x40xf32, #tpu.memory_space<vmem>>, vector<16xf32>,
      tpu.vector_store %arg20[%swap3A_398, %swap3A_399], %mul3A_397 {strides = array<i32>} : memref<640x40xf32, #tpu.memory_space<vmem>>, vector<16xf32>,
      %mul3A_401 = arith.constant 16 : i32
      %mul3A_402 = arith.muli %mul3A_401, %scan3A_220 : i32
      %add3A_403 = arith.constant 6 : i32
      %add3A_404 = arith.addi %mul3A_402, %add3A_403 : i32
      %slice3A_405 = vector.extract_strided_slice %get3A_223 {offsets = [6], sizes = [1], strides = [1]} : vector<16xf32> to vector<1xf32>
      %squeeze3A_406 = vector.extract %slice3A_405[0] : f32 from vector<1xf32>
      %get3A_407 = arith.index_cast %add3A_404 : i32 to index
      %get3A_408 = arith.constant 0 : index
      %get3A_409 = tpu.vector_load %arg19[%get3A_407, %get3A_408] {strides = array<i32>} : memref<640x40xf32, #tpu.memory_space<vmem>>, vector<16xf32>,
      %mul3A_410 = vector.broadcast %squeeze3A_406 : f32 to vector<16xf32>
      %mul3A_411 = arith.mulf %get3A_409, %mul3A_410 : vector<16xf32>
      %swap3A_412 = arith.index_cast %add3A_404 : i32 to index
      %swap3A_413 = arith.constant 0 : index
      %swap3A_414 = tpu.vector_load %arg20[%swap3A_412, %swap3A_413] {strides = array<i32>} : memref<640x40xf32, #tpu.memory_space<vmem>>, vector<16xf32>,
      tpu.vector_store %arg20[%swap3A_412, %swap3A_413], %mul3A_411 {strides = array<i32>} : memref<640x40xf32, #tpu.memory_space<vmem>>, vector<16xf32>,
      %get3A_415 = arith.index_cast %add3A_404 : i32 to index
      %get3A_416 = arith.constant 16 : index
      %get3A_417 = tpu.vector_load %arg19[%get3A_415, %get3A_416] {strides = array<i32>} : memref<640x40xf32, #tpu.memory_space<vmem>>, vector<16xf32>,
      %mul3A_418 = vector.broadcast %squeeze3A_406 : f32 to vector<16xf32>
      %mul3A_419 = arith.mulf %get3A_417, %mul3A_418 : vector<16xf32>
      %swap3A_420 = arith.index_cast %add3A_404 : i32 to index
      %swap3A_421 = arith.constant 16 : index
      %swap3A_422 = tpu.vector_load %arg20[%swap3A_420, %swap3A_421] {strides = array<i32>} : memref<640x40xf32, #tpu.memory_space<vmem>>, vector<16xf32>,
      tpu.vector_store %arg20[%swap3A_420, %swap3A_421], %mul3A_419 {strides = array<i32>} : memref<640x40xf32, #tpu.memory_space<vmem>>, vector<16xf32>,
      %get3A_423 = arith.index_cast %add3A_404 : i32 to index
      %get3A_424 = arith.constant 24 : index
      %get3A_425 = tpu.vector_load %arg19[%get3A_423, %get3A_424] {strides = array<i32>} : memref<640x40xf32, #tpu.memory_space<vmem>>, vector<16xf32>,
      %mul3A_426 = vector.broadcast %squeeze3A_406 : f32 to vector<16xf32>
      %mul3A_427 = arith.mulf %get3A_425, %mul3A_426 : vector<16xf32>
      %swap3A_428 = arith.index_cast %add3A_404 : i32 to index
      %swap3A_429 = arith.constant 24 : index
      %swap3A_430 = tpu.vector_load %arg20[%swap3A_428, %swap3A_429] {strides = array<i32>} : memref<640x40xf32, #tpu.memory_space<vmem>>, vector<16xf32>,
      tpu.vector_store %arg20[%swap3A_428, %swap3A_429], %mul3A_427 {strides = array<i32>} : memref<640x40xf32, #tpu.memory_space<vmem>>, vector<16xf32>,
      %mul3A_431 = arith.constant 16 : i32
      %mul3A_432 = arith.muli %mul3A_431, %scan3A_220 : i32
      %add3A_433 = arith.constant 7 : i32
      %add3A_434 = arith.addi %mul3A_432, %add3A_433 : i32
      %slice3A_435 = vector.extract_strided_slice %get3A_223 {offsets = [7], sizes = [1], strides = [1]} : vector<16xf32> to vector<1xf32>
      %squeeze3A_436 = vector.extract %slice3A_435[0] : f32 from vector<1xf32>
      %get3A_437 = arith.index_cast %add3A_434 : i32 to index
      %get3A_438 = arith.constant 0 : index
      %get3A_439 = tpu.vector_load %arg19[%get3A_437, %get3A_438] {strides = array<i32>} : memref<640x40xf32, #tpu.memory_space<vmem>>, vector<16xf32>,
      %mul3A_440 = vector.broadcast %squeeze3A_436 : f32 to vector<16xf32>
      %mul3A_441 = arith.mulf %get3A_439, %mul3A_440 : vector<16xf32>
      %swap3A_442 = arith.index_cast %add3A_434 : i32 to index
      %swap3A_443 = arith.constant 0 : index
      %swap3A_444 = tpu.vector_load %arg20[%swap3A_442, %swap3A_443] {strides = array<i32>} : memref<640x40xf32, #tpu.memory_space<vmem>>, vector<16xf32>,
      tpu.vector_store %arg20[%swap3A_442, %swap3A_443], %mul3A_441 {strides = array<i32>} : memref<640x40xf32, #tpu.memory_space<vmem>>, vector<16xf32>,
      %get3A_445 = arith.index_cast %add3A_434 : i32 to index
      %get3A_446 = arith.constant 16 : index
      %get3A_447 = tpu.vector_load %arg19[%get3A_445, %get3A_446] {strides = array<i32>} : memref<640x40xf32, #tpu.memory_space<vmem>>, vector<16xf32>,
      %mul3A_448 = vector.broadcast %squeeze3A_436 : f32 to vector<16xf32>
      %mul3A_449 = arith.mulf %get3A_447, %mul3A_448 : vector<16xf32>
      %swap3A_450 = arith.index_cast %add3A_434 : i32 to index
      %swap3A_451 = arith.constant 16 : index
      %swap3A_452 = tpu.vector_load %arg20[%swap3A_450, %swap3A_451] {strides = array<i32>} : memref<640x40xf32, #tpu.memory_space<vmem>>, vector<16xf32>,
      tpu.vector_store %arg20[%swap3A_450, %swap3A_451], %mul3A_449 {strides = array<i32>} : memref<640x40xf32, #tpu.memory_space<vmem>>, vector<16xf32>,
      %get3A_453 = arith.index_cast %add3A_434 : i32 to index
      %get3A_454 = arith.constant 24 : index
      %get3A_455 = tpu.vector_load %arg19[%get3A_453, %get3A_454] {strides = array<i32>} : memref<640x40xf32, #tpu.memory_space<vmem>>, vector<16xf32>,
      %mul3A_456 = vector.broadcast %squeeze3A_436 : f32 to vector<16xf32>
      %mul3A_457 = arith.mulf %get3A_455, %mul3A_456 : vector<16xf32>
      %swap3A_458 = arith.index_cast %add3A_434 : i32 to index
      %swap3A_459 = arith.constant 24 : index
      %swap3A_460 = tpu.vector_load %arg20[%swap3A_458, %swap3A_459] {strides = array<i32>} : memref<640x40xf32, #tpu.memory_space<vmem>>, vector<16xf32>,
      tpu.vector_store %arg20[%swap3A_458, %swap3A_459], %mul3A_457 {strides = array<i32>} : memref<640x40xf32, #tpu.memory_space<vmem>>, vector<16xf32>,
      %mul3A_461 = arith.constant 16 : i32
      %mul3A_462 = arith.muli %mul3A_461, %scan3A_220 : i32
      %add3A_463 = arith.constant 8 : i32
      %add3A_464 = arith.addi %mul3A_462, %add3A_463 : i32
      %slice3A_465 = vector.extract_strided_slice %get3A_223 {offsets = [8], sizes = [1], strides = [1]} : vector<16xf32> to vector<1xf32>
      %squeeze3A_466 = vector.extract %slice3A_465[0] : f32 from vector<1xf32>
      %get3A_467 = arith.index_cast %add3A_464 : i32 to index
      %get3A_468 = arith.constant 0 : index
      %get3A_469 = tpu.vector_load %arg19[%get3A_467, %get3A_468] {strides = array<i32>} : memref<640x40xf32, #tpu.memory_space<vmem>>, vector<16xf32>,
      %mul3A_470 = vector.broadcast %squeeze3A_466 : f32 to vector<16xf32>
      %mul3A_471 = arith.mulf %get3A_469, %mul3A_470 : vector<16xf32>
      %swap3A_472 = arith.index_cast %add3A_464 : i32 to index
      %swap3A_473 = arith.constant 0 : index
      %swap3A_474 = tpu.vector_load %arg20[%swap3A_472, %swap3A_473] {strides = array<i32>} : memref<640x40xf32, #tpu.memory_space<vmem>>, vector<16xf32>,
      tpu.vector_store %arg20[%swap3A_472, %swap3A_473], %mul3A_471 {strides = array<i32>} : memref<640x40xf32, #tpu.memory_space<vmem>>, vector<16xf32>,
      %get3A_475 = arith.index_cast %add3A_464 : i32 to index
      %get3A_476 = arith.constant 16 : index
      %get3A_477 = tpu.vector_load %arg19[%get3A_475, %get3A_476] {strides = array<i32>} : memref<640x40xf32, #tpu.memory_space<vmem>>, vector<16xf32>,
      %mul3A_478 = vector.broadcast %squeeze3A_466 : f32 to vector<16xf32>
      %mul3A_479 = arith.mulf %get3A_477, %mul3A_478 : vector<16xf32>
      %swap3A_480 = arith.index_cast %add3A_464 : i32 to index
      %swap3A_481 = arith.constant 16 : index
      %swap3A_482 = tpu.vector_load %arg20[%swap3A_480, %swap3A_481] {strides = array<i32>} : memref<640x40xf32, #tpu.memory_space<vmem>>, vector<16xf32>,
      tpu.vector_store %arg20[%swap3A_480, %swap3A_481], %mul3A_479 {strides = array<i32>} : memref<640x40xf32, #tpu.memory_space<vmem>>, vector<16xf32>,
      %get3A_483 = arith.index_cast %add3A_464 : i32 to index
      %get3A_484 = arith.constant 24 : index
      %get3A_485 = tpu.vector_load %arg19[%get3A_483, %get3A_484] {strides = array<i32>} : memref<640x40xf32, #tpu.memory_space<vmem>>, vector<16xf32>,
      %mul3A_486 = vector.broadcast %squeeze3A_466 : f32 to vector<16xf32>
      %mul3A_487 = arith.mulf %get3A_485, %mul3A_486 : vector<16xf32>
      %swap3A_488 = arith.index_cast %add3A_464 : i32 to index
      %swap3A_489 = arith.constant 24 : index
      %swap3A_490 = tpu.vector_load %arg20[%swap3A_488, %swap3A_489] {strides = array<i32>} : memref<640x40xf32, #tpu.memory_space<vmem>>, vector<16xf32>,
      tpu.vector_store %arg20[%swap3A_488, %swap3A_489], %mul3A_487 {strides = array<i32>} : memref<640x40xf32, #tpu.memory_space<vmem>>, vector<16xf32>,
      %mul3A_491 = arith.constant 16 : i32
      %mul3A_492 = arith.muli %mul3A_491, %scan3A_220 : i32
      %add3A_493 = arith.constant 9 : i32
      %add3A_494 = arith.addi %mul3A_492, %add3A_493 : i32
      %slice3A_495 = vector.extract_strided_slice %get3A_223 {offsets = [9], sizes = [1], strides = [1]} : vector<16xf32> to vector<1xf32>
      %squeeze3A_496 = vector.extract %slice3A_495[0] : f32 from vector<1xf32>
      %get3A_497 = arith.index_cast %add3A_494 : i32 to index
      %get3A_498 = arith.constant 0 : index
      %get3A_499 = tpu.vector_load %arg19[%get3A_497, %get3A_498] {strides = array<i32>} : memref<640x40xf32, #tpu.memory_space<vmem>>, vector<16xf32>,
      %mul3A_500 = vector.broadcast %squeeze3A_496 : f32 to vector<16xf32>
      %mul3A_501 = arith.mulf %get3A_499, %mul3A_500 : vector<16xf32>
      %swap3A_502 = arith.index_cast %add3A_494 : i32 to index
      %swap3A_503 = arith.constant 0 : index
      %swap3A_504 = tpu.vector_load %arg20[%swap3A_502, %swap3A_503] {strides = array<i32>} : memref<640x40xf32, #tpu.memory_space<vmem>>, vector<16xf32>,
      tpu.vector_store %arg20[%swap3A_502, %swap3A_503], %mul3A_501 {strides = array<i32>} : memref<640x40xf32, #tpu.memory_space<vmem>>, vector<16xf32>,
      %get3A_505 = arith.index_cast %add3A_494 : i32 to index
      %get3A_506 = arith.constant 16 : index
      %get3A_507 = tpu.vector_load %arg19[%get3A_505, %get3A_506] {strides = array<i32>} : memref<640x40xf32, #tpu.memory_space<vmem>>, vector<16xf32>,
      %mul3A_508 = vector.broadcast %squeeze3A_496 : f32 to vector<16xf32>
      %mul3A_509 = arith.mulf %get3A_507, %mul3A_508 : vector<16xf32>
      %swap3A_510 = arith.index_cast %add3A_494 : i32 to index
      %swap3A_511 = arith.constant 16 : index
      %swap3A_512 = tpu.vector_load %arg20[%swap3A_510, %swap3A_511] {strides = array<i32>} : memref<640x40xf32, #tpu.memory_space<vmem>>, vector<16xf32>,
      tpu.vector_store %arg20[%swap3A_510, %swap3A_511], %mul3A_509 {strides = array<i32>} : memref<640x40xf32, #tpu.memory_space<vmem>>, vector<16xf32>,
      %get3A_513 = arith.index_cast %add3A_494 : i32 to index
      %get3A_514 = arith.constant 24 : index
      %get3A_515 = tpu.vector_load %arg19[%get3A_513, %get3A_514] {strides = array<i32>} : memref<640x40xf32, #tpu.memory_space<vmem>>, vector<16xf32>,
      %mul3A_516 = vector.broadcast %squeeze3A_496 : f32 to vector<16xf32>
      %mul3A_517 = arith.mulf %get3A_515, %mul3A_516 : vector<16xf32>
      %swap3A_518 = arith.index_cast %add3A_494 : i32 to index
      %swap3A_519 = arith.constant 24 : index
      %swap3A_520 = tpu.vector_load %arg20[%swap3A_518, %swap3A_519] {strides = array<i32>} : memref<640x40xf32, #tpu.memory_space<vmem>>, vector<16xf32>,
      tpu.vector_store %arg20[%swap3A_518, %swap3A_519], %mul3A_517 {strides = array<i32>} : memref<640x40xf32, #tpu.memory_space<vmem>>, vector<16xf32>,
      %mul3A_521 = arith.constant 16 : i32
      %mul3A_522 = arith.muli %mul3A_521, %scan3A_220 : i32
      %add3A_523 = arith.constant 10 : i32
      %add3A_524 = arith.addi %mul3A_522, %add3A_523 : i32
      %slice3A_525 = vector.extract_strided_slice %get3A_223 {offsets = [10], sizes = [1], strides = [1]} : vector<16xf32> to vector<1xf32>
      %squeeze3A_526 = vector.extract %slice3A_525[0] : f32 from vector<1xf32>
      %get3A_527 = arith.index_cast %add3A_524 : i32 to index
      %get3A_528 = arith.constant 0 : index
      %get3A_529 = tpu.vector_load %arg19[%get3A_527, %get3A_528] {strides = array<i32>} : memref<640x40xf32, #tpu.memory_space<vmem>>, vector<16xf32>,
      %mul3A_530 = vector.broadcast %squeeze3A_526 : f32 to vector<16xf32>
      %mul3A_531 = arith.mulf %get3A_529, %mul3A_530 : vector<16xf32>
      %swap3A_532 = arith.index_cast %add3A_524 : i32 to index
      %swap3A_533 = arith.constant 0 : index
      %swap3A_534 = tpu.vector_load %arg20[%swap3A_532, %swap3A_533] {strides = array<i32>} : memref<640x40xf32, #tpu.memory_space<vmem>>, vector<16xf32>,
      tpu.vector_store %arg20[%swap3A_532, %swap3A_533], %mul3A_531 {strides = array<i32>} : memref<640x40xf32, #tpu.memory_space<vmem>>, vector<16xf32>,
      %get3A_535 = arith.index_cast %add3A_524 : i32 to index
      %get3A_536 = arith.constant 16 : index
      %get3A_537 = tpu.vector_load %arg19[%get3A_535, %get3A_536] {strides = array<i32>} : memref<640x40xf32, #tpu.memory_space<vmem>>, vector<16xf32>,
      %mul3A_538 = vector.broadcast %squeeze3A_526 : f32 to vector<16xf32>
      %mul3A_539 = arith.mulf %get3A_537, %mul3A_538 : vector<16xf32>
      %swap3A_540 = arith.index_cast %add3A_524 : i32 to index
      %swap3A_541 = arith.constant 16 : index
      %swap3A_542 = tpu.vector_load %arg20[%swap3A_540, %swap3A_541] {strides = array<i32>} : memref<640x40xf32, #tpu.memory_space<vmem>>, vector<16xf32>,
      tpu.vector_store %arg20[%swap3A_540, %swap3A_541], %mul3A_539 {strides = array<i32>} : memref<640x40xf32, #tpu.memory_space<vmem>>, vector<16xf32>,
      %get3A_543 = arith.index_cast %add3A_524 : i32 to index
      %get3A_544 = arith.constant 24 : index
      %get3A_545 = tpu.vector_load %arg19[%get3A_543, %get3A_544] {strides = array<i32>} : memref<640x40xf32, #tpu.memory_space<vmem>>, vector<16xf32>,
      %mul3A_546 = vector.broadcast %squeeze3A_526 : f32 to vector<16xf32>
      %mul3A_547 = arith.mulf %get3A_545, %mul3A_546 : vector<16xf32>
      %swap3A_548 = arith.index_cast %add3A_524 : i32 to index
      %swap3A_549 = arith.constant 24 : index
      %swap3A_550 = tpu.vector_load %arg20[%swap3A_548, %swap3A_549] {strides = array<i32>} : memref<640x40xf32, #tpu.memory_space<vmem>>, vector<16xf32>,
      tpu.vector_store %arg20[%swap3A_548, %swap3A_549], %mul3A_547 {strides = array<i32>} : memref<640x40xf32, #tpu.memory_space<vmem>>, vector<16xf32>,
      %mul3A_551 = arith.constant 16 : i32
      %mul3A_552 = arith.muli %mul3A_551, %scan3A_220 : i32
      %add3A_553 = arith.constant 11 : i32
      %add3A_554 = arith.addi %mul3A_552, %add3A_553 : i32
      %slice3A_555 = vector.extract_strided_slice %get3A_223 {offsets = [11], sizes = [1], strides = [1]} : vector<16xf32> to vector<1xf32>
      %squeeze3A_556 = vector.extract %slice3A_555[0] : f32 from vector<1xf32>
      %get3A_557 = arith.index_cast %add3A_554 : i32 to index
      %get3A_558 = arith.constant 0 : index
      %get3A_559 = tpu.vector_load %arg19[%get3A_557, %get3A_558] {strides = array<i32>} : memref<640x40xf32, #tpu.memory_space<vmem>>, vector<16xf32>,
      %mul3A_560 = vector.broadcast %squeeze3A_556 : f32 to vector<16xf32>
      %mul3A_561 = arith.mulf %get3A_559, %mul3A_560 : vector<16xf32>
      %swap3A_562 = arith.index_cast %add3A_554 : i32 to index
      %swap3A_563 = arith.constant 0 : index
      %swap3A_564 = tpu.vector_load %arg20[%swap3A_562, %swap3A_563] {strides = array<i32>} : memref<640x40xf32, #tpu.memory_space<vmem>>, vector<16xf32>,
      tpu.vector_store %arg20[%swap3A_562, %swap3A_563], %mul3A_561 {strides = array<i32>} : memref<640x40xf32, #tpu.memory_space<vmem>>, vector<16xf32>,
      %get3A_565 = arith.index_cast %add3A_554 : i32 to index
      %get3A_566 = arith.constant 16 : index
      %get3A_567 = tpu.vector_load %arg19[%get3A_565, %get3A_566] {strides = array<i32>} : memref<640x40xf32, #tpu.memory_space<vmem>>, vector<16xf32>,
      %mul3A_568 = vector.broadcast %squeeze3A_556 : f32 to vector<16xf32>
      %mul3A_569 = arith.mulf %get3A_567, %mul3A_568 : vector<16xf32>
      %swap3A_570 = arith.index_cast %add3A_554 : i32 to index
      %swap3A_571 = arith.constant 16 : index
      %swap3A_572 = tpu.vector_load %arg20[%swap3A_570, %swap3A_571] {strides = array<i32>} : memref<640x40xf32, #tpu.memory_space<vmem>>, vector<16xf32>,
      tpu.vector_store %arg20[%swap3A_570, %swap3A_571], %mul3A_569 {strides = array<i32>} : memref<640x40xf32, #tpu.memory_space<vmem>>, vector<16xf32>,
      %get3A_573 = arith.index_cast %add3A_554 : i32 to index
      %get3A_574 = arith.constant 24 : index
      %get3A_575 = tpu.vector_load %arg19[%get3A_573, %get3A_574] {strides = array<i32>} : memref<640x40xf32, #tpu.memory_space<vmem>>, vector<16xf32>,
      %mul3A_576 = vector.broadcast %squeeze3A_556 : f32 to vector<16xf32>
      %mul3A_577 = arith.mulf %get3A_575, %mul3A_576 : vector<16xf32>
      %swap3A_578 = arith.index_cast %add3A_554 : i32 to index
      %swap3A_579 = arith.constant 24 : index
      %swap3A_580 = tpu.vector_load %arg20[%swap3A_578, %swap3A_579] {strides = array<i32>} : memref<640x40xf32, #tpu.memory_space<vmem>>, vector<16xf32>,
      tpu.vector_store %arg20[%swap3A_578, %swap3A_579], %mul3A_577 {strides = array<i32>} : memref<640x40xf32, #tpu.memory_space<vmem>>, vector<16xf32>,
      %mul3A_581 = arith.constant 16 : i32
      %mul3A_582 = arith.muli %mul3A_581, %scan3A_220 : i32
      %add3A_583 = arith.constant 12 : i32
      %add3A_584 = arith.addi %mul3A_582, %add3A_583 : i32
      %slice3A_585 = vector.extract_strided_slice %get3A_223 {offsets = [12], sizes = [1], strides = [1]} : vector<16xf32> to vector<1xf32>
      %squeeze3A_586 = vector.extract %slice3A_585[0] : f32 from vector<1xf32>
      %get3A_587 = arith.index_cast %add3A_584 : i32 to index
      %get3A_588 = arith.constant 0 : index
      %get3A_589 = tpu.vector_load %arg19[%get3A_587, %get3A_588] {strides = array<i32>} : memref<640x40xf32, #tpu.memory_space<vmem>>, vector<16xf32>,
      %mul3A_590 = vector.broadcast %squeeze3A_586 : f32 to vector<16xf32>
      %mul3A_591 = arith.mulf %get3A_589, %mul3A_590 : vector<16xf32>
      %swap3A_592 = arith.index_cast %add3A_584 : i32 to index
      %swap3A_593 = arith.constant 0 : index
      %swap3A_594 = tpu.vector_load %arg20[%swap3A_592, %swap3A_593] {strides = array<i32>} : memref<640x40xf32, #tpu.memory_space<vmem>>, vector<16xf32>,
      tpu.vector_store %arg20[%swap3A_592, %swap3A_593], %mul3A_591 {strides = array<i32>} : memref<640x40xf32, #tpu.memory_space<vmem>>, vector<16xf32>,
      %get3A_595 = arith.index_cast %add3A_584 : i32 to index
      %get3A_596 = arith.constant 16 : index
      %get3A_597 = tpu.vector_load %arg19[%get3A_595, %get3A_596] {strides = array<i32>} : memref<640x40xf32, #tpu.memory_space<vmem>>, vector<16xf32>,
      %mul3A_598 = vector.broadcast %squeeze3A_586 : f32 to vector<16xf32>
      %mul3A_599 = arith.mulf %get3A_597, %mul3A_598 : vector<16xf32>
      %swap3A_600 = arith.index_cast %add3A_584 : i32 to index
      %swap3A_601 = arith.constant 16 : index
      %swap3A_602 = tpu.vector_load %arg20[%swap3A_600, %swap3A_601] {strides = array<i32>} : memref<640x40xf32, #tpu.memory_space<vmem>>, vector<16xf32>,
      tpu.vector_store %arg20[%swap3A_600, %swap3A_601], %mul3A_599 {strides = array<i32>} : memref<640x40xf32, #tpu.memory_space<vmem>>, vector<16xf32>,
      %get3A_603 = arith.index_cast %add3A_584 : i32 to index
      %get3A_604 = arith.constant 24 : index
      %get3A_605 = tpu.vector_load %arg19[%get3A_603, %get3A_604] {strides = array<i32>} : memref<640x40xf32, #tpu.memory_space<vmem>>, vector<16xf32>,
      %mul3A_606 = vector.broadcast %squeeze3A_586 : f32 to vector<16xf32>
      %mul3A_607 = arith.mulf %get3A_605, %mul3A_606 : vector<16xf32>
      %swap3A_608 = arith.index_cast %add3A_584 : i32 to index
      %swap3A_609 = arith.constant 24 : index
      %swap3A_610 = tpu.vector_load %arg20[%swap3A_608, %swap3A_609] {strides = array<i32>} : memref<640x40xf32, #tpu.memory_space<vmem>>, vector<16xf32>,
      tpu.vector_store %arg20[%swap3A_608, %swap3A_609], %mul3A_607 {strides = array<i32>} : memref<640x40xf32, #tpu.memory_space<vmem>>, vector<16xf32>,
      %mul3A_611 = arith.constant 16 : i32
      %mul3A_612 = arith.muli %mul3A_611, %scan3A_220 : i32
      %add3A_613 = arith.constant 13 : i32
      %add3A_614 = arith.addi %mul3A_612, %add3A_613 : i32
      %slice3A_615 = vector.extract_strided_slice %get3A_223 {offsets = [13], sizes = [1], strides = [1]} : vector<16xf32> to vector<1xf32>
      %squeeze3A_616 = vector.extract %slice3A_615[0] : f32 from vector<1xf32>
      %get3A_617 = arith.index_cast %add3A_614 : i32 to index
      %get3A_618 = arith.constant 0 : index
      %get3A_619 = tpu.vector_load %arg19[%get3A_617, %get3A_618] {strides = array<i32>} : memref<640x40xf32, #tpu.memory_space<vmem>>, vector<16xf32>,
      %mul3A_620 = vector.broadcast %squeeze3A_616 : f32 to vector<16xf32>
      %mul3A_621 = arith.mulf %get3A_619, %mul3A_620 : vector<16xf32>
      %swap3A_622 = arith.index_cast %add3A_614 : i32 to index
      %swap3A_623 = arith.constant 0 : index
      %swap3A_624 = tpu.vector_load %arg20[%swap3A_622, %swap3A_623] {strides = array<i32>} : memref<640x40xf32, #tpu.memory_space<vmem>>, vector<16xf32>,
      tpu.vector_store %arg20[%swap3A_622, %swap3A_623], %mul3A_621 {strides = array<i32>} : memref<640x40xf32, #tpu.memory_space<vmem>>, vector<16xf32>,
      %get3A_625 = arith.index_cast %add3A_614 : i32 to index
      %get3A_626 = arith.constant 16 : index
      %get3A_627 = tpu.vector_load %arg19[%get3A_625, %get3A_626] {strides = array<i32>} : memref<640x40xf32, #tpu.memory_space<vmem>>, vector<16xf32>,
      %mul3A_628 = vector.broadcast %squeeze3A_616 : f32 to vector<16xf32>
      %mul3A_629 = arith.mulf %get3A_627, %mul3A_628 : vector<16xf32>
      %swap3A_630 = arith.index_cast %add3A_614 : i32 to index
      %swap3A_631 = arith.constant 16 : index
      %swap3A_632 = tpu.vector_load %arg20[%swap3A_630, %swap3A_631] {strides = array<i32>} : memref<640x40xf32, #tpu.memory_space<vmem>>, vector<16xf32>,
      tpu.vector_store %arg20[%swap3A_630, %swap3A_631], %mul3A_629 {strides = array<i32>} : memref<640x40xf32, #tpu.memory_space<vmem>>, vector<16xf32>,
      %get3A_633 = arith.index_cast %add3A_614 : i32 to index
      %get3A_634 = arith.constant 24 : index
      %get3A_635 = tpu.vector_load %arg19[%get3A_633, %get3A_634] {strides = array<i32>} : memref<640x40xf32, #tpu.memory_space<vmem>>, vector<16xf32>,
      %mul3A_636 = vector.broadcast %squeeze3A_616 : f32 to vector<16xf32>
      %mul3A_637 = arith.mulf %get3A_635, %mul3A_636 : vector<16xf32>
      %swap3A_638 = arith.index_cast %add3A_614 : i32 to index
      %swap3A_639 = arith.constant 24 : index
      %swap3A_640 = tpu.vector_load %arg20[%swap3A_638, %swap3A_639] {strides = array<i32>} : memref<640x40xf32, #tpu.memory_space<vmem>>, vector<16xf32>,
      tpu.vector_store %arg20[%swap3A_638, %swap3A_639], %mul3A_637 {strides = array<i32>} : memref<640x40xf32, #tpu.memory_space<vmem>>, vector<16xf32>,
      %mul3A_641 = arith.constant 16 : i32
      %mul3A_642 = arith.muli %mul3A_641, %scan3A_220 : i32
      %add3A_643 = arith.constant 14 : i32
      %add3A_644 = arith.addi %mul3A_642, %add3A_643 : i32
      %slice3A_645 = vector.extract_strided_slice %get3A_223 {offsets = [14], sizes = [1], strides = [1]} : vector<16xf32> to vector<1xf32>
      %squeeze3A_646 = vector.extract %slice3A_645[0] : f32 from vector<1xf32>
      %get3A_647 = arith.index_cast %add3A_644 : i32 to index
      %get3A_648 = arith.constant 0 : index
      %get3A_649 = tpu.vector_load %arg19[%get3A_647, %get3A_648] {strides = array<i32>} : memref<640x40xf32, #tpu.memory_space<vmem>>, vector<16xf32>,
      %mul3A_650 = vector.broadcast %squeeze3A_646 : f32 to vector<16xf32>
      %mul3A_651 = arith.mulf %get3A_649, %mul3A_650 : vector<16xf32>
      %swap3A_652 = arith.index_cast %add3A_644 : i32 to index
      %swap3A_653 = arith.constant 0 : index
      %swap3A_654 = tpu.vector_load %arg20[%swap3A_652, %swap3A_653] {strides = array<i32>} : memref<640x40xf32, #tpu.memory_space<vmem>>, vector<16xf32>,
      tpu.vector_store %arg20[%swap3A_652, %swap3A_653], %mul3A_651 {strides = array<i32>} : memref<640x40xf32, #tpu.memory_space<vmem>>, vector<16xf32>,
      %get3A_655 = arith.index_cast %add3A_644 : i32 to index
      %get3A_656 = arith.constant 16 : index
      %get3A_657 = tpu.vector_load %arg19[%get3A_655, %get3A_656] {strides = array<i32>} : memref<640x40xf32, #tpu.memory_space<vmem>>, vector<16xf32>,
      %mul3A_658 = vector.broadcast %squeeze3A_646 : f32 to vector<16xf32>
      %mul3A_659 = arith.mulf %get3A_657, %mul3A_658 : vector<16xf32>
      %swap3A_660 = arith.index_cast %add3A_644 : i32 to index
      %swap3A_661 = arith.constant 16 : index
      %swap3A_662 = tpu.vector_load %arg20[%swap3A_660, %swap3A_661] {strides = array<i32>} : memref<640x40xf32, #tpu.memory_space<vmem>>, vector<16xf32>,
      tpu.vector_store %arg20[%swap3A_660, %swap3A_661], %mul3A_659 {strides = array<i32>} : memref<640x40xf32, #tpu.memory_space<vmem>>, vector<16xf32>,
      %get3A_663 = arith.index_cast %add3A_644 : i32 to index
      %get3A_664 = arith.constant 24 : index
      %get3A_665 = tpu.vector_load %arg19[%get3A_663, %get3A_664] {strides = array<i32>} : memref<640x40xf32, #tpu.memory_space<vmem>>, vector<16xf32>,
      %mul3A_666 = vector.broadcast %squeeze3A_646 : f32 to vector<16xf32>
      %mul3A_667 = arith.mulf %get3A_665, %mul3A_666 : vector<16xf32>
      %swap3A_668 = arith.index_cast %add3A_644 : i32 to index
      %swap3A_669 = arith.constant 24 : index
      %swap3A_670 = tpu.vector_load %arg20[%swap3A_668, %swap3A_669] {strides = array<i32>} : memref<640x40xf32, #tpu.memory_space<vmem>>, vector<16xf32>,
      tpu.vector_store %arg20[%swap3A_668, %swap3A_669], %mul3A_667 {strides = array<i32>} : memref<640x40xf32, #tpu.memory_space<vmem>>, vector<16xf32>,
      %mul3A_671 = arith.constant 16 : i32
      %mul3A_672 = arith.muli %mul3A_671, %scan3A_220 : i32
      %add3A_673 = arith.constant 15 : i32
      %add3A_674 = arith.addi %mul3A_672, %add3A_673 : i32
      %slice3A_675 = vector.extract_strided_slice %get3A_223 {offsets = [15], sizes = [1], strides = [1]} : vector<16xf32> to vector<1xf32>
      %squeeze3A_676 = vector.extract %slice3A_675[0] : f32 from vector<1xf32>
      %get3A_677 = arith.index_cast %add3A_674 : i32 to index
      %get3A_678 = arith.constant 0 : index
      %get3A_679 = tpu.vector_load %arg19[%get3A_677, %get3A_678] {strides = array<i32>} : memref<640x40xf32, #tpu.memory_space<vmem>>, vector<16xf32>,
      %mul3A_680 = vector.broadcast %squeeze3A_676 : f32 to vector<16xf32>
      %mul3A_681 = arith.mulf %get3A_679, %mul3A_680 : vector<16xf32>
      %swap3A_682 = arith.index_cast %add3A_674 : i32 to index
      %swap3A_683 = arith.constant 0 : index
      %swap3A_684 = tpu.vector_load %arg20[%swap3A_682, %swap3A_683] {strides = array<i32>} : memref<640x40xf32, #tpu.memory_space<vmem>>, vector<16xf32>,
      tpu.vector_store %arg20[%swap3A_682, %swap3A_683], %mul3A_681 {strides = array<i32>} : memref<640x40xf32, #tpu.memory_space<vmem>>, vector<16xf32>,
      %get3A_685 = arith.index_cast %add3A_674 : i32 to index
      %get3A_686 = arith.constant 16 : index
      %get3A_687 = tpu.vector_load %arg19[%get3A_685, %get3A_686] {strides = array<i32>} : memref<640x40xf32, #tpu.memory_space<vmem>>, vector<16xf32>,
      %mul3A_688 = vector.broadcast %squeeze3A_676 : f32 to vector<16xf32>
      %mul3A_689 = arith.mulf %get3A_687, %mul3A_688 : vector<16xf32>
      %swap3A_690 = arith.index_cast %add3A_674 : i32 to index
      %swap3A_691 = arith.constant 16 : index
      %swap3A_692 = tpu.vector_load %arg20[%swap3A_690, %swap3A_691] {strides = array<i32>} : memref<640x40xf32, #tpu.memory_space<vmem>>, vector<16xf32>,
      tpu.vector_store %arg20[%swap3A_690, %swap3A_691], %mul3A_689 {strides = array<i32>} : memref<640x40xf32, #tpu.memory_space<vmem>>, vector<16xf32>,
      %get3A_693 = arith.index_cast %add3A_674 : i32 to index
      %get3A_694 = arith.constant 24 : index
      %get3A_695 = tpu.vector_load %arg19[%get3A_693, %get3A_694] {strides = array<i32>} : memref<640x40xf32, #tpu.memory_space<vmem>>, vector<16xf32>,
      %mul3A_696 = vector.broadcast %squeeze3A_676 : f32 to vector<16xf32>
      %mul3A_697 = arith.mulf %get3A_695, %mul3A_696 : vector<16xf32>
      %swap3A_698 = arith.index_cast %add3A_674 : i32 to index
      %swap3A_699 = arith.constant 24 : index
      %swap3A_700 = tpu.vector_load %arg20[%swap3A_698, %swap3A_699] {strides = array<i32>} : memref<640x40xf32, #tpu.memory_space<vmem>>, vector<16xf32>,
      tpu.vector_store %arg20[%swap3A_698, %swap3A_699], %mul3A_697 {strides = array<i32>} : memref<640x40xf32, #tpu.memory_space<vmem>>, vector<16xf32>,
    }
    %scan3A_24 = arith.constant 40 : i32
    %mul3A_25 = arith.constant 640 : i32
    %mul3A_26 = arith.muli %arg1, %mul3A_25 : i32
    "tpu.region"() ({
      %run_scoped3A_220 = tpu.sem_alloc : memref<!tpu.dma_semaphore, #tpu.memory_space<semaphore_mem>>
      %dma_start3A_221 = arith.constant 0 : i32
      %dma_start3A_222 = tpu.memref_slice %arg41[%mul3A_26, %dma_start3A_221] : memref<10240x40xf32, #tpu.memory_space<vmem_shared>> -> memref<640x40xf32, #tpu.memory_space<vmem_shared>>
      %dma_start3A_223 = arith.constant 0 : i32
      %dma_start3A_224 = tpu.memref_slice %arg41[%mul3A_26, %dma_start3A_223] : memref<10240x40xf32, #tpu.memory_space<vmem_shared>> -> memref<640x40xf32, #tpu.memory_space<vmem_shared>>
      tpu.enqueue_dma source(%arg20 : memref<640x40xf32, #tpu.memory_space<vmem>>) target(%dma_start3A_224 : memref<640x40xf32, #tpu.memory_space<vmem_shared>>) target_semaphore(%run_scoped3A_220 : memref<!tpu.dma_semaphore, #tpu.memory_space<semaphore_mem>>)
      %dma_wait3A_225 = arith.constant 0 : i32
      %dma_wait3A_226 = tpu.memref_slice %arg41[%mul3A_26, %dma_wait3A_225] : memref<10240x40xf32, #tpu.memory_space<vmem_shared>> -> memref<640x40xf32, #tpu.memory_space<vmem_shared>>
      %dma_wait3A_227 = arith.constant 0 : i32
      %dma_wait3A_228 = tpu.memref_slice %arg41[%mul3A_26, %dma_wait3A_227] : memref<10240x40xf32, #tpu.memory_space<vmem_shared>> -> memref<640x40xf32, #tpu.memory_space<vmem_shared>>
      tpu.wait_dma2 semaphore(%run_scoped3A_220 : memref<!tpu.dma_semaphore, #tpu.memory_space<semaphore_mem>>) src(%arg20 : memref<640x40xf32, #tpu.memory_space<vmem>>) dst(%dma_wait3A_228 : memref<640x40xf32, #tpu.memory_space<vmem_shared>>)
      tpu.yield
    }) : () -> ()
    %barrier3A = arith.constant 0 : index
    tpu.barrier barrier_id(%barrier3A)
    %add3A_27 = arith.constant 0 : i32
    %add3A_28 = arith.addi %mul3A_2, %add3A_27 : i32
    %dma_start3A = arith.constant 0 : i32
    %dma_start3A_29 = tpu.memref_slice %arg2[%dma_start3A, %add3A_28] : memref<2x327680xi32, #tpu.memory_space<hbm>> -> memref<1x128xi32, #tpu.memory_space<hbm>>
    %dma_start3A_30 = tpu.memref_squeeze %dma_start3A_29 : memref<1x128xi32, #tpu.memory_space<hbm>> -> memref<128xi32, #tpu.memory_space<hbm>>
    %dma_start3A_31 = tpu.memref_slice %arg2[%dma_start3A, %add3A_28] : memref<2x327680xi32, #tpu.memory_space<hbm>> -> memref<1x128xi32, #tpu.memory_space<hbm>>
    %dma_start3A_32 = tpu.memref_squeeze %dma_start3A_31 : memref<1x128xi32, #tpu.memory_space<hbm>> -> memref<128xi32, #tpu.memory_space<hbm>>
    tpu.enqueue_dma source(%dma_start3A_32 : memref<128xi32, #tpu.memory_space<hbm>>) target(%arg7 : memref<128xi32, #tpu.memory_space<vmem>>) target_semaphore(%arg24 : memref<!tpu.dma_semaphore, #tpu.memory_space<semaphore_mem>>)
    %add3A_33 = arith.constant 0 : i32
    %add3A_34 = arith.addi %mul3A_2, %add3A_33 : i32
    %dma_start3A_35 = arith.constant 1 : i32
    %dma_start3A_36 = tpu.memref_slice %arg2[%dma_start3A_35, %add3A_34] : memref<2x327680xi32, #tpu.memory_space<hbm>> -> memref<1x128xi32, #tpu.memory_space<hbm>>
    %dma_start3A_37 = tpu.memref_squeeze %dma_start3A_36 : memref<1x128xi32, #tpu.memory_space<hbm>> -> memref<128xi32, #tpu.memory_space<hbm>>
    %dma_start3A_38 = tpu.memref_slice %arg2[%dma_start3A_35, %add3A_34] : memref<2x327680xi32, #tpu.memory_space<hbm>> -> memref<1x128xi32, #tpu.memory_space<hbm>>
    %dma_start3A_39 = tpu.memref_squeeze %dma_start3A_38 : memref<1x128xi32, #tpu.memory_space<hbm>> -> memref<128xi32, #tpu.memory_space<hbm>>
    tpu.enqueue_dma source(%dma_start3A_39 : memref<128xi32, #tpu.memory_space<hbm>>) target(%arg11 : memref<128xi32, #tpu.memory_space<vmem>>) target_semaphore(%arg28 : memref<!tpu.dma_semaphore, #tpu.memory_space<semaphore_mem>>)
    %add3A_40 = arith.constant 128 : i32
    %add3A_41 = arith.addi %mul3A_2, %add3A_40 : i32
    %dma_start3A_42 = arith.constant 0 : i32
    %dma_start3A_43 = tpu.memref_slice %arg2[%dma_start3A_42, %add3A_41] : memref<2x327680xi32, #tpu.memory_space<hbm>> -> memref<1x128xi32, #tpu.memory_space<hbm>>
    %dma_start3A_44 = tpu.memref_squeeze %dma_start3A_43 : memref<1x128xi32, #tpu.memory_space<hbm>> -> memref<128xi32, #tpu.memory_space<hbm>>
    %dma_start3A_45 = tpu.memref_slice %arg2[%dma_start3A_42, %add3A_41] : memref<2x327680xi32, #tpu.memory_space<hbm>> -> memref<1x128xi32, #tpu.memory_space<hbm>>
    %dma_start3A_46 = tpu.memref_squeeze %dma_start3A_45 : memref<1x128xi32, #tpu.memory_space<hbm>> -> memref<128xi32, #tpu.memory_space<hbm>>
    tpu.enqueue_dma source(%dma_start3A_46 : memref<128xi32, #tpu.memory_space<hbm>>) target(%arg8 : memref<128xi32, #tpu.memory_space<vmem>>) target_semaphore(%arg25 : memref<!tpu.dma_semaphore, #tpu.memory_space<semaphore_mem>>)
    %add3A_47 = arith.constant 128 : i32
    %add3A_48 = arith.addi %mul3A_2, %add3A_47 : i32
    %dma_start3A_49 = arith.constant 1 : i32
    %dma_start3A_50 = tpu.memref_slice %arg2[%dma_start3A_49, %add3A_48] : memref<2x327680xi32, #tpu.memory_space<hbm>> -> memref<1x128xi32, #tpu.memory_space<hbm>>
    %dma_start3A_51 = tpu.memref_squeeze %dma_start3A_50 : memref<1x128xi32, #tpu.memory_space<hbm>> -> memref<128xi32, #tpu.memory_space<hbm>>
    %dma_start3A_52 = tpu.memref_slice %arg2[%dma_start3A_49, %add3A_48] : memref<2x327680xi32, #tpu.memory_space<hbm>> -> memref<1x128xi32, #tpu.memory_space<hbm>>
    %dma_start3A_53 = tpu.memref_squeeze %dma_start3A_52 : memref<1x128xi32, #tpu.memory_space<hbm>> -> memref<128xi32, #tpu.memory_space<hbm>>
    tpu.enqueue_dma source(%dma_start3A_53 : memref<128xi32, #tpu.memory_space<hbm>>) target(%arg12 : memref<128xi32, #tpu.memory_space<vmem>>) target_semaphore(%arg29 : memref<!tpu.dma_semaphore, #tpu.memory_space<semaphore_mem>>)
    %dma_wait3A = arith.constant 0 : i32
    %dma_wait3A_54 = arith.constant 0 : i32
    %dma_wait3A_55 = tpu.memref_slice %arg2[%dma_wait3A, %dma_wait3A_54] : memref<2x327680xi32, #tpu.memory_space<hbm>> -> memref<1x128xi32, #tpu.memory_space<hbm>>
    %dma_wait3A_56 = tpu.memref_squeeze %dma_wait3A_55 : memref<1x128xi32, #tpu.memory_space<hbm>> -> memref<128xi32, #tpu.memory_space<hbm>>
    %dma_wait3A_57 = arith.constant 0 : i32
    %dma_wait3A_58 = tpu.memref_slice %arg2[%dma_wait3A, %dma_wait3A_57] : memref<2x327680xi32, #tpu.memory_space<hbm>> -> memref<1x128xi32, #tpu.memory_space<hbm>>
    %dma_wait3A_59 = tpu.memref_squeeze %dma_wait3A_58 : memref<1x128xi32, #tpu.memory_space<hbm>> -> memref<128xi32, #tpu.memory_space<hbm>>
    tpu.wait_dma2 semaphore(%arg24 : memref<!tpu.dma_semaphore, #tpu.memory_space<semaphore_mem>>) src(%dma_wait3A_59 : memref<128xi32, #tpu.memory_space<hbm>>) dst(%arg7 : memref<128xi32, #tpu.memory_space<vmem>>)
    %dma_start3A_60 = arith.constant 0 : i32
    %dma_start3A_61 = arith.constant 0 : i32
    %dma_start3A_62 = tpu.memref_slice %arg41[%dma_start3A_60, %dma_start3A_61] : memref<10240x40xf32, #tpu.memory_space<vmem_shared>> -> memref<10240x40xf32, #tpu.memory_space<vmem_shared>>
    tpu.enqueue_indirect_dma source(%dma_start3A_62 : memref<10240x40xf32, #tpu.memory_space<vmem_shared>>) target(%arg15 : memref<128x40xf32, #tpu.memory_space<vmem>>) offsets(%arg7 : memref<128xi32, #tpu.memory_space<vmem>>) semaphore(%arg32 : memref<!tpu.dma_semaphore, #tpu.memory_space<semaphore_mem>>)
    %dma_wait3A_63 = arith.constant 0 : i32
    %dma_wait3A_64 = arith.constant 0 : i32
    %dma_wait3A_65 = tpu.memref_slice %arg41[%dma_wait3A_63, %dma_wait3A_64] : memref<10240x40xf32, #tpu.memory_space<vmem_shared>> -> memref<128x40xf32, #tpu.memory_space<vmem_shared>>
    %dma_wait3A_66 = arith.constant 0 : i32
    %dma_wait3A_67 = arith.constant 0 : i32
    %dma_wait3A_68 = tpu.memref_slice %arg41[%dma_wait3A_66, %dma_wait3A_67] : memref<10240x40xf32, #tpu.memory_space<vmem_shared>> -> memref<128x40xf32, #tpu.memory_space<vmem_shared>>
    tpu.wait_dma2 semaphore(%arg32 : memref<!tpu.dma_semaphore, #tpu.memory_space<semaphore_mem>>) src(%dma_wait3A_68 : memref<128x40xf32, #tpu.memory_space<vmem_shared>>) dst(%arg15 : memref<128x40xf32, #tpu.memory_space<vmem>>)
    %dma_wait3A_69 = arith.constant 1 : i32
    %dma_wait3A_70 = arith.constant 0 : i32
    %dma_wait3A_71 = tpu.memref_slice %arg2[%dma_wait3A_69, %dma_wait3A_70] : memref<2x327680xi32, #tpu.memory_space<hbm>> -> memref<1x128xi32, #tpu.memory_space<hbm>>
    %dma_wait3A_72 = tpu.memref_squeeze %dma_wait3A_71 : memref<1x128xi32, #tpu.memory_space<hbm>> -> memref<128xi32, #tpu.memory_space<hbm>>
    %dma_wait3A_73 = arith.constant 0 : i32
    %dma_wait3A_74 = tpu.memref_slice %arg2[%dma_wait3A_69, %dma_wait3A_73] : memref<2x327680xi32, #tpu.memory_space<hbm>> -> memref<1x128xi32, #tpu.memory_space<hbm>>
    %dma_wait3A_75 = tpu.memref_squeeze %dma_wait3A_74 : memref<1x128xi32, #tpu.memory_space<hbm>> -> memref<128xi32, #tpu.memory_space<hbm>>
    tpu.wait_dma2 semaphore(%arg28 : memref<!tpu.dma_semaphore, #tpu.memory_space<semaphore_mem>>) src(%dma_wait3A_75 : memref<128xi32, #tpu.memory_space<hbm>>) dst(%arg11 : memref<128xi32, #tpu.memory_space<vmem>>)
    %dma_start3A_76 = arith.constant 0 : i32
    %dma_start3A_77 = arith.constant 0 : i32
    %dma_start3A_78 = tpu.memref_slice %arg40[%dma_start3A_76, %dma_start3A_77] : memref<10240x40xf32, #tpu.memory_space<vmem_shared>> -> memref<10240x40xf32, #tpu.memory_space<vmem_shared>>
    tpu.enqueue_indirect_dma source(%arg15 : memref<128x40xf32, #tpu.memory_space<vmem>>) target(%dma_start3A_78 : memref<10240x40xf32, #tpu.memory_space<vmem_shared>>) offsets(%arg11 : memref<128xi32, #tpu.memory_space<vmem>>) semaphore(%arg36 : memref<!tpu.dma_semaphore, #tpu.memory_space<semaphore_mem>>) {add = true}
    %add3A_79 = arith.constant 256 : i32
    %add3A_80 = arith.addi %mul3A_2, %add3A_79 : i32
    %dma_start3A_81 = arith.constant 0 : i32
    %dma_start3A_82 = tpu.memref_slice %arg2[%dma_start3A_81, %add3A_80] : memref<2x327680xi32, #tpu.memory_space<hbm>> -> memref<1x128xi32, #tpu.memory_space<hbm>>
    %dma_start3A_83 = tpu.memref_squeeze %dma_start3A_82 : memref<1x128xi32, #tpu.memory_space<hbm>> -> memref<128xi32, #tpu.memory_space<hbm>>
    %dma_start3A_84 = tpu.memref_slice %arg2[%dma_start3A_81, %add3A_80] : memref<2x327680xi32, #tpu.memory_space<hbm>> -> memref<1x128xi32, #tpu.memory_space<hbm>>
    %dma_start3A_85 = tpu.memref_squeeze %dma_start3A_84 : memref<1x128xi32, #tpu.memory_space<hbm>> -> memref<128xi32, #tpu.memory_space<hbm>>
    tpu.enqueue_dma source(%dma_start3A_85 : memref<128xi32, #tpu.memory_space<hbm>>) target(%arg9 : memref<128xi32, #tpu.memory_space<vmem>>) target_semaphore(%arg26 : memref<!tpu.dma_semaphore, #tpu.memory_space<semaphore_mem>>)
    %add3A_86 = arith.constant 256 : i32
    %add3A_87 = arith.addi %mul3A_2, %add3A_86 : i32
    %dma_start3A_88 = arith.constant 1 : i32
    %dma_start3A_89 = tpu.memref_slice %arg2[%dma_start3A_88, %add3A_87] : memref<2x327680xi32, #tpu.memory_space<hbm>> -> memref<1x128xi32, #tpu.memory_space<hbm>>
    %dma_start3A_90 = tpu.memref_squeeze %dma_start3A_89 : memref<1x128xi32, #tpu.memory_space<hbm>> -> memref<128xi32, #tpu.memory_space<hbm>>
    %dma_start3A_91 = tpu.memref_slice %arg2[%dma_start3A_88, %add3A_87] : memref<2x327680xi32, #tpu.memory_space<hbm>> -> memref<1x128xi32, #tpu.memory_space<hbm>>
    %dma_start3A_92 = tpu.memref_squeeze %dma_start3A_91 : memref<1x128xi32, #tpu.memory_space<hbm>> -> memref<128xi32, #tpu.memory_space<hbm>>
    tpu.enqueue_dma source(%dma_start3A_92 : memref<128xi32, #tpu.memory_space<hbm>>) target(%arg13 : memref<128xi32, #tpu.memory_space<vmem>>) target_semaphore(%arg30 : memref<!tpu.dma_semaphore, #tpu.memory_space<semaphore_mem>>)
    %dma_wait3A_93 = arith.constant 0 : i32
    %dma_wait3A_94 = arith.constant 0 : i32
    %dma_wait3A_95 = tpu.memref_slice %arg2[%dma_wait3A_93, %dma_wait3A_94] : memref<2x327680xi32, #tpu.memory_space<hbm>> -> memref<1x128xi32, #tpu.memory_space<hbm>>
    %dma_wait3A_96 = tpu.memref_squeeze %dma_wait3A_95 : memref<1x128xi32, #tpu.memory_space<hbm>> -> memref<128xi32, #tpu.memory_space<hbm>>
    %dma_wait3A_97 = arith.constant 0 : i32
    %dma_wait3A_98 = tpu.memref_slice %arg2[%dma_wait3A_93, %dma_wait3A_97] : memref<2x327680xi32, #tpu.memory_space<hbm>> -> memref<1x128xi32, #tpu.memory_space<hbm>>
    %dma_wait3A_99 = tpu.memref_squeeze %dma_wait3A_98 : memref<1x128xi32, #tpu.memory_space<hbm>> -> memref<128xi32, #tpu.memory_space<hbm>>
    tpu.wait_dma2 semaphore(%arg25 : memref<!tpu.dma_semaphore, #tpu.memory_space<semaphore_mem>>) src(%dma_wait3A_99 : memref<128xi32, #tpu.memory_space<hbm>>) dst(%arg8 : memref<128xi32, #tpu.memory_space<vmem>>)
    %dma_start3A_100 = arith.constant 0 : i32
    %dma_start3A_101 = arith.constant 0 : i32
    %dma_start3A_102 = tpu.memref_slice %arg41[%dma_start3A_100, %dma_start3A_101] : memref<10240x40xf32, #tpu.memory_space<vmem_shared>> -> memref<10240x40xf32, #tpu.memory_space<vmem_shared>>
    tpu.enqueue_indirect_dma source(%dma_start3A_102 : memref<10240x40xf32, #tpu.memory_space<vmem_shared>>) target(%arg16 : memref<128x40xf32, #tpu.memory_space<vmem>>) offsets(%arg8 : memref<128xi32, #tpu.memory_space<vmem>>) semaphore(%arg33 : memref<!tpu.dma_semaphore, #tpu.memory_space<semaphore_mem>>)
    %dma_wait3A_103 = arith.constant 0 : i32
    %dma_wait3A_104 = arith.constant 0 : i32
    %dma_wait3A_105 = tpu.memref_slice %arg41[%dma_wait3A_103, %dma_wait3A_104] : memref<10240x40xf32, #tpu.memory_space<vmem_shared>> -> memref<128x40xf32, #tpu.memory_space<vmem_shared>>
    %dma_wait3A_106 = arith.constant 0 : i32
    %dma_wait3A_107 = arith.constant 0 : i32
    %dma_wait3A_108 = tpu.memref_slice %arg41[%dma_wait3A_106, %dma_wait3A_107] : memref<10240x40xf32, #tpu.memory_space<vmem_shared>> -> memref<128x40xf32, #tpu.memory_space<vmem_shared>>
    tpu.wait_dma2 semaphore(%arg33 : memref<!tpu.dma_semaphore, #tpu.memory_space<semaphore_mem>>) src(%dma_wait3A_108 : memref<128x40xf32, #tpu.memory_space<vmem_shared>>) dst(%arg16 : memref<128x40xf32, #tpu.memory_space<vmem>>)
    %dma_wait3A_109 = arith.constant 1 : i32
    %dma_wait3A_110 = arith.constant 0 : i32
    %dma_wait3A_111 = tpu.memref_slice %arg2[%dma_wait3A_109, %dma_wait3A_110] : memref<2x327680xi32, #tpu.memory_space<hbm>> -> memref<1x128xi32, #tpu.memory_space<hbm>>
    %dma_wait3A_112 = tpu.memref_squeeze %dma_wait3A_111 : memref<1x128xi32, #tpu.memory_space<hbm>> -> memref<128xi32, #tpu.memory_space<hbm>>
    %dma_wait3A_113 = arith.constant 0 : i32
    %dma_wait3A_114 = tpu.memref_slice %arg2[%dma_wait3A_109, %dma_wait3A_113] : memref<2x327680xi32, #tpu.memory_space<hbm>> -> memref<1x128xi32, #tpu.memory_space<hbm>>
    %dma_wait3A_115 = tpu.memref_squeeze %dma_wait3A_114 : memref<1x128xi32, #tpu.memory_space<hbm>> -> memref<128xi32, #tpu.memory_space<hbm>>
    tpu.wait_dma2 semaphore(%arg29 : memref<!tpu.dma_semaphore, #tpu.memory_space<semaphore_mem>>) src(%dma_wait3A_115 : memref<128xi32, #tpu.memory_space<hbm>>) dst(%arg12 : memref<128xi32, #tpu.memory_space<vmem>>)
    %dma_start3A_116 = arith.constant 0 : i32
    %dma_start3A_117 = arith.constant 0 : i32
    %dma_start3A_118 = tpu.memref_slice %arg40[%dma_start3A_116, %dma_start3A_117] : memref<10240x40xf32, #tpu.memory_space<vmem_shared>> -> memref<10240x40xf32, #tpu.memory_space<vmem_shared>>
    tpu.enqueue_indirect_dma source(%arg16 : memref<128x40xf32, #tpu.memory_space<vmem>>) target(%dma_start3A_118 : memref<10240x40xf32, #tpu.memory_space<vmem_shared>>) offsets(%arg12 : memref<128xi32, #tpu.memory_space<vmem>>) semaphore(%arg37 : memref<!tpu.dma_semaphore, #tpu.memory_space<semaphore_mem>>) {add = true}
    %add3A_119 = arith.constant 384 : i32
    %add3A_120 = arith.addi %mul3A_2, %add3A_119 : i32
    %dma_start3A_121 = arith.constant 0 : i32
    %dma_start3A_122 = tpu.memref_slice %arg2[%dma_start3A_121, %add3A_120] : memref<2x327680xi32, #tpu.memory_space<hbm>> -> memref<1x128xi32, #tpu.memory_space<hbm>>
    %dma_start3A_123 = tpu.memref_squeeze %dma_start3A_122 : memref<1x128xi32, #tpu.memory_space<hbm>> -> memref<128xi32, #tpu.memory_space<hbm>>
    %dma_start3A_124 = tpu.memref_slice %arg2[%dma_start3A_121, %add3A_120] : memref<2x327680xi32, #tpu.memory_space<hbm>> -> memref<1x128xi32, #tpu.memory_space<hbm>>
    %dma_start3A_125 = tpu.memref_squeeze %dma_start3A_124 : memref<1x128xi32, #tpu.memory_space<hbm>> -> memref<128xi32, #tpu.memory_space<hbm>>
    tpu.enqueue_dma source(%dma_start3A_125 : memref<128xi32, #tpu.memory_space<hbm>>) target(%arg10 : memref<128xi32, #tpu.memory_space<vmem>>) target_semaphore(%arg27 : memref<!tpu.dma_semaphore, #tpu.memory_space<semaphore_mem>>)
    %add3A_126 = arith.constant 384 : i32
    %add3A_127 = arith.addi %mul3A_2, %add3A_126 : i32
    %dma_start3A_128 = arith.constant 1 : i32
    %dma_start3A_129 = tpu.memref_slice %arg2[%dma_start3A_128, %add3A_127] : memref<2x327680xi32, #tpu.memory_space<hbm>> -> memref<1x128xi32, #tpu.memory_space<hbm>>
    %dma_start3A_130 = tpu.memref_squeeze %dma_start3A_129 : memref<1x128xi32, #tpu.memory_space<hbm>> -> memref<128xi32, #tpu.memory_space<hbm>>
    %dma_start3A_131 = tpu.memref_slice %arg2[%dma_start3A_128, %add3A_127] : memref<2x327680xi32, #tpu.memory_space<hbm>> -> memref<1x128xi32, #tpu.memory_space<hbm>>
    %dma_start3A_132 = tpu.memref_squeeze %dma_start3A_131 : memref<1x128xi32, #tpu.memory_space<hbm>> -> memref<128xi32, #tpu.memory_space<hbm>>
    tpu.enqueue_dma source(%dma_start3A_132 : memref<128xi32, #tpu.memory_space<hbm>>) target(%arg14 : memref<128xi32, #tpu.memory_space<vmem>>) target_semaphore(%arg31 : memref<!tpu.dma_semaphore, #tpu.memory_space<semaphore_mem>>)
    %dma_wait3A_133 = arith.constant 0 : i32
    %dma_wait3A_134 = arith.constant 0 : i32
    %dma_wait3A_135 = tpu.memref_slice %arg2[%dma_wait3A_133, %dma_wait3A_134] : memref<2x327680xi32, #tpu.memory_space<hbm>> -> memref<1x128xi32, #tpu.memory_space<hbm>>
    %dma_wait3A_136 = tpu.memref_squeeze %dma_wait3A_135 : memref<1x128xi32, #tpu.memory_space<hbm>> -> memref<128xi32, #tpu.memory_space<hbm>>
    %dma_wait3A_137 = arith.constant 0 : i32
    %dma_wait3A_138 = tpu.memref_slice %arg2[%dma_wait3A_133, %dma_wait3A_137] : memref<2x327680xi32, #tpu.memory_space<hbm>> -> memref<1x128xi32, #tpu.memory_space<hbm>>
    %dma_wait3A_139 = tpu.memref_squeeze %dma_wait3A_138 : memref<1x128xi32, #tpu.memory_space<hbm>> -> memref<128xi32, #tpu.memory_space<hbm>>
    tpu.wait_dma2 semaphore(%arg26 : memref<!tpu.dma_semaphore, #tpu.memory_space<semaphore_mem>>) src(%dma_wait3A_139 : memref<128xi32, #tpu.memory_space<hbm>>) dst(%arg9 : memref<128xi32, #tpu.memory_space<vmem>>)
    %dma_start3A_140 = arith.constant 0 : i32
    %dma_start3A_141 = arith.constant 0 : i32
    %dma_start3A_142 = tpu.memref_slice %arg41[%dma_start3A_140, %dma_start3A_141] : memref<10240x40xf32, #tpu.memory_space<vmem_shared>> -> memref<10240x40xf32, #tpu.memory_space<vmem_shared>>
    tpu.enqueue_indirect_dma source(%dma_start3A_142 : memref<10240x40xf32, #tpu.memory_space<vmem_shared>>) target(%arg17 : memref<128x40xf32, #tpu.memory_space<vmem>>) offsets(%arg9 : memref<128xi32, #tpu.memory_space<vmem>>) semaphore(%arg34 : memref<!tpu.dma_semaphore, #tpu.memory_space<semaphore_mem>>)
    %scan3A_143 = arith.constant 0 : i32
    %scan3A_144 = arith.constant 0 : i32
    %scan3A_145 = arith.constant 19 : i32
    %scan3A_146 = arith.addi %scan3A_144, %scan3A_145 : i32
    %scan3A_147 = arith.constant 1 : i32
    scf.for %scan3A_220 = %scan3A_144 to %scan3A_146 step %scan3A_147  : i32 {
      %mul3A_221 = arith.constant 4 : i32
      %mul3A_222 = arith.muli %mul3A_221, %scan3A_220 : i32
      %add3A_223 = arith.constant 2 : i32
      %add3A_224 = arith.addi %add3A_223, %mul3A_222 : i32
      %add3A_225 = arith.constant 0 : i32
      %add3A_226 = arith.addi %add3A_224, %add3A_225 : i32
      %dma_wait3A_227 = arith.constant 0 : i32
      %dma_wait3A_228 = arith.constant 0 : i32
      %dma_wait3A_229 = tpu.memref_slice %arg41[%dma_wait3A_227, %dma_wait3A_228] : memref<10240x40xf32, #tpu.memory_space<vmem_shared>> -> memref<128x40xf32, #tpu.memory_space<vmem_shared>>
      %dma_wait3A_230 = arith.constant 0 : i32
      %dma_wait3A_231 = arith.constant 0 : i32
      %dma_wait3A_232 = tpu.memref_slice %arg41[%dma_wait3A_230, %dma_wait3A_231] : memref<10240x40xf32, #tpu.memory_space<vmem_shared>> -> memref<128x40xf32, #tpu.memory_space<vmem_shared>>
      tpu.wait_dma2 semaphore(%arg34 : memref<!tpu.dma_semaphore, #tpu.memory_space<semaphore_mem>>) src(%dma_wait3A_232 : memref<128x40xf32, #tpu.memory_space<vmem_shared>>) dst(%arg17 : memref<128x40xf32, #tpu.memory_space<vmem>>)
      %dma_wait3A_233 = arith.constant 1 : i32
      %dma_wait3A_234 = arith.constant 0 : i32
      %dma_wait3A_235 = tpu.memref_slice %arg2[%dma_wait3A_233, %dma_wait3A_234] : memref<2x327680xi32, #tpu.memory_space<hbm>> -> memref<1x128xi32, #tpu.memory_space<hbm>>
      %dma_wait3A_236 = tpu.memref_squeeze %dma_wait3A_235 : memref<1x128xi32, #tpu.memory_space<hbm>> -> memref<128xi32, #tpu.memory_space<hbm>>
      %dma_wait3A_237 = arith.constant 0 : i32
      %dma_wait3A_238 = tpu.memref_slice %arg2[%dma_wait3A_233, %dma_wait3A_237] : memref<2x327680xi32, #tpu.memory_space<hbm>> -> memref<1x128xi32, #tpu.memory_space<hbm>>
      %dma_wait3A_239 = tpu.memref_squeeze %dma_wait3A_238 : memref<1x128xi32, #tpu.memory_space<hbm>> -> memref<128xi32, #tpu.memory_space<hbm>>
      tpu.wait_dma2 semaphore(%arg30 : memref<!tpu.dma_semaphore, #tpu.memory_space<semaphore_mem>>) src(%dma_wait3A_239 : memref<128xi32, #tpu.memory_space<hbm>>) dst(%arg13 : memref<128xi32, #tpu.memory_space<vmem>>)
      %dma_start3A_240 = arith.constant 0 : i32
      %dma_start3A_241 = arith.constant 0 : i32
      %dma_start3A_242 = tpu.memref_slice %arg40[%dma_start3A_240, %dma_start3A_241] : memref<10240x40xf32, #tpu.memory_space<vmem_shared>> -> memref<10240x40xf32, #tpu.memory_space<vmem_shared>>
      tpu.enqueue_indirect_dma source(%arg17 : memref<128x40xf32, #tpu.memory_space<vmem>>) target(%dma_start3A_242 : memref<10240x40xf32, #tpu.memory_space<vmem_shared>>) offsets(%arg13 : memref<128xi32, #tpu.memory_space<vmem>>) semaphore(%arg38 : memref<!tpu.dma_semaphore, #tpu.memory_space<semaphore_mem>>) {add = true}
      %dma_wait3A_243 = arith.constant 0 : i32
      %dma_wait3A_244 = arith.constant 0 : i32
      %dma_wait3A_245 = tpu.memref_slice %arg40[%dma_wait3A_243, %dma_wait3A_244] : memref<10240x40xf32, #tpu.memory_space<vmem_shared>> -> memref<128x40xf32, #tpu.memory_space<vmem_shared>>
      %dma_wait3A_246 = arith.constant 0 : i32
      %dma_wait3A_247 = arith.constant 0 : i32
      %dma_wait3A_248 = tpu.memref_slice %arg40[%dma_wait3A_246, %dma_wait3A_247] : memref<10240x40xf32, #tpu.memory_space<vmem_shared>> -> memref<128x40xf32, #tpu.memory_space<vmem_shared>>
      tpu.wait_dma2 semaphore(%arg36 : memref<!tpu.dma_semaphore, #tpu.memory_space<semaphore_mem>>) src(%arg15 : memref<128x40xf32, #tpu.memory_space<vmem>>) dst(%dma_wait3A_248 : memref<128x40xf32, #tpu.memory_space<vmem_shared>>)
      %add3A_249 = arith.constant 2 : i32
      %add3A_250 = arith.addi %add3A_226, %add3A_249 : i32
      %mul3A_251 = arith.constant 128 : i32
      %mul3A_252 = arith.muli %add3A_250, %mul3A_251 : i32
      %add3A_253 = arith.addi %mul3A_2, %mul3A_252 : i32
      %dma_start3A_254 = arith.constant 0 : i32
      %dma_start3A_255 = tpu.memref_slice %arg2[%dma_start3A_254, %add3A_253] : memref<2x327680xi32, #tpu.memory_space<hbm>> -> memref<1x128xi32, #tpu.memory_space<hbm>>
      %dma_start3A_256 = tpu.memref_squeeze %dma_start3A_255 : memref<1x128xi32, #tpu.memory_space<hbm>> -> memref<128xi32, #tpu.memory_space<hbm>>
      %dma_start3A_257 = tpu.memref_slice %arg2[%dma_start3A_254, %add3A_253] : memref<2x327680xi32, #tpu.memory_space<hbm>> -> memref<1x128xi32, #tpu.memory_space<hbm>>
      %dma_start3A_258 = tpu.memref_squeeze %dma_start3A_257 : memref<1x128xi32, #tpu.memory_space<hbm>> -> memref<128xi32, #tpu.memory_space<hbm>>
      tpu.enqueue_dma source(%dma_start3A_258 : memref<128xi32, #tpu.memory_space<hbm>>) target(%arg7 : memref<128xi32, #tpu.memory_space<vmem>>) target_semaphore(%arg24 : memref<!tpu.dma_semaphore, #tpu.memory_space<semaphore_mem>>)
      %mul3A_259 = arith.constant 128 : i32
      %mul3A_260 = arith.muli %add3A_250, %mul3A_259 : i32
      %add3A_261 = arith.addi %mul3A_2, %mul3A_260 : i32
      %dma_start3A_262 = arith.constant 1 : i32
      %dma_start3A_263 = tpu.memref_slice %arg2[%dma_start3A_262, %add3A_261] : memref<2x327680xi32, #tpu.memory_space<hbm>> -> memref<1x128xi32, #tpu.memory_space<hbm>>
      %dma_start3A_264 = tpu.memref_squeeze %dma_start3A_263 : memref<1x128xi32, #tpu.memory_space<hbm>> -> memref<128xi32, #tpu.memory_space<hbm>>
      %dma_start3A_265 = tpu.memref_slice %arg2[%dma_start3A_262, %add3A_261] : memref<2x327680xi32, #tpu.memory_space<hbm>> -> memref<1x128xi32, #tpu.memory_space<hbm>>
      %dma_start3A_266 = tpu.memref_squeeze %dma_start3A_265 : memref<1x128xi32, #tpu.memory_space<hbm>> -> memref<128xi32, #tpu.memory_space<hbm>>
      tpu.enqueue_dma source(%dma_start3A_266 : memref<128xi32, #tpu.memory_space<hbm>>) target(%arg11 : memref<128xi32, #tpu.memory_space<vmem>>) target_semaphore(%arg28 : memref<!tpu.dma_semaphore, #tpu.memory_space<semaphore_mem>>)
      %dma_wait3A_267 = arith.constant 0 : i32
      %dma_wait3A_268 = arith.constant 0 : i32
      %dma_wait3A_269 = tpu.memref_slice %arg2[%dma_wait3A_267, %dma_wait3A_268] : memref<2x327680xi32, #tpu.memory_space<hbm>> -> memref<1x128xi32, #tpu.memory_space<hbm>>
      %dma_wait3A_270 = tpu.memref_squeeze %dma_wait3A_269 : memref<1x128xi32, #tpu.memory_space<hbm>> -> memref<128xi32, #tpu.memory_space<hbm>>
      %dma_wait3A_271 = arith.constant 0 : i32
      %dma_wait3A_272 = tpu.memref_slice %arg2[%dma_wait3A_267, %dma_wait3A_271] : memref<2x327680xi32, #tpu.memory_space<hbm>> -> memref<1x128xi32, #tpu.memory_space<hbm>>
      %dma_wait3A_273 = tpu.memref_squeeze %dma_wait3A_272 : memref<1x128xi32, #tpu.memory_space<hbm>> -> memref<128xi32, #tpu.memory_space<hbm>>
      tpu.wait_dma2 semaphore(%arg27 : memref<!tpu.dma_semaphore, #tpu.memory_space<semaphore_mem>>) src(%dma_wait3A_273 : memref<128xi32, #tpu.memory_space<hbm>>) dst(%arg10 : memref<128xi32, #tpu.memory_space<vmem>>)
      %dma_start3A_274 = arith.constant 0 : i32
      %dma_start3A_275 = arith.constant 0 : i32
      %dma_start3A_276 = tpu.memref_slice %arg41[%dma_start3A_274, %dma_start3A_275] : memref<10240x40xf32, #tpu.memory_space<vmem_shared>> -> memref<10240x40xf32, #tpu.memory_space<vmem_shared>>
      tpu.enqueue_indirect_dma source(%dma_start3A_276 : memref<10240x40xf32, #tpu.memory_space<vmem_shared>>) target(%arg18 : memref<128x40xf32, #tpu.memory_space<vmem>>) offsets(%arg10 : memref<128xi32, #tpu.memory_space<vmem>>) semaphore(%arg35 : memref<!tpu.dma_semaphore, #tpu.memory_space<semaphore_mem>>)
      %mul3A_277 = arith.constant 4 : i32
      %mul3A_278 = arith.muli %mul3A_277, %scan3A_220 : i32
      %add3A_279 = arith.constant 2 : i32
      %add3A_280 = arith.addi %add3A_279, %mul3A_278 : i32
      %add3A_281 = arith.constant 1 : i32
      %add3A_282 = arith.addi %add3A_280, %add3A_281 : i32
      %dma_wait3A_283 = arith.constant 0 : i32
      %dma_wait3A_284 = arith.constant 0 : i32
      %dma_wait3A_285 = tpu.memref_slice %arg41[%dma_wait3A_283, %dma_wait3A_284] : memref<10240x40xf32, #tpu.memory_space<vmem_shared>> -> memref<128x40xf32, #tpu.memory_space<vmem_shared>>
      %dma_wait3A_286 = arith.constant 0 : i32
      %dma_wait3A_287 = arith.constant 0 : i32
      %dma_wait3A_288 = tpu.memref_slice %arg41[%dma_wait3A_286, %dma_wait3A_287] : memref<10240x40xf32, #tpu.memory_space<vmem_shared>> -> memref<128x40xf32, #tpu.memory_space<vmem_shared>>
      tpu.wait_dma2 semaphore(%arg35 : memref<!tpu.dma_semaphore, #tpu.memory_space<semaphore_mem>>) src(%dma_wait3A_288 : memref<128x40xf32, #tpu.memory_space<vmem_shared>>) dst(%arg18 : memref<128x40xf32, #tpu.memory_space<vmem>>)
      %dma_wait3A_289 = arith.constant 1 : i32
      %dma_wait3A_290 = arith.constant 0 : i32
      %dma_wait3A_291 = tpu.memref_slice %arg2[%dma_wait3A_289, %dma_wait3A_290] : memref<2x327680xi32, #tpu.memory_space<hbm>> -> memref<1x128xi32, #tpu.memory_space<hbm>>
      %dma_wait3A_292 = tpu.memref_squeeze %dma_wait3A_291 : memref<1x128xi32, #tpu.memory_space<hbm>> -> memref<128xi32, #tpu.memory_space<hbm>>
      %dma_wait3A_293 = arith.constant 0 : i32
      %dma_wait3A_294 = tpu.memref_slice %arg2[%dma_wait3A_289, %dma_wait3A_293] : memref<2x327680xi32, #tpu.memory_space<hbm>> -> memref<1x128xi32, #tpu.memory_space<hbm>>
      %dma_wait3A_295 = tpu.memref_squeeze %dma_wait3A_294 : memref<1x128xi32, #tpu.memory_space<hbm>> -> memref<128xi32, #tpu.memory_space<hbm>>
      tpu.wait_dma2 semaphore(%arg31 : memref<!tpu.dma_semaphore, #tpu.memory_space<semaphore_mem>>) src(%dma_wait3A_295 : memref<128xi32, #tpu.memory_space<hbm>>) dst(%arg14 : memref<128xi32, #tpu.memory_space<vmem>>)
      %dma_start3A_296 = arith.constant 0 : i32
      %dma_start3A_297 = arith.constant 0 : i32
      %dma_start3A_298 = tpu.memref_slice %arg40[%dma_start3A_296, %dma_start3A_297] : memref<10240x40xf32, #tpu.memory_space<vmem_shared>> -> memref<10240x40xf32, #tpu.memory_space<vmem_shared>>
      tpu.enqueue_indirect_dma source(%arg18 : memref<128x40xf32, #tpu.memory_space<vmem>>) target(%dma_start3A_298 : memref<10240x40xf32, #tpu.memory_space<vmem_shared>>) offsets(%arg14 : memref<128xi32, #tpu.memory_space<vmem>>) semaphore(%arg39 : memref<!tpu.dma_semaphore, #tpu.memory_space<semaphore_mem>>) {add = true}
      %dma_wait3A_299 = arith.constant 0 : i32
      %dma_wait3A_300 = arith.constant 0 : i32
      %dma_wait3A_301 = tpu.memref_slice %arg40[%dma_wait3A_299, %dma_wait3A_300] : memref<10240x40xf32, #tpu.memory_space<vmem_shared>> -> memref<128x40xf32, #tpu.memory_space<vmem_shared>>
      %dma_wait3A_302 = arith.constant 0 : i32
      %dma_wait3A_303 = arith.constant 0 : i32
      %dma_wait3A_304 = tpu.memref_slice %arg40[%dma_wait3A_302, %dma_wait3A_303] : memref<10240x40xf32, #tpu.memory_space<vmem_shared>> -> memref<128x40xf32, #tpu.memory_space<vmem_shared>>
      tpu.wait_dma2 semaphore(%arg37 : memref<!tpu.dma_semaphore, #tpu.memory_space<semaphore_mem>>) src(%arg16 : memref<128x40xf32, #tpu.memory_space<vmem>>) dst(%dma_wait3A_304 : memref<128x40xf32, #tpu.memory_space<vmem_shared>>)
      %add3A_305 = arith.constant 2 : i32
      %add3A_306 = arith.addi %add3A_282, %add3A_305 : i32
      %mul3A_307 = arith.constant 128 : i32
      %mul3A_308 = arith.muli %add3A_306, %mul3A_307 : i32
      %add3A_309 = arith.addi %mul3A_2, %mul3A_308 : i32
      %dma_start3A_310 = arith.constant 0 : i32
      %dma_start3A_311 = tpu.memref_slice %arg2[%dma_start3A_310, %add3A_309] : memref<2x327680xi32, #tpu.memory_space<hbm>> -> memref<1x128xi32, #tpu.memory_space<hbm>>
      %dma_start3A_312 = tpu.memref_squeeze %dma_start3A_311 : memref<1x128xi32, #tpu.memory_space<hbm>> -> memref<128xi32, #tpu.memory_space<hbm>>
      %dma_start3A_313 = tpu.memref_slice %arg2[%dma_start3A_310, %add3A_309] : memref<2x327680xi32, #tpu.memory_space<hbm>> -> memref<1x128xi32, #tpu.memory_space<hbm>>
      %dma_start3A_314 = tpu.memref_squeeze %dma_start3A_313 : memref<1x128xi32, #tpu.memory_space<hbm>> -> memref<128xi32, #tpu.memory_space<hbm>>
      tpu.enqueue_dma source(%dma_start3A_314 : memref<128xi32, #tpu.memory_space<hbm>>) target(%arg8 : memref<128xi32, #tpu.memory_space<vmem>>) target_semaphore(%arg25 : memref<!tpu.dma_semaphore, #tpu.memory_space<semaphore_mem>>)
      %mul3A_315 = arith.constant 128 : i32
      %mul3A_316 = arith.muli %add3A_306, %mul3A_315 : i32
      %add3A_317 = arith.addi %mul3A_2, %mul3A_316 : i32
      %dma_start3A_318 = arith.constant 1 : i32
      %dma_start3A_319 = tpu.memref_slice %arg2[%dma_start3A_318, %add3A_317] : memref<2x327680xi32, #tpu.memory_space<hbm>> -> memref<1x128xi32, #tpu.memory_space<hbm>>
      %dma_start3A_320 = tpu.memref_squeeze %dma_start3A_319 : memref<1x128xi32, #tpu.memory_space<hbm>> -> memref<128xi32, #tpu.memory_space<hbm>>
      %dma_start3A_321 = tpu.memref_slice %arg2[%dma_start3A_318, %add3A_317] : memref<2x327680xi32, #tpu.memory_space<hbm>> -> memref<1x128xi32, #tpu.memory_space<hbm>>
      %dma_start3A_322 = tpu.memref_squeeze %dma_start3A_321 : memref<1x128xi32, #tpu.memory_space<hbm>> -> memref<128xi32, #tpu.memory_space<hbm>>
      tpu.enqueue_dma source(%dma_start3A_322 : memref<128xi32, #tpu.memory_space<hbm>>) target(%arg12 : memref<128xi32, #tpu.memory_space<vmem>>) target_semaphore(%arg29 : memref<!tpu.dma_semaphore, #tpu.memory_space<semaphore_mem>>)
      %dma_wait3A_323 = arith.constant 0 : i32
      %dma_wait3A_324 = arith.constant 0 : i32
      %dma_wait3A_325 = tpu.memref_slice %arg2[%dma_wait3A_323, %dma_wait3A_324] : memref<2x327680xi32, #tpu.memory_space<hbm>> -> memref<1x128xi32, #tpu.memory_space<hbm>>
      %dma_wait3A_326 = tpu.memref_squeeze %dma_wait3A_325 : memref<1x128xi32, #tpu.memory_space<hbm>> -> memref<128xi32, #tpu.memory_space<hbm>>
      %dma_wait3A_327 = arith.constant 0 : i32
      %dma_wait3A_328 = tpu.memref_slice %arg2[%dma_wait3A_323, %dma_wait3A_327] : memref<2x327680xi32, #tpu.memory_space<hbm>> -> memref<1x128xi32, #tpu.memory_space<hbm>>
      %dma_wait3A_329 = tpu.memref_squeeze %dma_wait3A_328 : memref<1x128xi32, #tpu.memory_space<hbm>> -> memref<128xi32, #tpu.memory_space<hbm>>
      tpu.wait_dma2 semaphore(%arg24 : memref<!tpu.dma_semaphore, #tpu.memory_space<semaphore_mem>>) src(%dma_wait3A_329 : memref<128xi32, #tpu.memory_space<hbm>>) dst(%arg7 : memref<128xi32, #tpu.memory_space<vmem>>)
      %dma_start3A_330 = arith.constant 0 : i32
      %dma_start3A_331 = arith.constant 0 : i32
      %dma_start3A_332 = tpu.memref_slice %arg41[%dma_start3A_330, %dma_start3A_331] : memref<10240x40xf32, #tpu.memory_space<vmem_shared>> -> memref<10240x40xf32, #tpu.memory_space<vmem_shared>>
      tpu.enqueue_indirect_dma source(%dma_start3A_332 : memref<10240x40xf32, #tpu.memory_space<vmem_shared>>) target(%arg15 : memref<128x40xf32, #tpu.memory_space<vmem>>) offsets(%arg7 : memref<128xi32, #tpu.memory_space<vmem>>) semaphore(%arg32 : memref<!tpu.dma_semaphore, #tpu.memory_space<semaphore_mem>>)
      %mul3A_333 = arith.constant 4 : i32
      %mul3A_334 = arith.muli %mul3A_333, %scan3A_220 : i32
      %add3A_335 = arith.constant 2 : i32
      %add3A_336 = arith.addi %add3A_335, %mul3A_334 : i32
      %add3A_337 = arith.constant 2 : i32
      %add3A_338 = arith.addi %add3A_336, %add3A_337 : i32
      %dma_wait3A_339 = arith.constant 0 : i32
      %dma_wait3A_340 = arith.constant 0 : i32
      %dma_wait3A_341 = tpu.memref_slice %arg41[%dma_wait3A_339, %dma_wait3A_340] : memref<10240x40xf32, #tpu.memory_space<vmem_shared>> -> memref<128x40xf32, #tpu.memory_space<vmem_shared>>
      %dma_wait3A_342 = arith.constant 0 : i32
      %dma_wait3A_343 = arith.constant 0 : i32
      %dma_wait3A_344 = tpu.memref_slice %arg41[%dma_wait3A_342, %dma_wait3A_343] : memref<10240x40xf32, #tpu.memory_space<vmem_shared>> -> memref<128x40xf32, #tpu.memory_space<vmem_shared>>
      tpu.wait_dma2 semaphore(%arg32 : memref<!tpu.dma_semaphore, #tpu.memory_space<semaphore_mem>>) src(%dma_wait3A_344 : memref<128x40xf32, #tpu.memory_space<vmem_shared>>) dst(%arg15 : memref<128x40xf32, #tpu.memory_space<vmem>>)
      %dma_wait3A_345 = arith.constant 1 : i32
      %dma_wait3A_346 = arith.constant 0 : i32
      %dma_wait3A_347 = tpu.memref_slice %arg2[%dma_wait3A_345, %dma_wait3A_346] : memref<2x327680xi32, #tpu.memory_space<hbm>> -> memref<1x128xi32, #tpu.memory_space<hbm>>
      %dma_wait3A_348 = tpu.memref_squeeze %dma_wait3A_347 : memref<1x128xi32, #tpu.memory_space<hbm>> -> memref<128xi32, #tpu.memory_space<hbm>>
      %dma_wait3A_349 = arith.constant 0 : i32
      %dma_wait3A_350 = tpu.memref_slice %arg2[%dma_wait3A_345, %dma_wait3A_349] : memref<2x327680xi32, #tpu.memory_space<hbm>> -> memref<1x128xi32, #tpu.memory_space<hbm>>
      %dma_wait3A_351 = tpu.memref_squeeze %dma_wait3A_350 : memref<1x128xi32, #tpu.memory_space<hbm>> -> memref<128xi32, #tpu.memory_space<hbm>>
      tpu.wait_dma2 semaphore(%arg28 : memref<!tpu.dma_semaphore, #tpu.memory_space<semaphore_mem>>) src(%dma_wait3A_351 : memref<128xi32, #tpu.memory_space<hbm>>) dst(%arg11 : memref<128xi32, #tpu.memory_space<vmem>>)
      %dma_start3A_352 = arith.constant 0 : i32
      %dma_start3A_353 = arith.constant 0 : i32
      %dma_start3A_354 = tpu.memref_slice %arg40[%dma_start3A_352, %dma_start3A_353] : memref<10240x40xf32, #tpu.memory_space<vmem_shared>> -> memref<10240x40xf32, #tpu.memory_space<vmem_shared>>
      tpu.enqueue_indirect_dma source(%arg15 : memref<128x40xf32, #tpu.memory_space<vmem>>) target(%dma_start3A_354 : memref<10240x40xf32, #tpu.memory_space<vmem_shared>>) offsets(%arg11 : memref<128xi32, #tpu.memory_space<vmem>>) semaphore(%arg36 : memref<!tpu.dma_semaphore, #tpu.memory_space<semaphore_mem>>) {add = true}
      %dma_wait3A_355 = arith.constant 0 : i32
      %dma_wait3A_356 = arith.constant 0 : i32
      %dma_wait3A_357 = tpu.memref_slice %arg40[%dma_wait3A_355, %dma_wait3A_356] : memref<10240x40xf32, #tpu.memory_space<vmem_shared>> -> memref<128x40xf32, #tpu.memory_space<vmem_shared>>
      %dma_wait3A_358 = arith.constant 0 : i32
      %dma_wait3A_359 = arith.constant 0 : i32
      %dma_wait3A_360 = tpu.memref_slice %arg40[%dma_wait3A_358, %dma_wait3A_359] : memref<10240x40xf32, #tpu.memory_space<vmem_shared>> -> memref<128x40xf32, #tpu.memory_space<vmem_shared>>
      tpu.wait_dma2 semaphore(%arg38 : memref<!tpu.dma_semaphore, #tpu.memory_space<semaphore_mem>>) src(%arg17 : memref<128x40xf32, #tpu.memory_space<vmem>>) dst(%dma_wait3A_360 : memref<128x40xf32, #tpu.memory_space<vmem_shared>>)
      %add3A_361 = arith.constant 2 : i32
      %add3A_362 = arith.addi %add3A_338, %add3A_361 : i32
      %mul3A_363 = arith.constant 128 : i32
      %mul3A_364 = arith.muli %add3A_362, %mul3A_363 : i32
      %add3A_365 = arith.addi %mul3A_2, %mul3A_364 : i32
      %dma_start3A_366 = arith.constant 0 : i32
      %dma_start3A_367 = tpu.memref_slice %arg2[%dma_start3A_366, %add3A_365] : memref<2x327680xi32, #tpu.memory_space<hbm>> -> memref<1x128xi32, #tpu.memory_space<hbm>>
      %dma_start3A_368 = tpu.memref_squeeze %dma_start3A_367 : memref<1x128xi32, #tpu.memory_space<hbm>> -> memref<128xi32, #tpu.memory_space<hbm>>
      %dma_start3A_369 = tpu.memref_slice %arg2[%dma_start3A_366, %add3A_365] : memref<2x327680xi32, #tpu.memory_space<hbm>> -> memref<1x128xi32, #tpu.memory_space<hbm>>
      %dma_start3A_370 = tpu.memref_squeeze %dma_start3A_369 : memref<1x128xi32, #tpu.memory_space<hbm>> -> memref<128xi32, #tpu.memory_space<hbm>>
      tpu.enqueue_dma source(%dma_start3A_370 : memref<128xi32, #tpu.memory_space<hbm>>) target(%arg9 : memref<128xi32, #tpu.memory_space<vmem>>) target_semaphore(%arg26 : memref<!tpu.dma_semaphore, #tpu.memory_space<semaphore_mem>>)
      %mul3A_371 = arith.constant 128 : i32
      %mul3A_372 = arith.muli %add3A_362, %mul3A_371 : i32
      %add3A_373 = arith.addi %mul3A_2, %mul3A_372 : i32
      %dma_start3A_374 = arith.constant 1 : i32
      %dma_start3A_375 = tpu.memref_slice %arg2[%dma_start3A_374, %add3A_373] : memref<2x327680xi32, #tpu.memory_space<hbm>> -> memref<1x128xi32, #tpu.memory_space<hbm>>
      %dma_start3A_376 = tpu.memref_squeeze %dma_start3A_375 : memref<1x128xi32, #tpu.memory_space<hbm>> -> memref<128xi32, #tpu.memory_space<hbm>>
      %dma_start3A_377 = tpu.memref_slice %arg2[%dma_start3A_374, %add3A_373] : memref<2x327680xi32, #tpu.memory_space<hbm>> -> memref<1x128xi32, #tpu.memory_space<hbm>>
      %dma_start3A_378 = tpu.memref_squeeze %dma_start3A_377 : memref<1x128xi32, #tpu.memory_space<hbm>> -> memref<128xi32, #tpu.memory_space<hbm>>
      tpu.enqueue_dma source(%dma_start3A_378 : memref<128xi32, #tpu.memory_space<hbm>>) target(%arg13 : memref<128xi32, #tpu.memory_space<vmem>>) target_semaphore(%arg30 : memref<!tpu.dma_semaphore, #tpu.memory_space<semaphore_mem>>)
      %dma_wait3A_379 = arith.constant 0 : i32
      %dma_wait3A_380 = arith.constant 0 : i32
      %dma_wait3A_381 = tpu.memref_slice %arg2[%dma_wait3A_379, %dma_wait3A_380] : memref<2x327680xi32, #tpu.memory_space<hbm>> -> memref<1x128xi32, #tpu.memory_space<hbm>>
      %dma_wait3A_382 = tpu.memref_squeeze %dma_wait3A_381 : memref<1x128xi32, #tpu.memory_space<hbm>> -> memref<128xi32, #tpu.memory_space<hbm>>
      %dma_wait3A_383 = arith.constant 0 : i32
      %dma_wait3A_384 = tpu.memref_slice %arg2[%dma_wait3A_379, %dma_wait3A_383] : memref<2x327680xi32, #tpu.memory_space<hbm>> -> memref<1x128xi32, #tpu.memory_space<hbm>>
      %dma_wait3A_385 = tpu.memref_squeeze %dma_wait3A_384 : memref<1x128xi32, #tpu.memory_space<hbm>> -> memref<128xi32, #tpu.memory_space<hbm>>
      tpu.wait_dma2 semaphore(%arg25 : memref<!tpu.dma_semaphore, #tpu.memory_space<semaphore_mem>>) src(%dma_wait3A_385 : memref<128xi32, #tpu.memory_space<hbm>>) dst(%arg8 : memref<128xi32, #tpu.memory_space<vmem>>)
      %dma_start3A_386 = arith.constant 0 : i32
      %dma_start3A_387 = arith.constant 0 : i32
      %dma_start3A_388 = tpu.memref_slice %arg41[%dma_start3A_386, %dma_start3A_387] : memref<10240x40xf32, #tpu.memory_space<vmem_shared>> -> memref<10240x40xf32, #tpu.memory_space<vmem_shared>>
      tpu.enqueue_indirect_dma source(%dma_start3A_388 : memref<10240x40xf32, #tpu.memory_space<vmem_shared>>) target(%arg16 : memref<128x40xf32, #tpu.memory_space<vmem>>) offsets(%arg8 : memref<128xi32, #tpu.memory_space<vmem>>) semaphore(%arg33 : memref<!tpu.dma_semaphore, #tpu.memory_space<semaphore_mem>>)
      %mul3A_389 = arith.constant 4 : i32
      %mul3A_390 = arith.muli %mul3A_389, %scan3A_220 : i32
      %add3A_391 = arith.constant 2 : i32
      %add3A_392 = arith.addi %add3A_391, %mul3A_390 : i32
      %add3A_393 = arith.constant 3 : i32
      %add3A_394 = arith.addi %add3A_392, %add3A_393 : i32
      %dma_wait3A_395 = arith.constant 0 : i32
      %dma_wait3A_396 = arith.constant 0 : i32
      %dma_wait3A_397 = tpu.memref_slice %arg41[%dma_wait3A_395, %dma_wait3A_396] : memref<10240x40xf32, #tpu.memory_space<vmem_shared>> -> memref<128x40xf32, #tpu.memory_space<vmem_shared>>
      %dma_wait3A_398 = arith.constant 0 : i32
      %dma_wait3A_399 = arith.constant 0 : i32
      %dma_wait3A_400 = tpu.memref_slice %arg41[%dma_wait3A_398, %dma_wait3A_399] : memref<10240x40xf32, #tpu.memory_space<vmem_shared>> -> memref<128x40xf32, #tpu.memory_space<vmem_shared>>
      tpu.wait_dma2 semaphore(%arg33 : memref<!tpu.dma_semaphore, #tpu.memory_space<semaphore_mem>>) src(%dma_wait3A_400 : memref<128x40xf32, #tpu.memory_space<vmem_shared>>) dst(%arg16 : memref<128x40xf32, #tpu.memory_space<vmem>>)
      %dma_wait3A_401 = arith.constant 1 : i32
      %dma_wait3A_402 = arith.constant 0 : i32
      %dma_wait3A_403 = tpu.memref_slice %arg2[%dma_wait3A_401, %dma_wait3A_402] : memref<2x327680xi32, #tpu.memory_space<hbm>> -> memref<1x128xi32, #tpu.memory_space<hbm>>
      %dma_wait3A_404 = tpu.memref_squeeze %dma_wait3A_403 : memref<1x128xi32, #tpu.memory_space<hbm>> -> memref<128xi32, #tpu.memory_space<hbm>>
      %dma_wait3A_405 = arith.constant 0 : i32
      %dma_wait3A_406 = tpu.memref_slice %arg2[%dma_wait3A_401, %dma_wait3A_405] : memref<2x327680xi32, #tpu.memory_space<hbm>> -> memref<1x128xi32, #tpu.memory_space<hbm>>
      %dma_wait3A_407 = tpu.memref_squeeze %dma_wait3A_406 : memref<1x128xi32, #tpu.memory_space<hbm>> -> memref<128xi32, #tpu.memory_space<hbm>>
      tpu.wait_dma2 semaphore(%arg29 : memref<!tpu.dma_semaphore, #tpu.memory_space<semaphore_mem>>) src(%dma_wait3A_407 : memref<128xi32, #tpu.memory_space<hbm>>) dst(%arg12 : memref<128xi32, #tpu.memory_space<vmem>>)
      %dma_start3A_408 = arith.constant 0 : i32
      %dma_start3A_409 = arith.constant 0 : i32
      %dma_start3A_410 = tpu.memref_slice %arg40[%dma_start3A_408, %dma_start3A_409] : memref<10240x40xf32, #tpu.memory_space<vmem_shared>> -> memref<10240x40xf32, #tpu.memory_space<vmem_shared>>
      tpu.enqueue_indirect_dma source(%arg16 : memref<128x40xf32, #tpu.memory_space<vmem>>) target(%dma_start3A_410 : memref<10240x40xf32, #tpu.memory_space<vmem_shared>>) offsets(%arg12 : memref<128xi32, #tpu.memory_space<vmem>>) semaphore(%arg37 : memref<!tpu.dma_semaphore, #tpu.memory_space<semaphore_mem>>) {add = true}
      %dma_wait3A_411 = arith.constant 0 : i32
      %dma_wait3A_412 = arith.constant 0 : i32
      %dma_wait3A_413 = tpu.memref_slice %arg40[%dma_wait3A_411, %dma_wait3A_412] : memref<10240x40xf32, #tpu.memory_space<vmem_shared>> -> memref<128x40xf32, #tpu.memory_space<vmem_shared>>
      %dma_wait3A_414 = arith.constant 0 : i32
      %dma_wait3A_415 = arith.constant 0 : i32
      %dma_wait3A_416 = tpu.memref_slice %arg40[%dma_wait3A_414, %dma_wait3A_415] : memref<10240x40xf32, #tpu.memory_space<vmem_shared>> -> memref<128x40xf32, #tpu.memory_space<vmem_shared>>
      tpu.wait_dma2 semaphore(%arg39 : memref<!tpu.dma_semaphore, #tpu.memory_space<semaphore_mem>>) src(%arg18 : memref<128x40xf32, #tpu.memory_space<vmem>>) dst(%dma_wait3A_416 : memref<128x40xf32, #tpu.memory_space<vmem_shared>>)
      %add3A_417 = arith.constant 2 : i32
      %add3A_418 = arith.addi %add3A_394, %add3A_417 : i32
      %mul3A_419 = arith.constant 128 : i32
      %mul3A_420 = arith.muli %add3A_418, %mul3A_419 : i32
      %add3A_421 = arith.addi %mul3A_2, %mul3A_420 : i32
      %dma_start3A_422 = arith.constant 0 : i32
      %dma_start3A_423 = tpu.memref_slice %arg2[%dma_start3A_422, %add3A_421] : memref<2x327680xi32, #tpu.memory_space<hbm>> -> memref<1x128xi32, #tpu.memory_space<hbm>>
      %dma_start3A_424 = tpu.memref_squeeze %dma_start3A_423 : memref<1x128xi32, #tpu.memory_space<hbm>> -> memref<128xi32, #tpu.memory_space<hbm>>
      %dma_start3A_425 = tpu.memref_slice %arg2[%dma_start3A_422, %add3A_421] : memref<2x327680xi32, #tpu.memory_space<hbm>> -> memref<1x128xi32, #tpu.memory_space<hbm>>
      %dma_start3A_426 = tpu.memref_squeeze %dma_start3A_425 : memref<1x128xi32, #tpu.memory_space<hbm>> -> memref<128xi32, #tpu.memory_space<hbm>>
      tpu.enqueue_dma source(%dma_start3A_426 : memref<128xi32, #tpu.memory_space<hbm>>) target(%arg10 : memref<128xi32, #tpu.memory_space<vmem>>) target_semaphore(%arg27 : memref<!tpu.dma_semaphore, #tpu.memory_space<semaphore_mem>>)
      %mul3A_427 = arith.constant 128 : i32
      %mul3A_428 = arith.muli %add3A_418, %mul3A_427 : i32
      %add3A_429 = arith.addi %mul3A_2, %mul3A_428 : i32
      %dma_start3A_430 = arith.constant 1 : i32
      %dma_start3A_431 = tpu.memref_slice %arg2[%dma_start3A_430, %add3A_429] : memref<2x327680xi32, #tpu.memory_space<hbm>> -> memref<1x128xi32, #tpu.memory_space<hbm>>
      %dma_start3A_432 = tpu.memref_squeeze %dma_start3A_431 : memref<1x128xi32, #tpu.memory_space<hbm>> -> memref<128xi32, #tpu.memory_space<hbm>>
      %dma_start3A_433 = tpu.memref_slice %arg2[%dma_start3A_430, %add3A_429] : memref<2x327680xi32, #tpu.memory_space<hbm>> -> memref<1x128xi32, #tpu.memory_space<hbm>>
      %dma_start3A_434 = tpu.memref_squeeze %dma_start3A_433 : memref<1x128xi32, #tpu.memory_space<hbm>> -> memref<128xi32, #tpu.memory_space<hbm>>
      tpu.enqueue_dma source(%dma_start3A_434 : memref<128xi32, #tpu.memory_space<hbm>>) target(%arg14 : memref<128xi32, #tpu.memory_space<vmem>>) target_semaphore(%arg31 : memref<!tpu.dma_semaphore, #tpu.memory_space<semaphore_mem>>)
      %dma_wait3A_435 = arith.constant 0 : i32
      %dma_wait3A_436 = arith.constant 0 : i32
      %dma_wait3A_437 = tpu.memref_slice %arg2[%dma_wait3A_435, %dma_wait3A_436] : memref<2x327680xi32, #tpu.memory_space<hbm>> -> memref<1x128xi32, #tpu.memory_space<hbm>>
      %dma_wait3A_438 = tpu.memref_squeeze %dma_wait3A_437 : memref<1x128xi32, #tpu.memory_space<hbm>> -> memref<128xi32, #tpu.memory_space<hbm>>
      %dma_wait3A_439 = arith.constant 0 : i32
      %dma_wait3A_440 = tpu.memref_slice %arg2[%dma_wait3A_435, %dma_wait3A_439] : memref<2x327680xi32, #tpu.memory_space<hbm>> -> memref<1x128xi32, #tpu.memory_space<hbm>>
      %dma_wait3A_441 = tpu.memref_squeeze %dma_wait3A_440 : memref<1x128xi32, #tpu.memory_space<hbm>> -> memref<128xi32, #tpu.memory_space<hbm>>
      tpu.wait_dma2 semaphore(%arg26 : memref<!tpu.dma_semaphore, #tpu.memory_space<semaphore_mem>>) src(%dma_wait3A_441 : memref<128xi32, #tpu.memory_space<hbm>>) dst(%arg9 : memref<128xi32, #tpu.memory_space<vmem>>)
      %dma_start3A_442 = arith.constant 0 : i32
      %dma_start3A_443 = arith.constant 0 : i32
      %dma_start3A_444 = tpu.memref_slice %arg41[%dma_start3A_442, %dma_start3A_443] : memref<10240x40xf32, #tpu.memory_space<vmem_shared>> -> memref<10240x40xf32, #tpu.memory_space<vmem_shared>>
      tpu.enqueue_indirect_dma source(%dma_start3A_444 : memref<10240x40xf32, #tpu.memory_space<vmem_shared>>) target(%arg17 : memref<128x40xf32, #tpu.memory_space<vmem>>) offsets(%arg9 : memref<128xi32, #tpu.memory_space<vmem>>) semaphore(%arg34 : memref<!tpu.dma_semaphore, #tpu.memory_space<semaphore_mem>>)
    }
    %scan3A_148 = arith.constant 19 : i32
    %dma_wait3A_149 = arith.constant 0 : i32
    %dma_wait3A_150 = arith.constant 0 : i32
    %dma_wait3A_151 = tpu.memref_slice %arg41[%dma_wait3A_149, %dma_wait3A_150] : memref<10240x40xf32, #tpu.memory_space<vmem_shared>> -> memref<128x40xf32, #tpu.memory_space<vmem_shared>>
    %dma_wait3A_152 = arith.constant 0 : i32
    %dma_wait3A_153 = arith.constant 0 : i32
    %dma_wait3A_154 = tpu.memref_slice %arg41[%dma_wait3A_152, %dma_wait3A_153] : memref<10240x40xf32, #tpu.memory_space<vmem_shared>> -> memref<128x40xf32, #tpu.memory_space<vmem_shared>>
    tpu.wait_dma2 semaphore(%arg34 : memref<!tpu.dma_semaphore, #tpu.memory_space<semaphore_mem>>) src(%dma_wait3A_154 : memref<128x40xf32, #tpu.memory_space<vmem_shared>>) dst(%arg17 : memref<128x40xf32, #tpu.memory_space<vmem>>)
    %dma_wait3A_155 = arith.constant 1 : i32
    %dma_wait3A_156 = arith.constant 0 : i32
    %dma_wait3A_157 = tpu.memref_slice %arg2[%dma_wait3A_155, %dma_wait3A_156] : memref<2x327680xi32, #tpu.memory_space<hbm>> -> memref<1x128xi32, #tpu.memory_space<hbm>>
    %dma_wait3A_158 = tpu.memref_squeeze %dma_wait3A_157 : memref<1x128xi32, #tpu.memory_space<hbm>> -> memref<128xi32, #tpu.memory_space<hbm>>
    %dma_wait3A_159 = arith.constant 0 : i32
    %dma_wait3A_160 = tpu.memref_slice %arg2[%dma_wait3A_155, %dma_wait3A_159] : memref<2x327680xi32, #tpu.memory_space<hbm>> -> memref<1x128xi32, #tpu.memory_space<hbm>>
    %dma_wait3A_161 = tpu.memref_squeeze %dma_wait3A_160 : memref<1x128xi32, #tpu.memory_space<hbm>> -> memref<128xi32, #tpu.memory_space<hbm>>
    tpu.wait_dma2 semaphore(%arg30 : memref<!tpu.dma_semaphore, #tpu.memory_space<semaphore_mem>>) src(%dma_wait3A_161 : memref<128xi32, #tpu.memory_space<hbm>>) dst(%arg13 : memref<128xi32, #tpu.memory_space<vmem>>)
    %dma_start3A_162 = arith.constant 0 : i32
    %dma_start3A_163 = arith.constant 0 : i32
    %dma_start3A_164 = tpu.memref_slice %arg40[%dma_start3A_162, %dma_start3A_163] : memref<10240x40xf32, #tpu.memory_space<vmem_shared>> -> memref<10240x40xf32, #tpu.memory_space<vmem_shared>>
    tpu.enqueue_indirect_dma source(%arg17 : memref<128x40xf32, #tpu.memory_space<vmem>>) target(%dma_start3A_164 : memref<10240x40xf32, #tpu.memory_space<vmem_shared>>) offsets(%arg13 : memref<128xi32, #tpu.memory_space<vmem>>) semaphore(%arg38 : memref<!tpu.dma_semaphore, #tpu.memory_space<semaphore_mem>>) {add = true}
    %dma_wait3A_165 = arith.constant 0 : i32
    %dma_wait3A_166 = arith.constant 0 : i32
    %dma_wait3A_167 = tpu.memref_slice %arg2[%dma_wait3A_165, %dma_wait3A_166] : memref<2x327680xi32, #tpu.memory_space<hbm>> -> memref<1x128xi32, #tpu.memory_space<hbm>>
    %dma_wait3A_168 = tpu.memref_squeeze %dma_wait3A_167 : memref<1x128xi32, #tpu.memory_space<hbm>> -> memref<128xi32, #tpu.memory_space<hbm>>
    %dma_wait3A_169 = arith.constant 0 : i32
    %dma_wait3A_170 = tpu.memref_slice %arg2[%dma_wait3A_165, %dma_wait3A_169] : memref<2x327680xi32, #tpu.memory_space<hbm>> -> memref<1x128xi32, #tpu.memory_space<hbm>>
    %dma_wait3A_171 = tpu.memref_squeeze %dma_wait3A_170 : memref<1x128xi32, #tpu.memory_space<hbm>> -> memref<128xi32, #tpu.memory_space<hbm>>
    tpu.wait_dma2 semaphore(%arg27 : memref<!tpu.dma_semaphore, #tpu.memory_space<semaphore_mem>>) src(%dma_wait3A_171 : memref<128xi32, #tpu.memory_space<hbm>>) dst(%arg10 : memref<128xi32, #tpu.memory_space<vmem>>)
    %dma_start3A_172 = arith.constant 0 : i32
    %dma_start3A_173 = arith.constant 0 : i32
    %dma_start3A_174 = tpu.memref_slice %arg41[%dma_start3A_172, %dma_start3A_173] : memref<10240x40xf32, #tpu.memory_space<vmem_shared>> -> memref<10240x40xf32, #tpu.memory_space<vmem_shared>>
    tpu.enqueue_indirect_dma source(%dma_start3A_174 : memref<10240x40xf32, #tpu.memory_space<vmem_shared>>) target(%arg18 : memref<128x40xf32, #tpu.memory_space<vmem>>) offsets(%arg10 : memref<128xi32, #tpu.memory_space<vmem>>) semaphore(%arg35 : memref<!tpu.dma_semaphore, #tpu.memory_space<semaphore_mem>>)
    %dma_wait3A_175 = arith.constant 0 : i32
    %dma_wait3A_176 = arith.constant 0 : i32
    %dma_wait3A_177 = tpu.memref_slice %arg41[%dma_wait3A_175, %dma_wait3A_176] : memref<10240x40xf32, #tpu.memory_space<vmem_shared>> -> memref<128x40xf32, #tpu.memory_space<vmem_shared>>
    %dma_wait3A_178 = arith.constant 0 : i32
    %dma_wait3A_179 = arith.constant 0 : i32
    %dma_wait3A_180 = tpu.memref_slice %arg41[%dma_wait3A_178, %dma_wait3A_179] : memref<10240x40xf32, #tpu.memory_space<vmem_shared>> -> memref<128x40xf32, #tpu.memory_space<vmem_shared>>
    tpu.wait_dma2 semaphore(%arg35 : memref<!tpu.dma_semaphore, #tpu.memory_space<semaphore_mem>>) src(%dma_wait3A_180 : memref<128x40xf32, #tpu.memory_space<vmem_shared>>) dst(%arg18 : memref<128x40xf32, #tpu.memory_space<vmem>>)
    %dma_wait3A_181 = arith.constant 1 : i32
    %dma_wait3A_182 = arith.constant 0 : i32
    %dma_wait3A_183 = tpu.memref_slice %arg2[%dma_wait3A_181, %dma_wait3A_182] : memref<2x327680xi32, #tpu.memory_space<hbm>> -> memref<1x128xi32, #tpu.memory_space<hbm>>
    %dma_wait3A_184 = tpu.memref_squeeze %dma_wait3A_183 : memref<1x128xi32, #tpu.memory_space<hbm>> -> memref<128xi32, #tpu.memory_space<hbm>>
    %dma_wait3A_185 = arith.constant 0 : i32
    %dma_wait3A_186 = tpu.memref_slice %arg2[%dma_wait3A_181, %dma_wait3A_185] : memref<2x327680xi32, #tpu.memory_space<hbm>> -> memref<1x128xi32, #tpu.memory_space<hbm>>
    %dma_wait3A_187 = tpu.memref_squeeze %dma_wait3A_186 : memref<1x128xi32, #tpu.memory_space<hbm>> -> memref<128xi32, #tpu.memory_space<hbm>>
    tpu.wait_dma2 semaphore(%arg31 : memref<!tpu.dma_semaphore, #tpu.memory_space<semaphore_mem>>) src(%dma_wait3A_187 : memref<128xi32, #tpu.memory_space<hbm>>) dst(%arg14 : memref<128xi32, #tpu.memory_space<vmem>>)
    %dma_start3A_188 = arith.constant 0 : i32
    %dma_start3A_189 = arith.constant 0 : i32
    %dma_start3A_190 = tpu.memref_slice %arg40[%dma_start3A_188, %dma_start3A_189] : memref<10240x40xf32, #tpu.memory_space<vmem_shared>> -> memref<10240x40xf32, #tpu.memory_space<vmem_shared>>
    tpu.enqueue_indirect_dma source(%arg18 : memref<128x40xf32, #tpu.memory_space<vmem>>) target(%dma_start3A_190 : memref<10240x40xf32, #tpu.memory_space<vmem_shared>>) offsets(%arg14 : memref<128xi32, #tpu.memory_space<vmem>>) semaphore(%arg39 : memref<!tpu.dma_semaphore, #tpu.memory_space<semaphore_mem>>) {add = true}
    %dma_wait3A_191 = arith.constant 0 : i32
    %dma_wait3A_192 = arith.constant 0 : i32
    %dma_wait3A_193 = tpu.memref_slice %arg40[%dma_wait3A_191, %dma_wait3A_192] : memref<10240x40xf32, #tpu.memory_space<vmem_shared>> -> memref<128x40xf32, #tpu.memory_space<vmem_shared>>
    %dma_wait3A_194 = arith.constant 0 : i32
    %dma_wait3A_195 = arith.constant 0 : i32
    %dma_wait3A_196 = tpu.memref_slice %arg40[%dma_wait3A_194, %dma_wait3A_195] : memref<10240x40xf32, #tpu.memory_space<vmem_shared>> -> memref<128x40xf32, #tpu.memory_space<vmem_shared>>
    tpu.wait_dma2 semaphore(%arg36 : memref<!tpu.dma_semaphore, #tpu.memory_space<semaphore_mem>>) src(%arg15 : memref<128x40xf32, #tpu.memory_space<vmem>>) dst(%dma_wait3A_196 : memref<128x40xf32, #tpu.memory_space<vmem_shared>>)
    %dma_wait3A_197 = arith.constant 0 : i32
    %dma_wait3A_198 = arith.constant 0 : i32
    %dma_wait3A_199 = tpu.memref_slice %arg40[%dma_wait3A_197, %dma_wait3A_198] : memref<10240x40xf32, #tpu.memory_space<vmem_shared>> -> memref<128x40xf32, #tpu.memory_space<vmem_shared>>
    %dma_wait3A_200 = arith.constant 0 : i32
    %dma_wait3A_201 = arith.constant 0 : i32
    %dma_wait3A_202 = tpu.memref_slice %arg40[%dma_wait3A_200, %dma_wait3A_201] : memref<10240x40xf32, #tpu.memory_space<vmem_shared>> -> memref<128x40xf32, #tpu.memory_space<vmem_shared>>
    tpu.wait_dma2 semaphore(%arg37 : memref<!tpu.dma_semaphore, #tpu.memory_space<semaphore_mem>>) src(%arg16 : memref<128x40xf32, #tpu.memory_space<vmem>>) dst(%dma_wait3A_202 : memref<128x40xf32, #tpu.memory_space<vmem_shared>>)
    %dma_wait3A_203 = arith.constant 0 : i32
    %dma_wait3A_204 = arith.constant 0 : i32
    %dma_wait3A_205 = tpu.memref_slice %arg40[%dma_wait3A_203, %dma_wait3A_204] : memref<10240x40xf32, #tpu.memory_space<vmem_shared>> -> memref<128x40xf32, #tpu.memory_space<vmem_shared>>
    %dma_wait3A_206 = arith.constant 0 : i32
    %dma_wait3A_207 = arith.constant 0 : i32
    %dma_wait3A_208 = tpu.memref_slice %arg40[%dma_wait3A_206, %dma_wait3A_207] : memref<10240x40xf32, #tpu.memory_space<vmem_shared>> -> memref<128x40xf32, #tpu.memory_space<vmem_shared>>
    tpu.wait_dma2 semaphore(%arg38 : memref<!tpu.dma_semaphore, #tpu.memory_space<semaphore_mem>>) src(%arg17 : memref<128x40xf32, #tpu.memory_space<vmem>>) dst(%dma_wait3A_208 : memref<128x40xf32, #tpu.memory_space<vmem_shared>>)
    %dma_wait3A_209 = arith.constant 0 : i32
    %dma_wait3A_210 = arith.constant 0 : i32
    %dma_wait3A_211 = tpu.memref_slice %arg40[%dma_wait3A_209, %dma_wait3A_210] : memref<10240x40xf32, #tpu.memory_space<vmem_shared>> -> memref<128x40xf32, #tpu.memory_space<vmem_shared>>
    %dma_wait3A_212 = arith.constant 0 : i32
    %dma_wait3A_213 = arith.constant 0 : i32
    %dma_wait3A_214 = tpu.memref_slice %arg40[%dma_wait3A_212, %dma_wait3A_213] : memref<10240x40xf32, #tpu.memory_space<vmem_shared>> -> memref<128x40xf32, #tpu.memory_space<vmem_shared>>
    tpu.wait_dma2 semaphore(%arg39 : memref<!tpu.dma_semaphore, #tpu.memory_space<semaphore_mem>>) src(%arg18 : memref<128x40xf32, #tpu.memory_space<vmem>>) dst(%dma_wait3A_214 : memref<128x40xf32, #tpu.memory_space<vmem_shared>>)
    %barrier3A_215 = arith.constant 0 : index
    tpu.barrier barrier_id(%barrier3A_215)
    %mul3A_216 = arith.constant 640 : i32
    %mul3A_217 = arith.muli %arg1, %mul3A_216 : i32
    "tpu.region"() ({
      %run_scoped3A_220 = tpu.sem_alloc : memref<!tpu.dma_semaphore, #tpu.memory_space<semaphore_mem>>
      %dma_start3A_221 = arith.constant 0 : i32
      %dma_start3A_222 = tpu.memref_slice %arg40[%mul3A_217, %dma_start3A_221] : memref<10240x40xf32, #tpu.memory_space<vmem_shared>> -> memref<640x40xf32, #tpu.memory_space<vmem_shared>>
      %dma_start3A_223 = arith.constant 0 : i32
      %dma_start3A_224 = tpu.memref_slice %arg40[%mul3A_217, %dma_start3A_223] : memref<10240x40xf32, #tpu.memory_space<vmem_shared>> -> memref<640x40xf32, #tpu.memory_space<vmem_shared>>
      tpu.enqueue_dma source(%dma_start3A_224 : memref<640x40xf32, #tpu.memory_space<vmem_shared>>) target(%arg19 : memref<640x40xf32, #tpu.memory_space<vmem>>) target_semaphore(%run_scoped3A_220 : memref<!tpu.dma_semaphore, #tpu.memory_space<semaphore_mem>>)
      %dma_wait3A_225 = arith.constant 0 : i32
      %dma_wait3A_226 = tpu.memref_slice %arg40[%mul3A_217, %dma_wait3A_225] : memref<10240x40xf32, #tpu.memory_space<vmem_shared>> -> memref<640x40xf32, #tpu.memory_space<vmem_shared>>
      %dma_wait3A_227 = arith.constant 0 : i32
      %dma_wait3A_228 = tpu.memref_slice %arg40[%mul3A_217, %dma_wait3A_227] : memref<10240x40xf32, #tpu.memory_space<vmem_shared>> -> memref<640x40xf32, #tpu.memory_space<vmem_shared>>
      tpu.wait_dma2 semaphore(%run_scoped3A_220 : memref<!tpu.dma_semaphore, #tpu.memory_space<semaphore_mem>>) src(%dma_wait3A_228 : memref<640x40xf32, #tpu.memory_space<vmem_shared>>) dst(%arg19 : memref<640x40xf32, #tpu.memory_space<vmem>>)
      tpu.yield
    }) : () -> ()
    %mul3A_218 = arith.constant 640 : i32
    %mul3A_219 = arith.muli %arg1, %mul3A_218 : i32
    "tpu.region"() ({
      %run_scoped3A_220 = tpu.sem_alloc : memref<!tpu.dma_semaphore, #tpu.memory_space<semaphore_mem>>
      %dma_start3A_221 = arith.constant 0 : i32
      %dma_start3A_222 = tpu.memref_slice %arg6[%arg0, %mul3A_219, %dma_start3A_221] : memref<2x10240x40xf32, #tpu.memory_space<hbm>> -> memref<1x640x40xf32, #tpu.memory_space<hbm>>
      %dma_start3A_223 = tpu.memref_squeeze %dma_start3A_222 : memref<1x640x40xf32, #tpu.memory_space<hbm>> -> memref<640x40xf32, #tpu.memory_space<hbm>>
      %dma_start3A_224 = arith.constant 0 : i32
      %dma_start3A_225 = tpu.memref_slice %arg6[%arg0, %mul3A_219, %dma_start3A_224] : memref<2x10240x40xf32, #tpu.memory_space<hbm>> -> memref<1x640x40xf32, #tpu.memory_space<hbm>>
      %dma_start3A_226 = tpu.memref_squeeze %dma_start3A_225 : memref<1x640x40xf32, #tpu.memory_space<hbm>> -> memref<640x40xf32, #tpu.memory_space<hbm>>
      tpu.enqueue_dma source(%arg19 : memref<640x40xf32, #tpu.memory_space<vmem>>) target(%dma_start3A_226 : memref<640x40xf32, #tpu.memory_space<hbm>>) target_semaphore(%run_scoped3A_220 : memref<!tpu.dma_semaphore, #tpu.memory_space<semaphore_mem>>)
      %dma_wait3A_227 = arith.constant 0 : i32
      %dma_wait3A_228 = tpu.memref_slice %arg6[%arg0, %mul3A_219, %dma_wait3A_227] : memref<2x10240x40xf32, #tpu.memory_space<hbm>> -> memref<1x640x40xf32, #tpu.memory_space<hbm>>
      %dma_wait3A_229 = tpu.memref_squeeze %dma_wait3A_228 : memref<1x640x40xf32, #tpu.memory_space<hbm>> -> memref<640x40xf32, #tpu.memory_space<hbm>>
      %dma_wait3A_230 = arith.constant 0 : i32
      %dma_wait3A_231 = tpu.memref_slice %arg6[%arg0, %mul3A_219, %dma_wait3A_230] : memref<2x10240x40xf32, #tpu.memory_space<hbm>> -> memref<1x640x40xf32, #tpu.memory_space<hbm>>
      %dma_wait3A_232 = tpu.memref_squeeze %dma_wait3A_231 : memref<1x640x40xf32, #tpu.memory_space<hbm>> -> memref<640x40xf32, #tpu.memory_space<hbm>>
      tpu.wait_dma2 semaphore(%run_scoped3A_220 : memref<!tpu.dma_semaphore, #tpu.memory_space<semaphore_mem>>) src(%arg19 : memref<640x40xf32, #tpu.memory_space<vmem>>) dst(%dma_wait3A_232 : memref<640x40xf32, #tpu.memory_space<hbm>>)
      tpu.yield
    }) : () -> ()
    return
  }
}

#map = affine_map<(d0, d1) -> (0, 0)>
#map1 = affine_map<(d0, d1) -> (0)>
module attributes {stable_mosaic.version = 14 : i64} {
  func.func @_sc_degree(%arg0: i32, %arg1: i32, %arg2: memref<2x327680xi32, #tpu.memory_space<hbm>>, %arg3: memref<128xf32, #tpu.memory_space<hbm>>, %arg4: memref<10240xf32, #tpu.memory_space<hbm>>, %arg5: memref<2x10240xf32, #tpu.memory_space<hbm>>, %arg6: memref<128xi32, #tpu.memory_space<vmem>>, %arg7: memref<128xi32, #tpu.memory_space<vmem>>, %arg8: memref<128xi32, #tpu.memory_space<vmem>>, %arg9: memref<128xi32, #tpu.memory_space<vmem>>, %arg10: memref<128xf32, #tpu.memory_space<vmem>>, %arg11: memref<640xf32, #tpu.memory_space<vmem>>, %arg12: memref<!tpu.dma_semaphore, #tpu.memory_space<semaphore_mem>>, %arg13: memref<!tpu.dma_semaphore, #tpu.memory_space<semaphore_mem>>, %arg14: memref<!tpu.dma_semaphore, #tpu.memory_space<semaphore_mem>>, %arg15: memref<!tpu.dma_semaphore, #tpu.memory_space<semaphore_mem>>, %arg16: memref<!tpu.dma_semaphore, #tpu.memory_space<semaphore_mem>>, %arg17: memref<!tpu.dma_semaphore, #tpu.memory_space<semaphore_mem>>, %arg18: memref<!tpu.dma_semaphore, #tpu.memory_space<semaphore_mem>>, %arg19: memref<!tpu.dma_semaphore, #tpu.memory_space<semaphore_mem>>, %arg20: memref<10240xf32, #tpu.memory_space<vmem_shared>>) attributes {dimension_semantics = [#tpu.dimension_semantics<core_parallel>, #tpu.dimension_semantics<subcore_parallel>], iteration_bounds = array<i64: 2, 16>, scalar_prefetch = 0 : i64, scratch_operands = 15 : i64, tpu.core_type = #tpu.core_type<sc_vector_subcore>, window_params = [{transform_indices = #map}, {transform_indices = #map1}, {transform_indices = #map1}, {transform_indices = #map}]} {
    %mul3A = arith.constant 16 : i32
    %mul3A_0 = arith.muli %arg0, %mul3A : i32
    %add3A = arith.addi %mul3A_0, %arg1 : i32
    %mul3A_1 = arith.constant 10240 : i32
    %mul3A_2 = arith.muli %add3A, %mul3A_1 : i32
    %mul3A_3 = arith.constant 640 : i32
    %mul3A_4 = arith.muli %arg1, %mul3A_3 : i32
    "tpu.region"() ({
      %run_scoped3A = tpu.sem_alloc : memref<!tpu.dma_semaphore, #tpu.memory_space<semaphore_mem>>
      %dma_start3A_95 = tpu.memref_slice %arg4[%mul3A_4] : memref<10240xf32, #tpu.memory_space<hbm>> -> memref<640xf32, #tpu.memory_space<hbm>>
      %dma_start3A_96 = tpu.memref_slice %arg4[%mul3A_4] : memref<10240xf32, #tpu.memory_space<hbm>> -> memref<640xf32, #tpu.memory_space<hbm>>
      tpu.enqueue_dma source(%dma_start3A_96 : memref<640xf32, #tpu.memory_space<hbm>>) target(%arg11 : memref<640xf32, #tpu.memory_space<vmem>>) target_semaphore(%run_scoped3A : memref<!tpu.dma_semaphore, #tpu.memory_space<semaphore_mem>>)
      %dma_wait3A_97 = tpu.memref_slice %arg4[%mul3A_4] : memref<10240xf32, #tpu.memory_space<hbm>> -> memref<640xf32, #tpu.memory_space<hbm>>
      %dma_wait3A_98 = tpu.memref_slice %arg4[%mul3A_4] : memref<10240xf32, #tpu.memory_space<hbm>> -> memref<640xf32, #tpu.memory_space<hbm>>
      tpu.wait_dma2 semaphore(%run_scoped3A : memref<!tpu.dma_semaphore, #tpu.memory_space<semaphore_mem>>) src(%dma_wait3A_98 : memref<640xf32, #tpu.memory_space<hbm>>) dst(%arg11 : memref<640xf32, #tpu.memory_space<vmem>>)
      tpu.yield
    }) : () -> ()
    %mul3A_5 = arith.constant 640 : i32
    %mul3A_6 = arith.muli %arg1, %mul3A_5 : i32
    "tpu.region"() ({
      %run_scoped3A = tpu.sem_alloc : memref<!tpu.dma_semaphore, #tpu.memory_space<semaphore_mem>>
      %dma_start3A_95 = tpu.memref_slice %arg20[%mul3A_6] : memref<10240xf32, #tpu.memory_space<vmem_shared>> -> memref<640xf32, #tpu.memory_space<vmem_shared>>
      %dma_start3A_96 = tpu.memref_slice %arg20[%mul3A_6] : memref<10240xf32, #tpu.memory_space<vmem_shared>> -> memref<640xf32, #tpu.memory_space<vmem_shared>>
      tpu.enqueue_dma source(%arg11 : memref<640xf32, #tpu.memory_space<vmem>>) target(%dma_start3A_96 : memref<640xf32, #tpu.memory_space<vmem_shared>>) target_semaphore(%run_scoped3A : memref<!tpu.dma_semaphore, #tpu.memory_space<semaphore_mem>>)
      %dma_wait3A_97 = tpu.memref_slice %arg20[%mul3A_6] : memref<10240xf32, #tpu.memory_space<vmem_shared>> -> memref<640xf32, #tpu.memory_space<vmem_shared>>
      %dma_wait3A_98 = tpu.memref_slice %arg20[%mul3A_6] : memref<10240xf32, #tpu.memory_space<vmem_shared>> -> memref<640xf32, #tpu.memory_space<vmem_shared>>
      tpu.wait_dma2 semaphore(%run_scoped3A : memref<!tpu.dma_semaphore, #tpu.memory_space<semaphore_mem>>) src(%arg11 : memref<640xf32, #tpu.memory_space<vmem>>) dst(%dma_wait3A_98 : memref<640xf32, #tpu.memory_space<vmem_shared>>)
      tpu.yield
    }) : () -> ()
    "tpu.region"() ({
      %run_scoped3A = tpu.sem_alloc : memref<!tpu.dma_semaphore, #tpu.memory_space<semaphore_mem>>
      tpu.enqueue_dma source(%arg3 : memref<128xf32, #tpu.memory_space<hbm>>) target(%arg10 : memref<128xf32, #tpu.memory_space<vmem>>) target_semaphore(%run_scoped3A : memref<!tpu.dma_semaphore, #tpu.memory_space<semaphore_mem>>)
      tpu.wait_dma2 semaphore(%run_scoped3A : memref<!tpu.dma_semaphore, #tpu.memory_space<semaphore_mem>>) src(%arg3 : memref<128xf32, #tpu.memory_space<hbm>>) dst(%arg10 : memref<128xf32, #tpu.memory_space<vmem>>)
      tpu.yield
    }) : () -> ()
    %barrier3A = arith.constant 0 : index
    tpu.barrier barrier_id(%barrier3A)
    %add3A_7 = arith.constant 0 : i32
    %add3A_8 = arith.addi %mul3A_2, %add3A_7 : i32
    %dma_start3A = arith.constant 1 : i32
    %dma_start3A_9 = tpu.memref_slice %arg2[%dma_start3A, %add3A_8] : memref<2x327680xi32, #tpu.memory_space<hbm>> -> memref<1x128xi32, #tpu.memory_space<hbm>>
    %dma_start3A_10 = tpu.memref_squeeze %dma_start3A_9 : memref<1x128xi32, #tpu.memory_space<hbm>> -> memref<128xi32, #tpu.memory_space<hbm>>
    %dma_start3A_11 = tpu.memref_slice %arg2[%dma_start3A, %add3A_8] : memref<2x327680xi32, #tpu.memory_space<hbm>> -> memref<1x128xi32, #tpu.memory_space<hbm>>
    %dma_start3A_12 = tpu.memref_squeeze %dma_start3A_11 : memref<1x128xi32, #tpu.memory_space<hbm>> -> memref<128xi32, #tpu.memory_space<hbm>>
    tpu.enqueue_dma source(%dma_start3A_12 : memref<128xi32, #tpu.memory_space<hbm>>) target(%arg6 : memref<128xi32, #tpu.memory_space<vmem>>) target_semaphore(%arg12 : memref<!tpu.dma_semaphore, #tpu.memory_space<semaphore_mem>>)
    %add3A_13 = arith.constant 128 : i32
    %add3A_14 = arith.addi %mul3A_2, %add3A_13 : i32
    %dma_start3A_15 = arith.constant 1 : i32
    %dma_start3A_16 = tpu.memref_slice %arg2[%dma_start3A_15, %add3A_14] : memref<2x327680xi32, #tpu.memory_space<hbm>> -> memref<1x128xi32, #tpu.memory_space<hbm>>
    %dma_start3A_17 = tpu.memref_squeeze %dma_start3A_16 : memref<1x128xi32, #tpu.memory_space<hbm>> -> memref<128xi32, #tpu.memory_space<hbm>>
    %dma_start3A_18 = tpu.memref_slice %arg2[%dma_start3A_15, %add3A_14] : memref<2x327680xi32, #tpu.memory_space<hbm>> -> memref<1x128xi32, #tpu.memory_space<hbm>>
    %dma_start3A_19 = tpu.memref_squeeze %dma_start3A_18 : memref<1x128xi32, #tpu.memory_space<hbm>> -> memref<128xi32, #tpu.memory_space<hbm>>
    tpu.enqueue_dma source(%dma_start3A_19 : memref<128xi32, #tpu.memory_space<hbm>>) target(%arg7 : memref<128xi32, #tpu.memory_space<vmem>>) target_semaphore(%arg13 : memref<!tpu.dma_semaphore, #tpu.memory_space<semaphore_mem>>)
    %dma_wait3A = arith.constant 1 : i32
    %dma_wait3A_20 = arith.constant 0 : i32
    %dma_wait3A_21 = tpu.memref_slice %arg2[%dma_wait3A, %dma_wait3A_20] : memref<2x327680xi32, #tpu.memory_space<hbm>> -> memref<1x128xi32, #tpu.memory_space<hbm>>
    %dma_wait3A_22 = tpu.memref_squeeze %dma_wait3A_21 : memref<1x128xi32, #tpu.memory_space<hbm>> -> memref<128xi32, #tpu.memory_space<hbm>>
    %dma_wait3A_23 = arith.constant 0 : i32
    %dma_wait3A_24 = tpu.memref_slice %arg2[%dma_wait3A, %dma_wait3A_23] : memref<2x327680xi32, #tpu.memory_space<hbm>> -> memref<1x128xi32, #tpu.memory_space<hbm>>
    %dma_wait3A_25 = tpu.memref_squeeze %dma_wait3A_24 : memref<1x128xi32, #tpu.memory_space<hbm>> -> memref<128xi32, #tpu.memory_space<hbm>>
    tpu.wait_dma2 semaphore(%arg12 : memref<!tpu.dma_semaphore, #tpu.memory_space<semaphore_mem>>) src(%dma_wait3A_25 : memref<128xi32, #tpu.memory_space<hbm>>) dst(%arg6 : memref<128xi32, #tpu.memory_space<vmem>>)
    %dma_start3A_26 = arith.constant 0 : i32
    %dma_start3A_27 = tpu.memref_slice %arg20[%dma_start3A_26] : memref<10240xf32, #tpu.memory_space<vmem_shared>> -> memref<10240xf32, #tpu.memory_space<vmem_shared>>
    tpu.enqueue_indirect_dma source(%arg10 : memref<128xf32, #tpu.memory_space<vmem>>) target(%dma_start3A_27 : memref<10240xf32, #tpu.memory_space<vmem_shared>>) offsets(%arg6 : memref<128xi32, #tpu.memory_space<vmem>>) semaphore(%arg16 : memref<!tpu.dma_semaphore, #tpu.memory_space<semaphore_mem>>) {add = true}
    %add3A_28 = arith.constant 256 : i32
    %add3A_29 = arith.addi %mul3A_2, %add3A_28 : i32
    %dma_start3A_30 = arith.constant 1 : i32
    %dma_start3A_31 = tpu.memref_slice %arg2[%dma_start3A_30, %add3A_29] : memref<2x327680xi32, #tpu.memory_space<hbm>> -> memref<1x128xi32, #tpu.memory_space<hbm>>
    %dma_start3A_32 = tpu.memref_squeeze %dma_start3A_31 : memref<1x128xi32, #tpu.memory_space<hbm>> -> memref<128xi32, #tpu.memory_space<hbm>>
    %dma_start3A_33 = tpu.memref_slice %arg2[%dma_start3A_30, %add3A_29] : memref<2x327680xi32, #tpu.memory_space<hbm>> -> memref<1x128xi32, #tpu.memory_space<hbm>>
    %dma_start3A_34 = tpu.memref_squeeze %dma_start3A_33 : memref<1x128xi32, #tpu.memory_space<hbm>> -> memref<128xi32, #tpu.memory_space<hbm>>
    tpu.enqueue_dma source(%dma_start3A_34 : memref<128xi32, #tpu.memory_space<hbm>>) target(%arg8 : memref<128xi32, #tpu.memory_space<vmem>>) target_semaphore(%arg14 : memref<!tpu.dma_semaphore, #tpu.memory_space<semaphore_mem>>)
    %dma_wait3A_35 = arith.constant 1 : i32
    %dma_wait3A_36 = arith.constant 0 : i32
    %dma_wait3A_37 = tpu.memref_slice %arg2[%dma_wait3A_35, %dma_wait3A_36] : memref<2x327680xi32, #tpu.memory_space<hbm>> -> memref<1x128xi32, #tpu.memory_space<hbm>>
    %dma_wait3A_38 = tpu.memref_squeeze %dma_wait3A_37 : memref<1x128xi32, #tpu.memory_space<hbm>> -> memref<128xi32, #tpu.memory_space<hbm>>
    %dma_wait3A_39 = arith.constant 0 : i32
    %dma_wait3A_40 = tpu.memref_slice %arg2[%dma_wait3A_35, %dma_wait3A_39] : memref<2x327680xi32, #tpu.memory_space<hbm>> -> memref<1x128xi32, #tpu.memory_space<hbm>>
    %dma_wait3A_41 = tpu.memref_squeeze %dma_wait3A_40 : memref<1x128xi32, #tpu.memory_space<hbm>> -> memref<128xi32, #tpu.memory_space<hbm>>
    tpu.wait_dma2 semaphore(%arg13 : memref<!tpu.dma_semaphore, #tpu.memory_space<semaphore_mem>>) src(%dma_wait3A_41 : memref<128xi32, #tpu.memory_space<hbm>>) dst(%arg7 : memref<128xi32, #tpu.memory_space<vmem>>)
    %dma_start3A_42 = arith.constant 0 : i32
    %dma_start3A_43 = tpu.memref_slice %arg20[%dma_start3A_42] : memref<10240xf32, #tpu.memory_space<vmem_shared>> -> memref<10240xf32, #tpu.memory_space<vmem_shared>>
    tpu.enqueue_indirect_dma source(%arg10 : memref<128xf32, #tpu.memory_space<vmem>>) target(%dma_start3A_43 : memref<10240xf32, #tpu.memory_space<vmem_shared>>) offsets(%arg7 : memref<128xi32, #tpu.memory_space<vmem>>) semaphore(%arg17 : memref<!tpu.dma_semaphore, #tpu.memory_space<semaphore_mem>>) {add = true}
    %add3A_44 = arith.constant 384 : i32
    %add3A_45 = arith.addi %mul3A_2, %add3A_44 : i32
    %dma_start3A_46 = arith.constant 1 : i32
    %dma_start3A_47 = tpu.memref_slice %arg2[%dma_start3A_46, %add3A_45] : memref<2x327680xi32, #tpu.memory_space<hbm>> -> memref<1x128xi32, #tpu.memory_space<hbm>>
    %dma_start3A_48 = tpu.memref_squeeze %dma_start3A_47 : memref<1x128xi32, #tpu.memory_space<hbm>> -> memref<128xi32, #tpu.memory_space<hbm>>
    %dma_start3A_49 = tpu.memref_slice %arg2[%dma_start3A_46, %add3A_45] : memref<2x327680xi32, #tpu.memory_space<hbm>> -> memref<1x128xi32, #tpu.memory_space<hbm>>
    %dma_start3A_50 = tpu.memref_squeeze %dma_start3A_49 : memref<1x128xi32, #tpu.memory_space<hbm>> -> memref<128xi32, #tpu.memory_space<hbm>>
    tpu.enqueue_dma source(%dma_start3A_50 : memref<128xi32, #tpu.memory_space<hbm>>) target(%arg9 : memref<128xi32, #tpu.memory_space<vmem>>) target_semaphore(%arg15 : memref<!tpu.dma_semaphore, #tpu.memory_space<semaphore_mem>>)
    %scan3A = arith.constant 0 : i32
    %scan3A_51 = arith.constant 0 : i32
    %scan3A_52 = arith.constant 19 : i32
    %scan3A_53 = arith.addi %scan3A_51, %scan3A_52 : i32
    %scan3A_54 = arith.constant 1 : i32
    scf.for %scan3A_95 = %scan3A_51 to %scan3A_53 step %scan3A_54  : i32 {
      %mul3A_96 = arith.constant 4 : i32
      %mul3A_97 = arith.muli %mul3A_96, %scan3A_95 : i32
      %add3A_98 = arith.constant 2 : i32
      %add3A_99 = arith.addi %add3A_98, %mul3A_97 : i32
      %add3A_100 = arith.constant 0 : i32
      %add3A_101 = arith.addi %add3A_99, %add3A_100 : i32
      %dma_wait3A_102 = arith.constant 1 : i32
      %dma_wait3A_103 = arith.constant 0 : i32
      %dma_wait3A_104 = tpu.memref_slice %arg2[%dma_wait3A_102, %dma_wait3A_103] : memref<2x327680xi32, #tpu.memory_space<hbm>> -> memref<1x128xi32, #tpu.memory_space<hbm>>
      %dma_wait3A_105 = tpu.memref_squeeze %dma_wait3A_104 : memref<1x128xi32, #tpu.memory_space<hbm>> -> memref<128xi32, #tpu.memory_space<hbm>>
      %dma_wait3A_106 = arith.constant 0 : i32
      %dma_wait3A_107 = tpu.memref_slice %arg2[%dma_wait3A_102, %dma_wait3A_106] : memref<2x327680xi32, #tpu.memory_space<hbm>> -> memref<1x128xi32, #tpu.memory_space<hbm>>
      %dma_wait3A_108 = tpu.memref_squeeze %dma_wait3A_107 : memref<1x128xi32, #tpu.memory_space<hbm>> -> memref<128xi32, #tpu.memory_space<hbm>>
      tpu.wait_dma2 semaphore(%arg14 : memref<!tpu.dma_semaphore, #tpu.memory_space<semaphore_mem>>) src(%dma_wait3A_108 : memref<128xi32, #tpu.memory_space<hbm>>) dst(%arg8 : memref<128xi32, #tpu.memory_space<vmem>>)
      %dma_start3A_109 = arith.constant 0 : i32
      %dma_start3A_110 = tpu.memref_slice %arg20[%dma_start3A_109] : memref<10240xf32, #tpu.memory_space<vmem_shared>> -> memref<10240xf32, #tpu.memory_space<vmem_shared>>
      tpu.enqueue_indirect_dma source(%arg10 : memref<128xf32, #tpu.memory_space<vmem>>) target(%dma_start3A_110 : memref<10240xf32, #tpu.memory_space<vmem_shared>>) offsets(%arg8 : memref<128xi32, #tpu.memory_space<vmem>>) semaphore(%arg18 : memref<!tpu.dma_semaphore, #tpu.memory_space<semaphore_mem>>) {add = true}
      %dma_wait3A_111 = arith.constant 0 : i32
      %dma_wait3A_112 = tpu.memref_slice %arg20[%dma_wait3A_111] : memref<10240xf32, #tpu.memory_space<vmem_shared>> -> memref<128xf32, #tpu.memory_space<vmem_shared>>
      %dma_wait3A_113 = arith.constant 0 : i32
      %dma_wait3A_114 = tpu.memref_slice %arg20[%dma_wait3A_113] : memref<10240xf32, #tpu.memory_space<vmem_shared>> -> memref<128xf32, #tpu.memory_space<vmem_shared>>
      tpu.wait_dma2 semaphore(%arg16 : memref<!tpu.dma_semaphore, #tpu.memory_space<semaphore_mem>>) src(%arg10 : memref<128xf32, #tpu.memory_space<vmem>>) dst(%dma_wait3A_114 : memref<128xf32, #tpu.memory_space<vmem_shared>>)
      %add3A_115 = arith.constant 2 : i32
      %add3A_116 = arith.addi %add3A_101, %add3A_115 : i32
      %mul3A_117 = arith.constant 128 : i32
      %mul3A_118 = arith.muli %add3A_116, %mul3A_117 : i32
      %add3A_119 = arith.addi %mul3A_2, %mul3A_118 : i32
      %dma_start3A_120 = arith.constant 1 : i32
      %dma_start3A_121 = tpu.memref_slice %arg2[%dma_start3A_120, %add3A_119] : memref<2x327680xi32, #tpu.memory_space<hbm>> -> memref<1x128xi32, #tpu.memory_space<hbm>>
      %dma_start3A_122 = tpu.memref_squeeze %dma_start3A_121 : memref<1x128xi32, #tpu.memory_space<hbm>> -> memref<128xi32, #tpu.memory_space<hbm>>
      %dma_start3A_123 = tpu.memref_slice %arg2[%dma_start3A_120, %add3A_119] : memref<2x327680xi32, #tpu.memory_space<hbm>> -> memref<1x128xi32, #tpu.memory_space<hbm>>
      %dma_start3A_124 = tpu.memref_squeeze %dma_start3A_123 : memref<1x128xi32, #tpu.memory_space<hbm>> -> memref<128xi32, #tpu.memory_space<hbm>>
      tpu.enqueue_dma source(%dma_start3A_124 : memref<128xi32, #tpu.memory_space<hbm>>) target(%arg6 : memref<128xi32, #tpu.memory_space<vmem>>) target_semaphore(%arg12 : memref<!tpu.dma_semaphore, #tpu.memory_space<semaphore_mem>>)
      %mul3A_125 = arith.constant 4 : i32
      %mul3A_126 = arith.muli %mul3A_125, %scan3A_95 : i32
      %add3A_127 = arith.constant 2 : i32
      %add3A_128 = arith.addi %add3A_127, %mul3A_126 : i32
      %add3A_129 = arith.constant 1 : i32
      %add3A_130 = arith.addi %add3A_128, %add3A_129 : i32
      %dma_wait3A_131 = arith.constant 1 : i32
      %dma_wait3A_132 = arith.constant 0 : i32
      %dma_wait3A_133 = tpu.memref_slice %arg2[%dma_wait3A_131, %dma_wait3A_132] : memref<2x327680xi32, #tpu.memory_space<hbm>> -> memref<1x128xi32, #tpu.memory_space<hbm>>
      %dma_wait3A_134 = tpu.memref_squeeze %dma_wait3A_133 : memref<1x128xi32, #tpu.memory_space<hbm>> -> memref<128xi32, #tpu.memory_space<hbm>>
      %dma_wait3A_135 = arith.constant 0 : i32
      %dma_wait3A_136 = tpu.memref_slice %arg2[%dma_wait3A_131, %dma_wait3A_135] : memref<2x327680xi32, #tpu.memory_space<hbm>> -> memref<1x128xi32, #tpu.memory_space<hbm>>
      %dma_wait3A_137 = tpu.memref_squeeze %dma_wait3A_136 : memref<1x128xi32, #tpu.memory_space<hbm>> -> memref<128xi32, #tpu.memory_space<hbm>>
      tpu.wait_dma2 semaphore(%arg15 : memref<!tpu.dma_semaphore, #tpu.memory_space<semaphore_mem>>) src(%dma_wait3A_137 : memref<128xi32, #tpu.memory_space<hbm>>) dst(%arg9 : memref<128xi32, #tpu.memory_space<vmem>>)
      %dma_start3A_138 = arith.constant 0 : i32
      %dma_start3A_139 = tpu.memref_slice %arg20[%dma_start3A_138] : memref<10240xf32, #tpu.memory_space<vmem_shared>> -> memref<10240xf32, #tpu.memory_space<vmem_shared>>
      tpu.enqueue_indirect_dma source(%arg10 : memref<128xf32, #tpu.memory_space<vmem>>) target(%dma_start3A_139 : memref<10240xf32, #tpu.memory_space<vmem_shared>>) offsets(%arg9 : memref<128xi32, #tpu.memory_space<vmem>>) semaphore(%arg19 : memref<!tpu.dma_semaphore, #tpu.memory_space<semaphore_mem>>) {add = true}
      %dma_wait3A_140 = arith.constant 0 : i32
      %dma_wait3A_141 = tpu.memref_slice %arg20[%dma_wait3A_140] : memref<10240xf32, #tpu.memory_space<vmem_shared>> -> memref<128xf32, #tpu.memory_space<vmem_shared>>
      %dma_wait3A_142 = arith.constant 0 : i32
      %dma_wait3A_143 = tpu.memref_slice %arg20[%dma_wait3A_142] : memref<10240xf32, #tpu.memory_space<vmem_shared>> -> memref<128xf32, #tpu.memory_space<vmem_shared>>
      tpu.wait_dma2 semaphore(%arg17 : memref<!tpu.dma_semaphore, #tpu.memory_space<semaphore_mem>>) src(%arg10 : memref<128xf32, #tpu.memory_space<vmem>>) dst(%dma_wait3A_143 : memref<128xf32, #tpu.memory_space<vmem_shared>>)
      %add3A_144 = arith.constant 2 : i32
      %add3A_145 = arith.addi %add3A_130, %add3A_144 : i32
      %mul3A_146 = arith.constant 128 : i32
      %mul3A_147 = arith.muli %add3A_145, %mul3A_146 : i32
      %add3A_148 = arith.addi %mul3A_2, %mul3A_147 : i32
      %dma_start3A_149 = arith.constant 1 : i32
      %dma_start3A_150 = tpu.memref_slice %arg2[%dma_start3A_149, %add3A_148] : memref<2x327680xi32, #tpu.memory_space<hbm>> -> memref<1x128xi32, #tpu.memory_space<hbm>>
      %dma_start3A_151 = tpu.memref_squeeze %dma_start3A_150 : memref<1x128xi32, #tpu.memory_space<hbm>> -> memref<128xi32, #tpu.memory_space<hbm>>
      %dma_start3A_152 = tpu.memref_slice %arg2[%dma_start3A_149, %add3A_148] : memref<2x327680xi32, #tpu.memory_space<hbm>> -> memref<1x128xi32, #tpu.memory_space<hbm>>
      %dma_start3A_153 = tpu.memref_squeeze %dma_start3A_152 : memref<1x128xi32, #tpu.memory_space<hbm>> -> memref<128xi32, #tpu.memory_space<hbm>>
      tpu.enqueue_dma source(%dma_start3A_153 : memref<128xi32, #tpu.memory_space<hbm>>) target(%arg7 : memref<128xi32, #tpu.memory_space<vmem>>) target_semaphore(%arg13 : memref<!tpu.dma_semaphore, #tpu.memory_space<semaphore_mem>>)
      %mul3A_154 = arith.constant 4 : i32
      %mul3A_155 = arith.muli %mul3A_154, %scan3A_95 : i32
      %add3A_156 = arith.constant 2 : i32
      %add3A_157 = arith.addi %add3A_156, %mul3A_155 : i32
      %add3A_158 = arith.constant 2 : i32
      %add3A_159 = arith.addi %add3A_157, %add3A_158 : i32
      %dma_wait3A_160 = arith.constant 1 : i32
      %dma_wait3A_161 = arith.constant 0 : i32
      %dma_wait3A_162 = tpu.memref_slice %arg2[%dma_wait3A_160, %dma_wait3A_161] : memref<2x327680xi32, #tpu.memory_space<hbm>> -> memref<1x128xi32, #tpu.memory_space<hbm>>
      %dma_wait3A_163 = tpu.memref_squeeze %dma_wait3A_162 : memref<1x128xi32, #tpu.memory_space<hbm>> -> memref<128xi32, #tpu.memory_space<hbm>>
      %dma_wait3A_164 = arith.constant 0 : i32
      %dma_wait3A_165 = tpu.memref_slice %arg2[%dma_wait3A_160, %dma_wait3A_164] : memref<2x327680xi32, #tpu.memory_space<hbm>> -> memref<1x128xi32, #tpu.memory_space<hbm>>
      %dma_wait3A_166 = tpu.memref_squeeze %dma_wait3A_165 : memref<1x128xi32, #tpu.memory_space<hbm>> -> memref<128xi32, #tpu.memory_space<hbm>>
      tpu.wait_dma2 semaphore(%arg12 : memref<!tpu.dma_semaphore, #tpu.memory_space<semaphore_mem>>) src(%dma_wait3A_166 : memref<128xi32, #tpu.memory_space<hbm>>) dst(%arg6 : memref<128xi32, #tpu.memory_space<vmem>>)
      %dma_start3A_167 = arith.constant 0 : i32
      %dma_start3A_168 = tpu.memref_slice %arg20[%dma_start3A_167] : memref<10240xf32, #tpu.memory_space<vmem_shared>> -> memref<10240xf32, #tpu.memory_space<vmem_shared>>
      tpu.enqueue_indirect_dma source(%arg10 : memref<128xf32, #tpu.memory_space<vmem>>) target(%dma_start3A_168 : memref<10240xf32, #tpu.memory_space<vmem_shared>>) offsets(%arg6 : memref<128xi32, #tpu.memory_space<vmem>>) semaphore(%arg16 : memref<!tpu.dma_semaphore, #tpu.memory_space<semaphore_mem>>) {add = true}
      %dma_wait3A_169 = arith.constant 0 : i32
      %dma_wait3A_170 = tpu.memref_slice %arg20[%dma_wait3A_169] : memref<10240xf32, #tpu.memory_space<vmem_shared>> -> memref<128xf32, #tpu.memory_space<vmem_shared>>
      %dma_wait3A_171 = arith.constant 0 : i32
      %dma_wait3A_172 = tpu.memref_slice %arg20[%dma_wait3A_171] : memref<10240xf32, #tpu.memory_space<vmem_shared>> -> memref<128xf32, #tpu.memory_space<vmem_shared>>
      tpu.wait_dma2 semaphore(%arg18 : memref<!tpu.dma_semaphore, #tpu.memory_space<semaphore_mem>>) src(%arg10 : memref<128xf32, #tpu.memory_space<vmem>>) dst(%dma_wait3A_172 : memref<128xf32, #tpu.memory_space<vmem_shared>>)
      %add3A_173 = arith.constant 2 : i32
      %add3A_174 = arith.addi %add3A_159, %add3A_173 : i32
      %mul3A_175 = arith.constant 128 : i32
      %mul3A_176 = arith.muli %add3A_174, %mul3A_175 : i32
      %add3A_177 = arith.addi %mul3A_2, %mul3A_176 : i32
      %dma_start3A_178 = arith.constant 1 : i32
      %dma_start3A_179 = tpu.memref_slice %arg2[%dma_start3A_178, %add3A_177] : memref<2x327680xi32, #tpu.memory_space<hbm>> -> memref<1x128xi32, #tpu.memory_space<hbm>>
      %dma_start3A_180 = tpu.memref_squeeze %dma_start3A_179 : memref<1x128xi32, #tpu.memory_space<hbm>> -> memref<128xi32, #tpu.memory_space<hbm>>
      %dma_start3A_181 = tpu.memref_slice %arg2[%dma_start3A_178, %add3A_177] : memref<2x327680xi32, #tpu.memory_space<hbm>> -> memref<1x128xi32, #tpu.memory_space<hbm>>
      %dma_start3A_182 = tpu.memref_squeeze %dma_start3A_181 : memref<1x128xi32, #tpu.memory_space<hbm>> -> memref<128xi32, #tpu.memory_space<hbm>>
      tpu.enqueue_dma source(%dma_start3A_182 : memref<128xi32, #tpu.memory_space<hbm>>) target(%arg8 : memref<128xi32, #tpu.memory_space<vmem>>) target_semaphore(%arg14 : memref<!tpu.dma_semaphore, #tpu.memory_space<semaphore_mem>>)
      %mul3A_183 = arith.constant 4 : i32
      %mul3A_184 = arith.muli %mul3A_183, %scan3A_95 : i32
      %add3A_185 = arith.constant 2 : i32
      %add3A_186 = arith.addi %add3A_185, %mul3A_184 : i32
      %add3A_187 = arith.constant 3 : i32
      %add3A_188 = arith.addi %add3A_186, %add3A_187 : i32
      %dma_wait3A_189 = arith.constant 1 : i32
      %dma_wait3A_190 = arith.constant 0 : i32
      %dma_wait3A_191 = tpu.memref_slice %arg2[%dma_wait3A_189, %dma_wait3A_190] : memref<2x327680xi32, #tpu.memory_space<hbm>> -> memref<1x128xi32, #tpu.memory_space<hbm>>
      %dma_wait3A_192 = tpu.memref_squeeze %dma_wait3A_191 : memref<1x128xi32, #tpu.memory_space<hbm>> -> memref<128xi32, #tpu.memory_space<hbm>>
      %dma_wait3A_193 = arith.constant 0 : i32
      %dma_wait3A_194 = tpu.memref_slice %arg2[%dma_wait3A_189, %dma_wait3A_193] : memref<2x327680xi32, #tpu.memory_space<hbm>> -> memref<1x128xi32, #tpu.memory_space<hbm>>
      %dma_wait3A_195 = tpu.memref_squeeze %dma_wait3A_194 : memref<1x128xi32, #tpu.memory_space<hbm>> -> memref<128xi32, #tpu.memory_space<hbm>>
      tpu.wait_dma2 semaphore(%arg13 : memref<!tpu.dma_semaphore, #tpu.memory_space<semaphore_mem>>) src(%dma_wait3A_195 : memref<128xi32, #tpu.memory_space<hbm>>) dst(%arg7 : memref<128xi32, #tpu.memory_space<vmem>>)
      %dma_start3A_196 = arith.constant 0 : i32
      %dma_start3A_197 = tpu.memref_slice %arg20[%dma_start3A_196] : memref<10240xf32, #tpu.memory_space<vmem_shared>> -> memref<10240xf32, #tpu.memory_space<vmem_shared>>
      tpu.enqueue_indirect_dma source(%arg10 : memref<128xf32, #tpu.memory_space<vmem>>) target(%dma_start3A_197 : memref<10240xf32, #tpu.memory_space<vmem_shared>>) offsets(%arg7 : memref<128xi32, #tpu.memory_space<vmem>>) semaphore(%arg17 : memref<!tpu.dma_semaphore, #tpu.memory_space<semaphore_mem>>) {add = true}
      %dma_wait3A_198 = arith.constant 0 : i32
      %dma_wait3A_199 = tpu.memref_slice %arg20[%dma_wait3A_198] : memref<10240xf32, #tpu.memory_space<vmem_shared>> -> memref<128xf32, #tpu.memory_space<vmem_shared>>
      %dma_wait3A_200 = arith.constant 0 : i32
      %dma_wait3A_201 = tpu.memref_slice %arg20[%dma_wait3A_200] : memref<10240xf32, #tpu.memory_space<vmem_shared>> -> memref<128xf32, #tpu.memory_space<vmem_shared>>
      tpu.wait_dma2 semaphore(%arg19 : memref<!tpu.dma_semaphore, #tpu.memory_space<semaphore_mem>>) src(%arg10 : memref<128xf32, #tpu.memory_space<vmem>>) dst(%dma_wait3A_201 : memref<128xf32, #tpu.memory_space<vmem_shared>>)
      %add3A_202 = arith.constant 2 : i32
      %add3A_203 = arith.addi %add3A_188, %add3A_202 : i32
      %mul3A_204 = arith.constant 128 : i32
      %mul3A_205 = arith.muli %add3A_203, %mul3A_204 : i32
      %add3A_206 = arith.addi %mul3A_2, %mul3A_205 : i32
      %dma_start3A_207 = arith.constant 1 : i32
      %dma_start3A_208 = tpu.memref_slice %arg2[%dma_start3A_207, %add3A_206] : memref<2x327680xi32, #tpu.memory_space<hbm>> -> memref<1x128xi32, #tpu.memory_space<hbm>>
      %dma_start3A_209 = tpu.memref_squeeze %dma_start3A_208 : memref<1x128xi32, #tpu.memory_space<hbm>> -> memref<128xi32, #tpu.memory_space<hbm>>
      %dma_start3A_210 = tpu.memref_slice %arg2[%dma_start3A_207, %add3A_206] : memref<2x327680xi32, #tpu.memory_space<hbm>> -> memref<1x128xi32, #tpu.memory_space<hbm>>
      %dma_start3A_211 = tpu.memref_squeeze %dma_start3A_210 : memref<1x128xi32, #tpu.memory_space<hbm>> -> memref<128xi32, #tpu.memory_space<hbm>>
      tpu.enqueue_dma source(%dma_start3A_211 : memref<128xi32, #tpu.memory_space<hbm>>) target(%arg9 : memref<128xi32, #tpu.memory_space<vmem>>) target_semaphore(%arg15 : memref<!tpu.dma_semaphore, #tpu.memory_space<semaphore_mem>>)
    }
    %scan3A_55 = arith.constant 19 : i32
    %dma_wait3A_56 = arith.constant 1 : i32
    %dma_wait3A_57 = arith.constant 0 : i32
    %dma_wait3A_58 = tpu.memref_slice %arg2[%dma_wait3A_56, %dma_wait3A_57] : memref<2x327680xi32, #tpu.memory_space<hbm>> -> memref<1x128xi32, #tpu.memory_space<hbm>>
    %dma_wait3A_59 = tpu.memref_squeeze %dma_wait3A_58 : memref<1x128xi32, #tpu.memory_space<hbm>> -> memref<128xi32, #tpu.memory_space<hbm>>
    %dma_wait3A_60 = arith.constant 0 : i32
    %dma_wait3A_61 = tpu.memref_slice %arg2[%dma_wait3A_56, %dma_wait3A_60] : memref<2x327680xi32, #tpu.memory_space<hbm>> -> memref<1x128xi32, #tpu.memory_space<hbm>>
    %dma_wait3A_62 = tpu.memref_squeeze %dma_wait3A_61 : memref<1x128xi32, #tpu.memory_space<hbm>> -> memref<128xi32, #tpu.memory_space<hbm>>
    tpu.wait_dma2 semaphore(%arg14 : memref<!tpu.dma_semaphore, #tpu.memory_space<semaphore_mem>>) src(%dma_wait3A_62 : memref<128xi32, #tpu.memory_space<hbm>>) dst(%arg8 : memref<128xi32, #tpu.memory_space<vmem>>)
    %dma_start3A_63 = arith.constant 0 : i32
    %dma_start3A_64 = tpu.memref_slice %arg20[%dma_start3A_63] : memref<10240xf32, #tpu.memory_space<vmem_shared>> -> memref<10240xf32, #tpu.memory_space<vmem_shared>>
    tpu.enqueue_indirect_dma source(%arg10 : memref<128xf32, #tpu.memory_space<vmem>>) target(%dma_start3A_64 : memref<10240xf32, #tpu.memory_space<vmem_shared>>) offsets(%arg8 : memref<128xi32, #tpu.memory_space<vmem>>) semaphore(%arg18 : memref<!tpu.dma_semaphore, #tpu.memory_space<semaphore_mem>>) {add = true}
    %dma_wait3A_65 = arith.constant 1 : i32
    %dma_wait3A_66 = arith.constant 0 : i32
    %dma_wait3A_67 = tpu.memref_slice %arg2[%dma_wait3A_65, %dma_wait3A_66] : memref<2x327680xi32, #tpu.memory_space<hbm>> -> memref<1x128xi32, #tpu.memory_space<hbm>>
    %dma_wait3A_68 = tpu.memref_squeeze %dma_wait3A_67 : memref<1x128xi32, #tpu.memory_space<hbm>> -> memref<128xi32, #tpu.memory_space<hbm>>
    %dma_wait3A_69 = arith.constant 0 : i32
    %dma_wait3A_70 = tpu.memref_slice %arg2[%dma_wait3A_65, %dma_wait3A_69] : memref<2x327680xi32, #tpu.memory_space<hbm>> -> memref<1x128xi32, #tpu.memory_space<hbm>>
    %dma_wait3A_71 = tpu.memref_squeeze %dma_wait3A_70 : memref<1x128xi32, #tpu.memory_space<hbm>> -> memref<128xi32, #tpu.memory_space<hbm>>
    tpu.wait_dma2 semaphore(%arg15 : memref<!tpu.dma_semaphore, #tpu.memory_space<semaphore_mem>>) src(%dma_wait3A_71 : memref<128xi32, #tpu.memory_space<hbm>>) dst(%arg9 : memref<128xi32, #tpu.memory_space<vmem>>)
    %dma_start3A_72 = arith.constant 0 : i32
    %dma_start3A_73 = tpu.memref_slice %arg20[%dma_start3A_72] : memref<10240xf32, #tpu.memory_space<vmem_shared>> -> memref<10240xf32, #tpu.memory_space<vmem_shared>>
    tpu.enqueue_indirect_dma source(%arg10 : memref<128xf32, #tpu.memory_space<vmem>>) target(%dma_start3A_73 : memref<10240xf32, #tpu.memory_space<vmem_shared>>) offsets(%arg9 : memref<128xi32, #tpu.memory_space<vmem>>) semaphore(%arg19 : memref<!tpu.dma_semaphore, #tpu.memory_space<semaphore_mem>>) {add = true}
    %dma_wait3A_74 = arith.constant 0 : i32
    %dma_wait3A_75 = tpu.memref_slice %arg20[%dma_wait3A_74] : memref<10240xf32, #tpu.memory_space<vmem_shared>> -> memref<128xf32, #tpu.memory_space<vmem_shared>>
    %dma_wait3A_76 = arith.constant 0 : i32
    %dma_wait3A_77 = tpu.memref_slice %arg20[%dma_wait3A_76] : memref<10240xf32, #tpu.memory_space<vmem_shared>> -> memref<128xf32, #tpu.memory_space<vmem_shared>>
    tpu.wait_dma2 semaphore(%arg16 : memref<!tpu.dma_semaphore, #tpu.memory_space<semaphore_mem>>) src(%arg10 : memref<128xf32, #tpu.memory_space<vmem>>) dst(%dma_wait3A_77 : memref<128xf32, #tpu.memory_space<vmem_shared>>)
    %dma_wait3A_78 = arith.constant 0 : i32
    %dma_wait3A_79 = tpu.memref_slice %arg20[%dma_wait3A_78] : memref<10240xf32, #tpu.memory_space<vmem_shared>> -> memref<128xf32, #tpu.memory_space<vmem_shared>>
    %dma_wait3A_80 = arith.constant 0 : i32
    %dma_wait3A_81 = tpu.memref_slice %arg20[%dma_wait3A_80] : memref<10240xf32, #tpu.memory_space<vmem_shared>> -> memref<128xf32, #tpu.memory_space<vmem_shared>>
    tpu.wait_dma2 semaphore(%arg17 : memref<!tpu.dma_semaphore, #tpu.memory_space<semaphore_mem>>) src(%arg10 : memref<128xf32, #tpu.memory_space<vmem>>) dst(%dma_wait3A_81 : memref<128xf32, #tpu.memory_space<vmem_shared>>)
    %dma_wait3A_82 = arith.constant 0 : i32
    %dma_wait3A_83 = tpu.memref_slice %arg20[%dma_wait3A_82] : memref<10240xf32, #tpu.memory_space<vmem_shared>> -> memref<128xf32, #tpu.memory_space<vmem_shared>>
    %dma_wait3A_84 = arith.constant 0 : i32
    %dma_wait3A_85 = tpu.memref_slice %arg20[%dma_wait3A_84] : memref<10240xf32, #tpu.memory_space<vmem_shared>> -> memref<128xf32, #tpu.memory_space<vmem_shared>>
    tpu.wait_dma2 semaphore(%arg18 : memref<!tpu.dma_semaphore, #tpu.memory_space<semaphore_mem>>) src(%arg10 : memref<128xf32, #tpu.memory_space<vmem>>) dst(%dma_wait3A_85 : memref<128xf32, #tpu.memory_space<vmem_shared>>)
    %dma_wait3A_86 = arith.constant 0 : i32
    %dma_wait3A_87 = tpu.memref_slice %arg20[%dma_wait3A_86] : memref<10240xf32, #tpu.memory_space<vmem_shared>> -> memref<128xf32, #tpu.memory_space<vmem_shared>>
    %dma_wait3A_88 = arith.constant 0 : i32
    %dma_wait3A_89 = tpu.memref_slice %arg20[%dma_wait3A_88] : memref<10240xf32, #tpu.memory_space<vmem_shared>> -> memref<128xf32, #tpu.memory_space<vmem_shared>>
    tpu.wait_dma2 semaphore(%arg19 : memref<!tpu.dma_semaphore, #tpu.memory_space<semaphore_mem>>) src(%arg10 : memref<128xf32, #tpu.memory_space<vmem>>) dst(%dma_wait3A_89 : memref<128xf32, #tpu.memory_space<vmem_shared>>)
    %barrier3A_90 = arith.constant 0 : index
    tpu.barrier barrier_id(%barrier3A_90)
    %mul3A_91 = arith.constant 640 : i32
    %mul3A_92 = arith.muli %arg1, %mul3A_91 : i32
    "tpu.region"() ({
      %run_scoped3A = tpu.sem_alloc : memref<!tpu.dma_semaphore, #tpu.memory_space<semaphore_mem>>
      %dma_start3A_95 = tpu.memref_slice %arg20[%mul3A_92] : memref<10240xf32, #tpu.memory_space<vmem_shared>> -> memref<640xf32, #tpu.memory_space<vmem_shared>>
      %dma_start3A_96 = tpu.memref_slice %arg20[%mul3A_92] : memref<10240xf32, #tpu.memory_space<vmem_shared>> -> memref<640xf32, #tpu.memory_space<vmem_shared>>
      tpu.enqueue_dma source(%dma_start3A_96 : memref<640xf32, #tpu.memory_space<vmem_shared>>) target(%arg11 : memref<640xf32, #tpu.memory_space<vmem>>) target_semaphore(%run_scoped3A : memref<!tpu.dma_semaphore, #tpu.memory_space<semaphore_mem>>)
      %dma_wait3A_97 = tpu.memref_slice %arg20[%mul3A_92] : memref<10240xf32, #tpu.memory_space<vmem_shared>> -> memref<640xf32, #tpu.memory_space<vmem_shared>>
      %dma_wait3A_98 = tpu.memref_slice %arg20[%mul3A_92] : memref<10240xf32, #tpu.memory_space<vmem_shared>> -> memref<640xf32, #tpu.memory_space<vmem_shared>>
      tpu.wait_dma2 semaphore(%run_scoped3A : memref<!tpu.dma_semaphore, #tpu.memory_space<semaphore_mem>>) src(%dma_wait3A_98 : memref<640xf32, #tpu.memory_space<vmem_shared>>) dst(%arg11 : memref<640xf32, #tpu.memory_space<vmem>>)
      tpu.yield
    }) : () -> ()
    %mul3A_93 = arith.constant 640 : i32
    %mul3A_94 = arith.muli %arg1, %mul3A_93 : i32
    "tpu.region"() ({
      %run_scoped3A = tpu.sem_alloc : memref<!tpu.dma_semaphore, #tpu.memory_space<semaphore_mem>>
      %dma_start3A_95 = tpu.memref_slice %arg5[%arg0, %mul3A_94] : memref<2x10240xf32, #tpu.memory_space<hbm>> -> memref<1x640xf32, #tpu.memory_space<hbm>>
      %dma_start3A_96 = tpu.memref_squeeze %dma_start3A_95 : memref<1x640xf32, #tpu.memory_space<hbm>> -> memref<640xf32, #tpu.memory_space<hbm>>
      %dma_start3A_97 = tpu.memref_slice %arg5[%arg0, %mul3A_94] : memref<2x10240xf32, #tpu.memory_space<hbm>> -> memref<1x640xf32, #tpu.memory_space<hbm>>
      %dma_start3A_98 = tpu.memref_squeeze %dma_start3A_97 : memref<1x640xf32, #tpu.memory_space<hbm>> -> memref<640xf32, #tpu.memory_space<hbm>>
      tpu.enqueue_dma source(%arg11 : memref<640xf32, #tpu.memory_space<vmem>>) target(%dma_start3A_98 : memref<640xf32, #tpu.memory_space<hbm>>) target_semaphore(%run_scoped3A : memref<!tpu.dma_semaphore, #tpu.memory_space<semaphore_mem>>)
      %dma_wait3A_99 = tpu.memref_slice %arg5[%arg0, %mul3A_94] : memref<2x10240xf32, #tpu.memory_space<hbm>> -> memref<1x640xf32, #tpu.memory_space<hbm>>
      %dma_wait3A_100 = tpu.memref_squeeze %dma_wait3A_99 : memref<1x640xf32, #tpu.memory_space<hbm>> -> memref<640xf32, #tpu.memory_space<hbm>>
      %dma_wait3A_101 = tpu.memref_slice %arg5[%arg0, %mul3A_94] : memref<2x10240xf32, #tpu.memory_space<hbm>> -> memref<1x640xf32, #tpu.memory_space<hbm>>
      %dma_wait3A_102 = tpu.memref_squeeze %dma_wait3A_101 : memref<1x640xf32, #tpu.memory_space<hbm>> -> memref<640xf32, #tpu.memory_space<hbm>>
      tpu.wait_dma2 semaphore(%run_scoped3A : memref<!tpu.dma_semaphore, #tpu.memory_space<semaphore_mem>>) src(%arg11 : memref<640xf32, #tpu.memory_space<vmem>>) dst(%dma_wait3A_102 : memref<640xf32, #tpu.memory_space<hbm>>)
      tpu.yield
    }) : () -> ()
    return
  }
}

module attributes {stable_mosaic.version = 14 : i64} {
  func.func @_tc_xw_body(%arg0: i32, %arg1: memref<2000x128xf32, #tpu.memory_space<vmem>>, %arg2: memref<128x40xf32, #tpu.memory_space<vmem>>, %arg3: memref<2000x40xf32, #tpu.memory_space<vmem>>) attributes {dimension_semantics = [#tpu.dimension_semantics<arbitrary>], iteration_bounds = array<i64: 5>, scalar_prefetch = 0 : i64, scratch_operands = 0 : i64, tpu.core_type = #tpu.core_type<tc>, window_params = [{transform_indices = @transform_0, window_bounds = array<i64: 2000, 128>}, {pipeline_mode = #tpu.pipeline_mode<synchronous>, transform_indices = @transform_1, window_bounds = array<i64: 128, 40>}, {transform_indices = @transform_2, window_bounds = array<i64: 2000, 40>}]} {
    %get3A = arith.constant 0 : index
    %get3A_0 = arith.constant 0 : index
    %get3A_1 = vector.load %arg1[%get3A, %get3A_0] : memref<2000x128xf32, #tpu.memory_space<vmem>>, vector<2000x128xf32>
    %get3A_2 = arith.constant 0 : index
    %get3A_3 = arith.constant 0 : index
    %get3A_4 = vector.load %arg2[%get3A_2, %get3A_3] : memref<128x40xf32, #tpu.memory_space<vmem>>, vector<128x40xf32>
    %dot_general3A = arith.constant dense<0.000000e+00> : vector<2000x40xf32>
    %dot_general3A_5 = tpu.matmul %get3A_1, %get3A_4, %dot_general3A {dimension_numbers = #tpu.dot_dimension_numbers<[1], [0], [0], [1], [0, 0, 1, 1], [], []>, transpose_lhs_hint = false} : vector<2000x128xf32>, vector<128x40xf32>, vector<2000x40xf32> -> vector<2000x40xf32>
    %swap3A = arith.constant 0 : index
    %swap3A_6 = arith.constant 0 : index
    %swap3A_7 = vector.load %arg3[%swap3A, %swap3A_6] : memref<2000x40xf32, #tpu.memory_space<vmem>>, vector<2000x40xf32>
    tpu.vector_store %arg3[%swap3A, %swap3A_6], %dot_general3A_5 {strides = array<i32>} : memref<2000x40xf32, #tpu.memory_space<vmem>>, vector<2000x40xf32>,
    return
  }
  func.func @transform_0(%arg0: i32) -> (i32, i32) {
    %c0_i32 = arith.constant 0 : i32
    %c0_i32_0 = arith.constant 0 : i32
    return %arg0, %c0_i32 : i32, i32
  }
  func.func @transform_1(%arg0: i32) -> (i32, i32) {
    %c0_i32 = arith.constant 0 : i32
    %c0_i32_0 = arith.constant 0 : i32
    %c0_i32_1 = arith.constant 0 : i32
    return %c0_i32, %c0_i32_0 : i32, i32
  }
  func.func @transform_2(%arg0: i32) -> (i32, i32) {
    %c0_i32 = arith.constant 0 : i32
    %c0_i32_0 = arith.constant 0 : i32
    return %arg0, %c0_i32 : i32, i32
  }
}

module attributes {stable_mosaic.version = 14 : i64} {
  func.func @_tc_heads_body(%arg0: i32, %arg1: memref<2000x40xf32, #tpu.memory_space<vmem>>, %arg2: memref<2x2000x40xf32, #tpu.memory_space<vmem>>, %arg3: memref<2000x2xf32, #tpu.memory_space<vmem>>, %arg4: memref<1x40xf32, #tpu.memory_space<vmem>>, %arg5: memref<40x128xf32, #tpu.memory_space<vmem>>, %arg6: memref<1x128xf32, #tpu.memory_space<vmem>>, %arg7: memref<40x128xf32, #tpu.memory_space<vmem>>, %arg8: memref<1x128xf32, #tpu.memory_space<vmem>>, %arg9: memref<2000x128xf32, #tpu.memory_space<vmem>>, %arg10: memref<2000x128xf32, #tpu.memory_space<vmem>>) attributes {dimension_semantics = [#tpu.dimension_semantics<arbitrary>], iteration_bounds = array<i64: 5>, scalar_prefetch = 0 : i64, scratch_operands = 0 : i64, tpu.core_type = #tpu.core_type<tc>, window_params = [{transform_indices = @transform_0, window_bounds = array<i64: 2000, 40>}, {transform_indices = @transform_1, window_bounds = array<i64: 2, 2000, 40>}, {transform_indices = @transform_2, window_bounds = array<i64: 2000, 2>}, {pipeline_mode = #tpu.pipeline_mode<synchronous>, transform_indices = @transform_3, window_bounds = array<i64: 1, 40>}, {pipeline_mode = #tpu.pipeline_mode<synchronous>, transform_indices = @transform_4, window_bounds = array<i64: 40, 128>}, {pipeline_mode = #tpu.pipeline_mode<synchronous>, transform_indices = @transform_5, window_bounds = array<i64: 1, 128>}, {pipeline_mode = #tpu.pipeline_mode<synchronous>, transform_indices = @transform_6, window_bounds = array<i64: 40, 128>}, {pipeline_mode = #tpu.pipeline_mode<synchronous>, transform_indices = @transform_7, window_bounds = array<i64: 1, 128>}, {transform_indices = @transform_8, window_bounds = array<i64: 2000, 128>}, {transform_indices = @transform_9, window_bounds = array<i64: 2000, 128>}]} {
    %get3A = arith.constant 0 : index
    %get3A_0 = arith.constant 0 : index
    %get3A_1 = vector.load %arg3[%get3A, %get3A_0] : memref<2000x2xf32, #tpu.memory_space<vmem>>, vector<2000x1xf32>
    %add3A = arith.constant 1.000000e+00 : f32
    %add3A_2 = vector.broadcast %add3A : f32 to vector<2000x1xf32>
    %add3A_3 = arith.addf %add3A_2, %get3A_1 : vector<2000x1xf32>
    %get3A_4 = arith.constant 0 : index
    %get3A_5 = arith.constant 1 : index
    %get3A_6 = vector.load %arg3[%get3A_4, %get3A_5] : memref<2000x2xf32, #tpu.memory_space<vmem>>, vector<2000x1xf32>
    %add3A_7 = arith.addf %add3A_3, %get3A_6 : vector<2000x1xf32>
    %rsqrt3A = math.rsqrt %add3A_7 : vector<2000x1xf32>
    %get3A_8 = arith.constant 0 : index
    %get3A_9 = arith.constant 0 : index
    %get3A_10 = arith.constant 0 : index
    %get3A_11 = vector.load %arg2[%get3A_8, %get3A_9, %get3A_10] : memref<2x2000x40xf32, #tpu.memory_space<vmem>>, vector<1x2000x40xf32>
    %get3A_12 = vector.shape_cast %get3A_11 : vector<1x2000x40xf32> to vector<2000x40xf32>
    %get3A_13 = arith.constant 1 : index
    %get3A_14 = arith.constant 0 : index
    %get3A_15 = arith.constant 0 : index
    %get3A_16 = vector.load %arg2[%get3A_13, %get3A_14, %get3A_15] : memref<2x2000x40xf32, #tpu.memory_space<vmem>>, vector<1x2000x40xf32>
    %get3A_17 = vector.shape_cast %get3A_16 : vector<1x2000x40xf32> to vector<2000x40xf32>
    %add3A_18 = arith.addf %get3A_12, %get3A_17 : vector<2000x40xf32>
    %mul3A = vector.broadcast %rsqrt3A : vector<2000x1xf32> to vector<2000x40xf32>
    %mul3A_19 = arith.mulf %mul3A, %add3A_18 : vector<2000x40xf32>
    %mul3A_20 = arith.mulf %rsqrt3A, %rsqrt3A : vector<2000x1xf32>
    %get3A_21 = arith.constant 0 : index
    %get3A_22 = arith.constant 0 : index
    %get3A_23 = vector.load %arg1[%get3A_21, %get3A_22] : memref<2000x40xf32, #tpu.memory_space<vmem>>, vector<2000x40xf32>
    %mul3A_24 = vector.broadcast %mul3A_20 : vector<2000x1xf32> to vector<2000x40xf32>
    %mul3A_25 = arith.mulf %mul3A_24, %get3A_23 : vector<2000x40xf32>
    %add3A_26 = arith.addf %mul3A_19, %mul3A_25 : vector<2000x40xf32>
    %get3A_27 = arith.constant 0 : index
    %get3A_28 = arith.constant 0 : index
    %get3A_29 = vector.load %arg4[%get3A_27, %get3A_28] : memref<1x40xf32, #tpu.memory_space<vmem>>, vector<1x40xf32>
    %add3A_30 = vector.broadcast %get3A_29 : vector<1x40xf32> to vector<2000x40xf32>
    %add3A_31 = arith.addf %add3A_26, %add3A_30 : vector<2000x40xf32>
    %get3A_32 = arith.constant 0 : index
    %get3A_33 = arith.constant 0 : index
    %get3A_34 = vector.load %arg5[%get3A_32, %get3A_33] : memref<40x128xf32, #tpu.memory_space<vmem>>, vector<40x128xf32>
    %dot_general3A = arith.constant dense<0.000000e+00> : vector<2000x128xf32>
    %dot_general3A_35 = tpu.matmul %add3A_31, %get3A_34, %dot_general3A {dimension_numbers = #tpu.dot_dimension_numbers<[1], [0], [0], [1], [0, 0, 1, 1], [], []>, transpose_lhs_hint = false} : vector<2000x40xf32>, vector<40x128xf32>, vector<2000x128xf32> -> vector<2000x128xf32>
    %get3A_36 = arith.constant 0 : index
    %get3A_37 = arith.constant 0 : index
    %get3A_38 = vector.load %arg6[%get3A_36, %get3A_37] : memref<1x128xf32, #tpu.memory_space<vmem>>, vector<1x128xf32>
    %add3A_39 = vector.broadcast %get3A_38 : vector<1x128xf32> to vector<2000x128xf32>
    %add3A_40 = arith.addf %dot_general3A_35, %add3A_39 : vector<2000x128xf32>
    %get3A_41 = arith.constant 0 : index
    %get3A_42 = arith.constant 0 : index
    %get3A_43 = vector.load %arg7[%get3A_41, %get3A_42] : memref<40x128xf32, #tpu.memory_space<vmem>>, vector<40x128xf32>
    %dot_general3A_44 = arith.constant dense<0.000000e+00> : vector<2000x128xf32>
    %dot_general3A_45 = tpu.matmul %add3A_31, %get3A_43, %dot_general3A_44 {dimension_numbers = #tpu.dot_dimension_numbers<[1], [0], [0], [1], [0, 0, 1, 1], [], []>, transpose_lhs_hint = false} : vector<2000x40xf32>, vector<40x128xf32>, vector<2000x128xf32> -> vector<2000x128xf32>
    %get3A_46 = arith.constant 0 : index
    %get3A_47 = arith.constant 0 : index
    %get3A_48 = vector.load %arg8[%get3A_46, %get3A_47] : memref<1x128xf32, #tpu.memory_space<vmem>>, vector<1x128xf32>
    %add3A_49 = vector.broadcast %get3A_48 : vector<1x128xf32> to vector<2000x128xf32>
    %add3A_50 = arith.addf %dot_general3A_45, %add3A_49 : vector<2000x128xf32>
    %mul3A_51 = arith.mulf %add3A_40, %add3A_40 : vector<2000x128xf32>
    %reduce_sum3A = arith.constant dense<0.000000e+00> : vector<2000xf32>
    %reduce_sum3A_52 = vector.multi_reduction <add>, %mul3A_51, %reduce_sum3A [1] : vector<2000x128xf32> to vector<2000xf32>
    %broadcast_in_dim3A = vector.shape_cast %reduce_sum3A_52 : vector<2000xf32> to vector<2000x1xf32>
    %sqrt3A = math.sqrt %broadcast_in_dim3A : vector<2000x1xf32>
    %mul3A_53 = arith.mulf %add3A_50, %add3A_50 : vector<2000x128xf32>
    %reduce_sum3A_54 = arith.constant dense<0.000000e+00> : vector<2000xf32>
    %reduce_sum3A_55 = vector.multi_reduction <add>, %mul3A_53, %reduce_sum3A_54 [1] : vector<2000x128xf32> to vector<2000xf32>
    %broadcast_in_dim3A_56 = vector.shape_cast %reduce_sum3A_55 : vector<2000xf32> to vector<2000x1xf32>
    %sqrt3A_57 = math.sqrt %broadcast_in_dim3A_56 : vector<2000x1xf32>
    %max3A = arith.constant 9.99999996E-13 : f32
    %max3A_58 = vector.broadcast %max3A : f32 to vector<2000x1xf32>
    %max3A_59 = arith.maximumf %sqrt3A, %max3A_58 : vector<2000x1xf32>
    %div3A = vector.broadcast %max3A_59 : vector<2000x1xf32> to vector<2000x128xf32>
    %div3A_60 = arith.divf %add3A_40, %div3A : vector<2000x128xf32>
    %swap3A = arith.constant 0 : index
    %swap3A_61 = arith.constant 0 : index
    %swap3A_62 = vector.load %arg9[%swap3A, %swap3A_61] : memref<2000x128xf32, #tpu.memory_space<vmem>>, vector<2000x128xf32>
    tpu.vector_store %arg9[%swap3A, %swap3A_61], %div3A_60 {strides = array<i32>} : memref<2000x128xf32, #tpu.memory_space<vmem>>, vector<2000x128xf32>,
    %max3A_63 = arith.constant 9.99999996E-13 : f32
    %max3A_64 = vector.broadcast %max3A_63 : f32 to vector<2000x1xf32>
    %max3A_65 = arith.maximumf %sqrt3A_57, %max3A_64 : vector<2000x1xf32>
    %div3A_66 = vector.broadcast %max3A_65 : vector<2000x1xf32> to vector<2000x128xf32>
    %div3A_67 = arith.divf %add3A_50, %div3A_66 : vector<2000x128xf32>
    %swap3A_68 = arith.constant 0 : index
    %swap3A_69 = arith.constant 0 : index
    %swap3A_70 = vector.load %arg10[%swap3A_68, %swap3A_69] : memref<2000x128xf32, #tpu.memory_space<vmem>>, vector<2000x128xf32>
    tpu.vector_store %arg10[%swap3A_68, %swap3A_69], %div3A_67 {strides = array<i32>} : memref<2000x128xf32, #tpu.memory_space<vmem>>, vector<2000x128xf32>,
    return
  }
  func.func @transform_0(%arg0: i32) -> (i32, i32) {
    %c0_i32 = arith.constant 0 : i32
    %c0_i32_0 = arith.constant 0 : i32
    return %arg0, %c0_i32 : i32, i32
  }
  func.func @transform_1(%arg0: i32) -> (i32, i32, i32) {
    %c0_i32 = arith.constant 0 : i32
    %c0_i32_0 = arith.constant 0 : i32
    %c0_i32_1 = arith.constant 0 : i32
    return %c0_i32, %arg0, %c0_i32_0 : i32, i32, i32
  }
  func.func @transform_2(%arg0: i32) -> (i32, i32) {
    %c0_i32 = arith.constant 0 : i32
    %c0_i32_0 = arith.constant 0 : i32
    return %arg0, %c0_i32 : i32, i32
  }
  func.func @transform_3(%arg0: i32) -> (i32, i32) {
    %c0_i32 = arith.constant 0 : i32
    %c0_i32_0 = arith.constant 0 : i32
    %c0_i32_1 = arith.constant 0 : i32
    return %c0_i32, %c0_i32_0 : i32, i32
  }
  func.func @transform_4(%arg0: i32) -> (i32, i32) {
    %c0_i32 = arith.constant 0 : i32
    %c0_i32_0 = arith.constant 0 : i32
    %c0_i32_1 = arith.constant 0 : i32
    return %c0_i32, %c0_i32_0 : i32, i32
  }
  func.func @transform_5(%arg0: i32) -> (i32, i32) {
    %c0_i32 = arith.constant 0 : i32
    %c0_i32_0 = arith.constant 0 : i32
    %c0_i32_1 = arith.constant 0 : i32
    return %c0_i32, %c0_i32_0 : i32, i32
  }
  func.func @transform_6(%arg0: i32) -> (i32, i32) {
    %c0_i32 = arith.constant 0 : i32
    %c0_i32_0 = arith.constant 0 : i32
    %c0_i32_1 = arith.constant 0 : i32
    return %c0_i32, %c0_i32_0 : i32, i32
  }
  func.func @transform_7(%arg0: i32) -> (i32, i32) {
    %c0_i32 = arith.constant 0 : i32
    %c0_i32_0 = arith.constant 0 : i32
    %c0_i32_1 = arith.constant 0 : i32
    return %c0_i32, %c0_i32_0 : i32, i32
  }
  func.func @transform_8(%arg0: i32) -> (i32, i32) {
    %c0_i32 = arith.constant 0 : i32
    %c0_i32_0 = arith.constant 0 : i32
    return %arg0, %c0_i32 : i32, i32
  }
  func.func @transform_9(%arg0: i32) -> (i32, i32) {
    %c0_i32 = arith.constant 0 : i32
    %c0_i32_0 = arith.constant 0 : i32
    return %arg0, %c0_i32 : i32, i32
  }
}

</mosaic_0001>

<sc_bundles>
// kernel: kernel.6.cloned.1.call-start
scs
__scs_entry_jumppad:
0x0: {  	(pc) =	sbr.rel $0x88, $3  }
0x1: {  	(tag) =	ssettag $0x0;
	lr =	simm.s32 $0x1  }
0x2: {  	[smem:$0x3F97] =	sst lr;
	_ =	strace $0xD0000000  }
0x3: {  	_ = 	snop  }
0x4: {  	_ = 	snop  }
0x5: {  	_ = 	snop  }
0x6: {  	_ = 	snop  }
0x7: {  	_ = 	snop  }
__scs_overlays_trampoline_lowered:
0x8: {  	[smem:$0x3FA6] =	sst s0  }
0x9: {  	[smem:$0x3FA7] =	sst s1  }
0xa: {  	[smem:$0x3FA8] =	sst s2  }
0xb: {  	[smem:$0x3FA9] =	sst s3  }
0xc: {  	[smem:$0x3FAA] =	sst s4  }
0xd: {  	[smem:$0x3FAB] =	sst s5  }
0xe: {  	[smem:$0x3FAC] =	sst s6  }
0xf: {  	[smem:$0x3FAD] =	sst s7  }
0x10: {  	[smem:$0x3FAE] =	sst s8  }
0x11: {  	[smem:$0x3FAF] =	sst s9;
	s0 =	simm.s32 @!p0 $0x0  }
0x12: {  	s1 =	sld [smem:$0x3F95];
	s0 =	simm.s32 @p0 $0x1  }
0x13: {  	[smem:$0x3FB0] =	sst s0;
	s0 =	simm.s32 @!p1 $0x0  }
0x14: {  	s2 =	sld [smem:$0x3F94];
	s0 =	simm.s32 @p1 $0x1  }
0x15: {  	[smem:$0x3FB1] =	sst s0;
	s0 =	simm.s32 @!p2 $0x0  }
0x16: {  	s3 =	sld [smem:$0x3FDB];
	s0 =	simm.s32 @p2 $0x1  }
0x17: {  	s4 =	simm.s32 $0x1BF5;
	[smem:$0x3FB3] =	sst s0  }
0x18: {  	s0 =	sld [smem:$0x3F96];
	_ =	swait.ge [sflag:s4], $0x0  }
0x19: {  	s7 =	sld [smem:$0x3F97]  }
0x1a: {  	s8 =	sadd.s32 $0xFFFFE003, lr  }
0x1b: {  	s9 =	sadd.s32 $0xFFFFFEF7, lr;
	s5 =	simm.s32 $0xFFFFFFFF;
	p2 =	slt.u32 s8, $0xFFFFF086  }
0x1c: {  	p1 =	slt.u32 s9, $0xF7A;
	s5 =	simm.s32 @!p2 $0x0  }
0x1d: {  	s5 =	simm.s32 @p1 $0x1;
	p0 =	seq.s32 s7, s2  }
0x1e: {  	s7 =	smul.u32 @!p0 $0xF7A, s2;
	p2 =	seq.s32 @!p0 s5, $0x0  }
0x1f: {  	s9 =	smul.u32 $0xF7A, s1;
	s8 =	simm.s32 @!p0 $0x1BF5;
	p2 =	por !p2, p0  }
0x20: {  	[sflag:s8] =	ssyncset.s32 @!p0 $0xFFFFF086;
	s6 =	sadd.s32 @!p0 s3, s7;
	s7 =	simm.s32 @!p0 $0x108  }
0x21: {  	s3 =	sadd.s32 s3, s9;
	s6 =	sadd.s32 @!p0 $0x88, s6;
	s7 =	simm.s32 @p2 $0x1082  }
0x22: {  	[simem:s7], [sflag:s8] =	dma.local @!p0 [hbm:s6], $0xF7A  }
0x23: {  	s9 =	sor.u32 $0xD0000000, s2;
	s6 =	simm.s32 $0x108;
	_ =	swait.ge @!p0 [sflag:s8], $0x0  }
0x24: {  	s3 =	sadd.s32 $0x88, s3;
	s6 =	simm.s32 @!p1 $0x1082;
	[sflag:s4] =	ssyncset.s32 $0xFFFFF086  }
0x25: {  	[simem:s6], [sflag:s4] =	dma.local [hbm:s3], $0xF7A  }
0x26: {  	[smem:$0x3F97] =	sst s1;
	(tag) =	ssettag s2;
	_ =	strace s9  }
0x27: {  	s1 =	sld [smem:$0x3FA7]  }
0x28: {  	s2 =	sld [smem:$0x3FA8]  }
0x29: {  	s4 =	sld [smem:$0x3FAA]  }
0x2a: {  	p0 =	seq.s32 s5, $0x0;
	s5 =	sld [smem:$0x3FAB]  }
0x2b: {  	s6 =	sld [smem:$0x3FAC]  }
0x2c: {  	s7 =	sld [smem:$0x3FAD]  }
0x2d: {  	s3 =	simm.s32 $0x108;
	s8 =	sld [smem:$0x3FAE]  }
0x2e: {  	s3 =	simm.s32 @!p0 $0x1082;
	s9 =	sld [smem:$0x3FAF]  }
0x2f: {  	lr =	sadd.s32 s0, s3;
	s0 =	sld [smem:$0x3FA6]  }
0x30: {  	s3 =	sld [smem:$0x3FA9]  }
0x31: {  	[smem:$0x3FB2] =	sst s10  }
0x32: {  	s10 =	sld [smem:$0x3FB0];
	_ =	sdelay $0x3  }
0x33: {  	p0 =	seq.s32 s10, $0x1;
	s10 =	sld [smem:$0x3FB2];
	_ =	sdelay $0x3  }
0x34: {  	[smem:$0x3FB2] =	sst s10  }
0x35: {  	s10 =	sld [smem:$0x3FB1];
	_ =	sdelay $0x3  }
0x36: {  	p1 =	seq.s32 s10, $0x1;
	s10 =	sld [smem:$0x3FB2];
	_ =	sdelay $0x3  }
0x37: {  	[smem:$0x3FB2] =	sst s10  }
0x38: {  	s10 =	sld [smem:$0x3FB3]  }
0x39: {  	_ = 	snop;
	(pc) =	sbr.ind lr, $3  }
0x3a: {  	_ = 	snop  }
0x3b: {  	_ = 	snop  }
0x3c: {  	p2 =	seq.s32 s10, $0x1;
	s10 =	sld [smem:$0x3FB2]  }
0x3d: {  	_ =	shalt  }
0x3e: {  	_ =	shalt  }
0x3f: {  	_ =	shalt  }
0x40: {  	_ =	shalt  }
0x41: {  	_ =	shalt  }
0x42: {  	_ =	shalt  }
0x43: {  	_ =	shalt  }
0x44: {  	_ =	shalt  }
0x45: {  	_ =	shalt  }
0x46: {  	_ =	shalt  }
0x47: {  	_ =	shalt  }
0x48: {  	_ =	shalt  }
0x49: {  	_ =	shalt  }
0x4a: {  	_ =	shalt  }
0x4b: {  	_ =	shalt  }
0x4c: {  	_ =	shalt  }
0x4d: {  	_ =	shalt  }
0x4e: {  	_ =	shalt  }
0x4f: {  	_ =	shalt  }
0x50: {  	_ =	shalt  }
0x51: {  	_ =	shalt  }
0x52: {  	_ =	shalt  }
0x53: {  	_ =	shalt  }
0x54: {  	_ =	shalt  }
0x55: {  	_ =	shalt  }
0x56: {  	_ =	shalt  }
0x57: {  	_ =	shalt  }
0x58: {  	_ =	shalt  }
0x59: {  	_ =	shalt  }
0x5a: {  	_ =	shalt  }
0x5b: {  	_ =	shalt  }
0x5c: {  	_ =	shalt  }
0x5d: {  	_ =	shalt  }
0x5e: {  	_ =	shalt  }
0x5f: {  	_ =	shalt  }
0x60: {  	_ =	shalt  }
0x61: {  	_ =	shalt  }
0x62: {  	_ =	shalt  }
0x63: {  	_ =	shalt  }
0x64: {  	_ =	shalt  }
0x65: {  	_ =	shalt  }
0x66: {  	_ =	shalt  }
0x67: {  	_ =	shalt  }
0x68: {  	_ =	shalt  }
0x69: {  	_ =	shalt  }
0x6a: {  	_ =	shalt  }
0x6b: {  	_ =	shalt  }
0x6c: {  	_ =	shalt  }
0x6d: {  	_ =	shalt  }
0x6e: {  	_ =	shalt  }
0x6f: {  	_ =	shalt  }
0x70: {  	_ =	shalt  }
0x71: {  	_ =	shalt  }
0x72: {  	_ =	shalt  }
0x73: {  	_ =	shalt  }
0x74: {  	_ =	shalt  }
0x75: {  	_ =	shalt  }
0x76: {  	_ =	shalt  }
0x77: {  	_ =	shalt  }
0x78: {  	_ =	shalt  }
0x79: {  	_ =	shalt  }
0x7a: {  	_ =	shalt  }
0x7b: {  	_ =	shalt  }
0x7c: {  	_ =	shalt  }
0x7d: {  	_ =	shalt  }
0x7e: {  	_ =	shalt  }
0x7f: {  	_ =	shalt  }
0x80: {  	_ =	shalt  }
0x81: {  	_ =	shalt  }
0x82: {  	_ =	shalt  }
0x83: {  	_ =	shalt  }
0x84: {  	_ =	shalt  }
0x85: {  	_ =	shalt  }
0x86: {  	_ =	shalt  }
0x87: {  	_ =	shalt  }
.Lfunc_end0:
.L_simem_size_0:
called_computation_lowered:
.L_overlay_start_0:
0x88: {  	s2 =	sld [smem:$0x3FD9]  }
0x89: {  	s3 =	sld [smem:$0x3FFE];
	_ =	sdelay $0x1  }
0x8a: {  	s1 =	srdreg.scid  }
0x8b: {  	s0 =	sand.u32 $0x1, s1  }
0x8c: {  	s14 =	sshll.u32 s0, $0xA;
	s2 =	sadd.s32 s3, s2  }
0x8d: {  	s2 =	sadd.s32 s2, s14  }
0x8e: {  	[smem:$0x3FBE] =	sst s2  }
0x8f: {  	_ = 	snop  }
0x90: {  	s2 =	sld [smem:$0x3FD0];
	_ =	sdelay $0x2  }
0x91: {  	s15 =	simm.s32 $0xA;
	s4 =	simm.s32 $0x10  }
0x92: {  	[smem:s4], [sflag:s15] =	dma.local [hbm:s2], $0x1  }
0x93: {  	_ =	swait.eq [sflag:s15], $0x1  }
0x94: {  	[sflag:s15] =	ssyncset.done $0x0  }
0x95: {  	s16 =	sld [smem:$0x10];
	[sflag:s15] =	ssyncadd.s32 $0xFFFFFFFF  }
0x96: {  	s17 =	sld [smem:$0x11];
	(tm) =	ssettm $0x1  }
0x97: {  	s18 =	sld [smem:$0x3FFB];
	_ =	sdelay $0x3  }
0x98: {  	_ =	strace s18  }
0x99: {  	s4 =	sld [smem:$0x3FFC];
	_ =	sdelay $0x3  }
0x9a: {  	_ =	strace s4  }
0x9b: {  	s4 =	sld [smem:$0x3FFD];
	_ =	sdelay $0x3  }
0x9c: {  	_ =	strace s4  }
0x9d: {  	_ =	strace $0x8FFFFFFF  }
0x9e: {  	s19 =	sld [smem:$0x3FDB];
	_ =	sdelay $0x1  }
0x9f: {  	s5 =	simm.s32 $_scs_section_size  }
0xa0: {  	s6 =	simm.s32 $_size__tile_overlayer_lowered;
	s7 =	simm.s32 $_tile_overlayer_lowered  }
0xa1: {  	s22 =	simm.s32 $0x1BFF;
	s21 =	sshll.u32 s7, $0x1;
	s4 =	sadd.s32 s5, s19  }
0xa2: {  	s8 =	simm.s32 $0x0;
	s20 =	sshll.u32 s6, $0x1;
	s6 =	sadd.s32 s21, s4  }
0xa3: {  	[timem:s8], [sflag:s22] =	dma.local [hbm:s6], s20  }
0xa4: {  	_ =	swait.ge [sflag:s22], s20  }
0xa5: {  	s5 =	ssub.s32 $0x0, s20;
	[sflag:s22] =	ssyncset.done $0x0  }
0xa6: {  	[sflag:s22] =	ssyncadd.s32 s5;
	_ =	sdelay $0x1  }
0xa7: {  	s23 =	simm.s32 $0x1B8B  }
0xa8: {  	_ =	swait.ge [sflag:s23], $0x1  }
0xa9: {  	[sflag:s23] =	ssyncset.done $0x0  }
0xaa: {  	s25 =	simm.s32 $0x1B8E;
	s24 =	sld [smem:$0x3FFE];
	[sflag:s23] =	ssyncadd.s32 $0xFFFFFFFF  }
0xab: {  	s26 =	simm.s32 $execute0_lowered;
	[smem:$0x3FD2] =	sst s25  }
0xac: {  	s6 =	sshll.u32 s26, $0x1;
	_ =	strace $0x80000046;
	[dreg:$0x1] =	wrdreg $0xFFFFFFFF  }
0xad: {  	s28 =	simm.s32 $_size_execute0_lowered;
	s4 =	sadd.s32 s4, s6;
	[dreg:$0x0] =	wrdreg $0x0  }
0xae: {  	s6 =	sshll.u32 s28, $0x1;
	[dreg:$0x2] =	wrdreg s4  }
0xaf: {  	[dreg:$0x3] =	wrdreg s6  }
0xb0: {  	[dreg:$0x4] =	wrdreg $0xC0  }
0xb1: {  	_ =	task [dreg:s8], $0x5FFFF  }
0xb2: {  	[dreg:$0x1] =	wrdreg $0xFFFFFFFF  }
0xb3: {  	[dreg:$0x0] =	wrdreg $0x60  }
0xb4: {  	[dreg:$0x2] =	wrdreg s16  }
0xb5: {  	[dreg:$0x3] =	wrdreg s24  }
0xb6: {  	[dreg:$0x4] =	wrdreg s17  }
0xb7: {  	[dreg:$0x5] =	wrdreg $0x5000  }
0xb8: {  	[dreg:$0x6] =	wrdreg $0x9  }
0xb9: {  	_ =	task.clear_ibuf [dreg:s8], $0x7FFFF;
	_ =	strace $0x90000046  }
0xba: {  	s29 =	simm.s32 $0x9;
	_ =	strace $0x80000048  }
0xbb: {  	_ =	swait.ge [sflag:s29], $0x1  }
0xbc: {  	[sflag:s29] =	ssyncadd.s32 $0xFFFFFFFF  }
0xbd: {  	_ =	strace $0x90000048  }
0xbe: {  	_ =	sfence  }
0xbf: {  	s30 =	sld [smem:$0x0];
	_ =	sdelay $0x2  }
0xc0: {  	s31 =	sshll.u32 s1, $0xD;
	s1 =	sshrl.u32 s1, $0x2  }
0xc1: {  	s3 =	sand.u32 $0x4000, s31;
	s1 =	sadd.s32 s1, s30  }
0xc2: {  	s0 =	sor.u32 s3, s0;
	s1 =	sshll.u32 s1, $0x11  }
0xc3: {  	s0 =	sor.u32 s1, s0  }
0xc4: {  	s0 =	sadd.s32 $0x8F2B, s0  }
0xc5: {  	[sflag:s0] =	ssyncadd.remote.s32 $0x1  }
0xc6: {  	_ =	sfence.sel $0xFFFF  }
0xc7: {  	[dreg:$0x0] =	wrdreg $0xFFFFFFFF;
	(pc) =	sbr.abs _section_cstart, $3  }
0xc8: {  	[dreg:$0x1] =	wrdreg $0xFFFFFFFF  }
0xc9: {  	_ =	task.clear_ibuf [dreg:s8], $0x2FFFF;
	_ =	strace $0x9FFFFFFF  }
0xca: {  	(tm) =	ssettm $0x7FFFFFFF  }
0xcb: {  	_ =	shalt  }
tec
execute0_lowered:
.L_overlay_start_1:
0x0: {  	(tag) =	ssettag $0x1  }
0x1: {  	s0 =	rddreg [dreg:$0x0]  }
0x2: {  	s1 =	rddreg [dreg:$0x1]  }
0x3: {  	s4 =	rddreg [dreg:$0x2]  }
0x4: {  	s3 =	srdreg.scid;
	s11 =	stileid.u32  }
0x5: {  	s2 =	rddreg [dreg:$0x3];
	s17 =	simm.s32 $0x280;
	s18 =	simm.s32 $0x9  }
0x6: {  	s19 =	simm.s32 $0x200;
	s28 =	simm.s32 $0x4;
	s29 =	simm.s32 $0x6  }
0x7: {  	s30 =	simm.s32 $0x7;
	s31 =	simm.s32 $0x8;
	s5 =	sand.u32 $0x1, s3  }
0x8: {  	s6 =	smul.u32 $0x280, s11;
	s3 =	simm.s32 $0x0;
	s9 =	sadd.s32 $0x2200, s1  }
0x9: {  	s7 =	smul.u32 $0x2800, s5;
	[smem:$0x7FF] =	sst s3;
	s8 =	sshll.u32 s5, $0x4  }
0xa: {  	s20 =	ssub.s32 $0x2, s5;
	s21 =	smul.u32 $0x28000, s5;
	_ =	strace $0x80000047  }
0xb: {  	s8 =	sor.u32 s11, s8;
	[dreg:$0x5] =	wrdreg s9;
	s22 =	sshrl.u32 s20, $0x1  }
0xc: {  	s10 =	sshrl.u32 s6, $0x3;
	s11 =	smul.u32 $0x2800, s11;
	s7 =	sadd.s32 s6, s7  }
0xd: {  	s8 =	smul.u32 $0x2800, s8;
	s12 =	ssub.s32 s20, s22;
	s4 =	sadd.s32 s4, s10  }
0xe: {  	s6 =	sadd.s32 s6, s2;
	s20 =	simm.s32 $0x80;
	s22 =	simm.s32 $0x100  }
0xf: {  	s7 =	sshrl.u32 s7, $0x3;
	[dreg:$0x6] =	wrdreg s4;
	s14 =	sadd.s32 s11, s21  }
0x10: {  	s12 =	smax.u32 s12, $0x1;
	s21 =	simm.s32 $0x1;
	s1 =	sadd.s32 s7, s1  }
0x11: {  	s23 =	sshrl.u32 s8, $0x3;
	s11 =	sadd.s32 $0x50380, s14;
	s25 =	sadd.s32 $0x50300, s14  }
0x12: {  	s26 =	sadd.s32 $0x50280, s14;
	s14 =	sadd.s32 $0x50200, s14;
	s4 =	sadd.s32 s0, s23  }
0x13: {  	s24 =	sshrl.u32 s11, $0x3;
	s11 =	sadd.s32 $0x2400, s1;
	s1 =	sshrl.u32 s25, $0x3  }
0x14: {  	s16 =	sshrl.u32 s14, $0x3;
	s23 =	simm.s32 $0x2;
	s25 =	simm.s32 $0x3  }
0x15: {  	s7 =	sadd.s32 $0xA000, s4;
	s8 =	sadd.s32 $0xA010, s4;
	s9 =	sadd.s32 $0xA020, s4  }
0x16: {  	s10 =	sadd.s32 $0xA030, s4;
	s13 =	sadd.s32 s24, s0;
	s4 =	sshrl.u32 s26, $0x3  }
0x17: {  	s14 =	sadd.s32 s1, s0;
	s16 =	sadd.s32 s16, s0;
	s24 =	simm.s32 $0x180  }
0x18: {  	s26 =	simm.s32 $0x5;
	s1 =	simm.s32 $0x0;
	s15 =	sadd.s32 s4, s0  }
.LBB2_1:
0x19: {  	s0 =	rddreg [dreg:$0x6]  }
0x1a: {  	[tilespmem:s17], [sflag:$0x9] =	stream.linear.gather [hbm4b:s0+s3], $0x280, $0x38;
	[tilespmem:$0x780] =	vst v63  }
0x1b: {  	_ =	swait.ge [sflag:s18], $0x280  }
0x1c: {  	[sflag:s18] =	ssyncset.done $0x0  }
0x1d: {  	[sflag:s18] =	ssyncadd.s32 $0xFFFFFD80  }
0x1e: {  	[spmem:s6] =	stream.linear.scatter [tilespmem:s17], [sflag:$0x9], $0x280, $0x38;
	[tilespmem:$0x780] =	vst v63  }
0x1f: {  	_ =	swait.ge [sflag:s18], $0x280  }
0x20: {  	[sflag:s18] =	ssyncset.done $0x0  }
0x21: {  	s4 =	rddreg [dreg:$0x5];
	[sflag:s18] =	ssyncadd.s32 $0xFFFFFD80  }
0x22: {  	[tilespmem:s19], [sflag:$0x9] =	stream.linear.gather [hbm4b:s4+s3], $0x80, $0x38;
	[tilespmem:$0x780] =	vst v63  }
0x23: {  	_ =	swait.ge [sflag:s18], $0x80  }
0x24: {  	[sflag:s18] =	ssyncset.done $0x0  }
0x25: {  	[sflag:s18] =	ssyncadd.s32 $0xFFFFFF80  }
0x26: {  	[bflag:$0x0] =	sbarrier.arrive $0xFFFF  }
0x27: {  	[tilespmem:s3], [sflag:$0x1] =	stream.linear.gather [hbm4b:s7+s3], $0x80, $0x38;
	[tilespmem:$0x780] =	vst v63  }
0x28: {  	_ = 	snop  }
0x29: {  	[tilespmem:s20], [sflag:$0x2] =	stream.linear.gather [hbm4b:s8+s3], $0x80, $0x38;
	[tilespmem:$0x780] =	vst v63  }
0x2a: {  	_ =	swait.ge [sflag:s21], $0x80  }
0x2b: {  	[sflag:s21] =	ssyncset.done $0x0  }
0x2c: {  	[sflag:s21] =	ssyncadd.s32 $0xFFFFFF80  }
0x2d: {  	[spmem:s2] =	stream.indirect.scatter.add.f32 [tilespmem:s19], [sflag:$0x5], $0x1, s3, s20, $0xb8;
	[tilespmem:$0x780] =	vst v63  }
0x2e: {  	_ = 	snop  }
0x2f: {  	[tilespmem:s22], [sflag:$0x3] =	stream.linear.gather [hbm4b:s9+s3], $0x80, $0x38;
	[tilespmem:$0x780] =	vst v63  }
0x30: {  	_ =	swait.ge [sflag:s23], $0x80  }
0x31: {  	[sflag:s23] =	ssyncset.done $0x0  }
0x32: {  	[sflag:s23] =	ssyncadd.s32 $0xFFFFFF80  }
0x33: {  	[spmem:s2] =	stream.indirect.scatter.add.f32 [tilespmem:s19], [sflag:$0x6], $0x1, s20, s20, $0xb8;
	[tilespmem:$0x780] =	vst v63  }
0x34: {  	_ = 	snop  }
0x35: {  	[tilespmem:s24], [sflag:$0x4] =	stream.linear.gather [hbm4b:s10+s3], $0x80, $0x38;
	[tilespmem:$0x780] =	vst v63  }
0x36: {  	_ =	swait.ge [sflag:s25], $0x80  }
0x37: {  	[sflag:s25] =	ssyncset.done $0x0  }
0x38: {  	[sflag:s25] =	ssyncadd.s32 $0xFFFFFF80  }
0x39: {  	[spmem:s2] =	stream.indirect.scatter.add.f32 [tilespmem:s19], [sflag:$0x7], $0x1, s22, s20, $0xb8;
	[tilespmem:$0x780] =	vst v63  }
0x3a: {  	_ =	swait.ge [sflag:s26], $0x80  }
0x3b: {  	[sflag:s26] =	ssyncset.done $0x0  }
0x3c: {  	s5 =	sadd.s32 $0x0, s16;
	[sflag:s26] =	ssyncadd.s32 $0xFFFFFF80  }
0x3d: {  	[tilespmem:s3], [sflag:$0x1] =	stream.linear.gather [hbm4b:s5+s3], $0x80, $0x38;
	[tilespmem:$0x780] =	vst v63  }
0x3e: {  	_ =	swait.ge [sflag:s28], $0x80  }
0x3f: {  	[sflag:s28] =	ssyncset.done $0x0  }
0x40: {  	[sflag:s28] =	ssyncadd.s32 $0xFFFFFF80  }
0x41: {  	[spmem:s2] =	stream.indirect.scatter.add.f32 [tilespmem:s19], [sflag:$0x8], $0x1, s24, s20, $0xb8;
	[tilespmem:$0x780] =	vst v63  }
0x42: {  	_ =	swait.ge [sflag:s29], $0x80  }
0x43: {  	[sflag:s29] =	ssyncset.done $0x0  }
0x44: {  	s4 =	sadd.s32 $0x0, s15;
	[sflag:s29] =	ssyncadd.s32 $0xFFFFFF80  }
0x45: {  	[tilespmem:s20], [sflag:$0x2] =	stream.linear.gather [hbm4b:s4+s3], $0x80, $0x38;
	[tilespmem:$0x780] =	vst v63  }
0x46: {  	_ =	swait.ge [sflag:s21], $0x80  }
0x47: {  	[sflag:s21] =	ssyncset.done $0x0  }
0x48: {  	[sflag:s21] =	ssyncadd.s32 $0xFFFFFF80  }
0x49: {  	[spmem:s2] =	stream.indirect.scatter.add.f32 [tilespmem:s19], [sflag:$0x5], $0x1, s3, s20, $0xb8;
	[tilespmem:$0x780] =	vst v63  }
0x4a: {  	_ =	swait.ge [sflag:s30], $0x80  }
0x4b: {  	[sflag:s30] =	ssyncset.done $0x0  }
0x4c: {  	s5 =	sadd.s32 $0x0, s14;
	[sflag:s30] =	ssyncadd.s32 $0xFFFFFF80  }
0x4d: {  	[tilespmem:s22], [sflag:$0x3] =	stream.linear.gather [hbm4b:s5+s3], $0x80, $0x38;
	[tilespmem:$0x780] =	vst v63  }
0x4e: {  	_ =	swait.ge [sflag:s23], $0x80  }
0x4f: {  	[sflag:s23] =	ssyncset.done $0x0  }
0x50: {  	[sflag:s23] =	ssyncadd.s32 $0xFFFFFF80  }
0x51: {  	[spmem:s2] =	stream.indirect.scatter.add.f32 [tilespmem:s19], [sflag:$0x6], $0x1, s20, s20, $0xb8;
	[tilespmem:$0x780] =	vst v63  }
0x52: {  	_ =	swait.ge [sflag:s31], $0x80  }
0x53: {  	[sflag:s31] =	ssyncset.done $0x0  }
0x54: {  	s0 =	simm.s32 $0x40;
	s4 =	sadd.s32 $0x0, s13;
	[sflag:s31] =	ssyncadd.s32 $0xFFFFFF80  }
.LBB2_2:
0x55: {  	[tilespmem:s24], [sflag:$0x4] =	stream.linear.gather [hbm4b:s4+s3], $0x80, $0x38;
	[tilespmem:$0x780] =	vst v63  }
0x56: {  	s4 =	smov.u32 s0  }
0x57: {  	p0 =	sne.s32 s0, $0x480;
	s0 =	sadd.s32 $0x40, s0;
	_ =	swait.ge [sflag:s25], $0x80  }
0x58: {  	[sflag:s25] =	ssyncset.done $0x0  }
0x59: {  	[sflag:s25] =	ssyncadd.s32 $0xFFFFFF80  }
0x5a: {  	[spmem:s2] =	stream.indirect.scatter.add.f32 [tilespmem:s19], [sflag:$0x7], $0x1, s22, s20, $0xb8;
	[tilespmem:$0x780] =	vst v63  }
0x5b: {  	_ =	swait.ge [sflag:s26], $0x80  }
0x5c: {  	[sflag:s26] =	ssyncset.done $0x0  }
0x5d: {  	s5 =	sadd.s32 s4, s16;
	[sflag:s26] =	ssyncadd.s32 $0xFFFFFF80  }
0x5e: {  	[tilespmem:s3], [sflag:$0x1] =	stream.linear.gather [hbm4b:s5+s3], $0x80, $0x38;
	[tilespmem:$0x780] =	vst v63  }
0x5f: {  	_ =	swait.ge [sflag:s28], $0x80  }
0x60: {  	[sflag:s28] =	ssyncset.done $0x0  }
0x61: {  	[sflag:s28] =	ssyncadd.s32 $0xFFFFFF80  }
0x62: {  	[spmem:s2] =	stream.indirect.scatter.add.f32 [tilespmem:s19], [sflag:$0x8], $0x1, s24, s20, $0xb8;
	[tilespmem:$0x780] =	vst v63  }
0x63: {  	_ =	swait.ge [sflag:s29], $0x80  }
0x64: {  	[sflag:s29] =	ssyncset.done $0x0  }
0x65: {  	s5 =	sadd.s32 s4, s15;
	[sflag:s29] =	ssyncadd.s32 $0xFFFFFF80  }
0x66: {  	[tilespmem:s20], [sflag:$0x2] =	stream.linear.gather [hbm4b:s5+s3], $0x80, $0x38;
	[tilespmem:$0x780] =	vst v63  }
0x67: {  	_ =	swait.ge [sflag:s21], $0x80  }
0x68: {  	[sflag:s21] =	ssyncset.done $0x0  }
0x69: {  	[sflag:s21] =	ssyncadd.s32 $0xFFFFFF80  }
0x6a: {  	[spmem:s2] =	stream.indirect.scatter.add.f32 [tilespmem:s19], [sflag:$0x5], $0x1, s3, s20, $0xb8;
	[tilespmem:$0x780] =	vst v63  }
0x6b: {  	_ =	swait.ge [sflag:s30], $0x80  }
0x6c: {  	[sflag:s30] =	ssyncset.done $0x0  }
0x6d: {  	s5 =	sadd.s32 s4, s14;
	[sflag:s30] =	ssyncadd.s32 $0xFFFFFF80  }
0x6e: {  	[tilespmem:s22], [sflag:$0x3] =	stream.linear.gather [hbm4b:s5+s3], $0x80, $0x38;
	[tilespmem:$0x780] =	vst v63  }
0x6f: {  	_ =	swait.ge [sflag:s23], $0x80  }
0x70: {  	[sflag:s23] =	ssyncset.done $0x0  }
.Ltmp0:
0x71: {  	[sflag:s23] =	ssyncadd.s32 $0xFFFFFF80;
	(pc) =	sbr.rel @p0 .LBB2_2-.Ltmp0, $4  }
0x72: {  	[spmem:s2] =	stream.indirect.scatter.add.f32 [tilespmem:s19], [sflag:$0x6], $0x1, s20, s20, $0xb8;
	[tilespmem:$0x780] =	vst v63  }
0x73: {  	_ =	swait.ge [sflag:s31], $0x80  }
0x74: {  	[sflag:s31] =	ssyncset.done $0x0  }
0x75: {  	s4 =	sadd.s32 s4, s13;
	[sflag:s31] =	ssyncadd.s32 $0xFFFFFF80  }
0x76: {  	[tilespmem:s24], [sflag:$0x4] =	stream.linear.gather [hbm4b:s4+s3], $0x80, $0x38;
	[tilespmem:$0x780] =	vst v63  }
0x77: {  	_ =	swait.ge [sflag:s25], $0x80  }
0x78: {  	[sflag:s25] =	ssyncset.done $0x0  }
0x79: {  	[sflag:s25] =	ssyncadd.s32 $0xFFFFFF80  }
0x7a: {  	[spmem:s2] =	stream.indirect.scatter.add.f32 [tilespmem:s19], [sflag:$0x7], $0x1, s22, s20, $0xb8;
	[tilespmem:$0x780] =	vst v63  }
0x7b: {  	_ =	swait.ge [sflag:s28], $0x80  }
0x7c: {  	[sflag:s28] =	ssyncset.done $0x0  }
0x7d: {  	[sflag:s28] =	ssyncadd.s32 $0xFFFFFF80  }
0x7e: {  	[spmem:s2] =	stream.indirect.scatter.add.f32 [tilespmem:s19], [sflag:$0x8], $0x1, s24, s20, $0xb8;
	[tilespmem:$0x780] =	vst v63  }
0x7f: {  	_ =	swait.ge [sflag:s26], $0x80  }
0x80: {  	[sflag:s26] =	ssyncset.done $0x0  }
0x81: {  	[sflag:s26] =	ssyncadd.s32 $0xFFFFFF80  }
0x82: {  	_ =	swait.ge [sflag:s29], $0x80  }
0x83: {  	[sflag:s29] =	ssyncset.done $0x0  }
0x84: {  	[sflag:s29] =	ssyncadd.s32 $0xFFFFFF80  }
0x85: {  	_ =	swait.ge [sflag:s30], $0x80  }
0x86: {  	[sflag:s30] =	ssyncset.done $0x0  }
0x87: {  	[sflag:s30] =	ssyncadd.s32 $0xFFFFFF80  }
0x88: {  	_ =	swait.ge [sflag:s31], $0x80  }
0x89: {  	[sflag:s31] =	ssyncset.done $0x0  }
0x8a: {  	[sflag:s31] =	ssyncadd.s32 $0xFFFFFF80  }
0x8b: {  	[bflag:$0x0] =	sbarrier.arrive $0xFFFF  }
0x8c: {  	[tilespmem:s17], [sflag:$0x9] =	stream.linear.gather [spmem:s6], $0x280, $0x38;
	[tilespmem:$0x780] =	vst v63  }
0x8d: {  	s1 =	sadd.s32 $0x1, s1;
	_ =	swait.ge [sflag:s18], $0x280  }
0x8e: {  	p0 =	sne.s32 s1, s12;
	[sflag:s18] =	ssyncset.done $0x0  }
.Ltmp1:
0x8f: {  	[sflag:s18] =	ssyncadd.s32 $0xFFFFFD80;
	(pc) =	sbr.rel @p0 .LBB2_1-.Ltmp1, $4  }
0x90: {  	[hbm4b:s11+s3] =	stream.linear.scatter [tilespmem:s17], [sflag:$0x9], $0x280, $0x38;
	[tilespmem:$0x780] =	vst v63  }
0x91: {  	_ =	swait.ge [sflag:s18], $0x280  }
0x92: {  	[sflag:s18] =	ssyncset.done $0x0  }
0x93: {  	[sflag:s18] =	ssyncadd.s32 $0xFFFFFD80  }
0x94: {  	_ =	sfence.sel $0x180000  }
0x95: {  	[bflag:$0x0] =	sbarrier.arrive $0xFFFF  }
0x96: {  	_ =	strace $0x90000047  }
0x97: {  	s0 =	stileid.u32;
	[bflag:$0x2] =	sbarrier.arrive $0xFFFF  }
0x98: {  	p0 =	sne.s32 s0, $0x0;
	s0 =	rddreg [dreg:$0x4]  }
0x99: {  	s0 =	sadd.s32 @!p0 $0x100000, s0  }
0x9a: {  	[sflag:s0] =	ssyncadd.tile.s32 @!p0 $0x1;
	_ =	shalt  }
.Lfunc_end2:
_tile_overlayer_lowered:
.L_overlay_start_2:
0x9b: {  	(tag) =	ssettag $0x2  }
0x9c: {  	s0 =	rddreg [dreg:$0x0];
	s2 =	stileid.u32  }
0x9d: {  	s1 =	rddreg [dreg:$0x1];
	p0 =	sne.s32 s2, $0x0  }
0x9e: {  	s3 =	rddreg [dreg:$0x2];
	[bflag:$0x3] =	sbarrier.arrive $0xFFFF;
	s2 =	simm.s32 @!p0 $0x1C09  }
0x9f: {  	[timem:s3], [sflag:s2] =	dma.local @!p0 [hbm:s0], s1  }
0xa0: {  	s0 =	simm.s32 @!p0 $0x9  }
0xa1: {  	_ =	swait.ge @!p0 [sflag:s0], s1  }
0xa2: {  	s1 =	ssub.s32 @!p0 $0x0, s1;
	[sflag:s0] =	ssyncset.done @!p0 $0x0  }
0xa3: {  	[sflag:s0] =	ssyncadd.s32 @!p0 s1  }
0xa4: {  	[bflag:$0x3] =	sbarrier.arrive $0xFFFF  }
0xa5: {  	_ =	shalt  }

// kernel: kernel.9.cloned.1.call-start
scs
__scs_entry_jumppad:
0x0: {  	(pc) =	sbr.rel $0x88, $3  }
0x1: {  	(tag) =	ssettag $0x0;
	lr =	simm.s32 $0x1  }
0x2: {  	[smem:$0x3F97] =	sst lr;
	_ =	strace $0xD0000000  }
0x3: {  	_ = 	snop  }
0x4: {  	_ = 	snop  }
0x5: {  	_ = 	snop  }
0x6: {  	_ = 	snop  }
0x7: {  	_ = 	snop  }
__scs_overlays_trampoline_lowered:
0x8: {  	[smem:$0x3FA6] =	sst s0  }
0x9: {  	[smem:$0x3FA7] =	sst s1  }
0xa: {  	[smem:$0x3FA8] =	sst s2  }
0xb: {  	[smem:$0x3FA9] =	sst s3  }
0xc: {  	[smem:$0x3FAA] =	sst s4  }
0xd: {  	[smem:$0x3FAB] =	sst s5  }
0xe: {  	[smem:$0x3FAC] =	sst s6  }
0xf: {  	[smem:$0x3FAD] =	sst s7  }
0x10: {  	[smem:$0x3FAE] =	sst s8  }
0x11: {  	[smem:$0x3FAF] =	sst s9;
	s0 =	simm.s32 @!p0 $0x0  }
0x12: {  	s1 =	sld [smem:$0x3F95];
	s0 =	simm.s32 @p0 $0x1  }
0x13: {  	[smem:$0x3FB0] =	sst s0;
	s0 =	simm.s32 @!p1 $0x0  }
0x14: {  	s2 =	sld [smem:$0x3F94];
	s0 =	simm.s32 @p1 $0x1  }
0x15: {  	[smem:$0x3FB1] =	sst s0;
	s0 =	simm.s32 @!p2 $0x0  }
0x16: {  	s3 =	sld [smem:$0x3FDB];
	s0 =	simm.s32 @p2 $0x1  }
0x17: {  	s4 =	simm.s32 $0x1BF5;
	[smem:$0x3FB3] =	sst s0  }
0x18: {  	s0 =	sld [smem:$0x3F96];
	_ =	swait.ge [sflag:s4], $0x0  }
0x19: {  	s7 =	sld [smem:$0x3F97]  }
0x1a: {  	s8 =	sadd.s32 $0xFFFFE003, lr  }
0x1b: {  	s9 =	sadd.s32 $0xFFFFFEF7, lr;
	s5 =	simm.s32 $0xFFFFFFFF;
	p2 =	slt.u32 s8, $0xFFFFF086  }
0x1c: {  	p1 =	slt.u32 s9, $0xF7A;
	s5 =	simm.s32 @!p2 $0x0  }
0x1d: {  	s5 =	simm.s32 @p1 $0x1;
	p0 =	seq.s32 s7, s2  }
0x1e: {  	s7 =	smul.u32 @!p0 $0xF7A, s2;
	p2 =	seq.s32 @!p0 s5, $0x0  }
0x1f: {  	s9 =	smul.u32 $0xF7A, s1;
	s8 =	simm.s32 @!p0 $0x1BF5;
	p2 =	por !p2, p0  }
0x20: {  	[sflag:s8] =	ssyncset.s32 @!p0 $0xFFFFF086;
	s6 =	sadd.s32 @!p0 s3, s7;
	s7 =	simm.s32 @!p0 $0x108  }
0x21: {  	s3 =	sadd.s32 s3, s9;
	s6 =	sadd.s32 @!p0 $0x88, s6;
	s7 =	simm.s32 @p2 $0x1082  }
0x22: {  	[simem:s7], [sflag:s8] =	dma.local @!p0 [hbm:s6], $0xF7A  }
0x23: {  	s9 =	sor.u32 $0xD0000000, s2;
	s6 =	simm.s32 $0x108;
	_ =	swait.ge @!p0 [sflag:s8], $0x0  }
0x24: {  	s3 =	sadd.s32 $0x88, s3;
	s6 =	simm.s32 @!p1 $0x1082;
	[sflag:s4] =	ssyncset.s32 $0xFFFFF086  }
0x25: {  	[simem:s6], [sflag:s4] =	dma.local [hbm:s3], $0xF7A  }
0x26: {  	[smem:$0x3F97] =	sst s1;
	(tag) =	ssettag s2;
	_ =	strace s9  }
0x27: {  	s1 =	sld [smem:$0x3FA7]  }
0x28: {  	s2 =	sld [smem:$0x3FA8]  }
0x29: {  	s4 =	sld [smem:$0x3FAA]  }
0x2a: {  	p0 =	seq.s32 s5, $0x0;
	s5 =	sld [smem:$0x3FAB]  }
0x2b: {  	s6 =	sld [smem:$0x3FAC]  }
0x2c: {  	s7 =	sld [smem:$0x3FAD]  }
0x2d: {  	s3 =	simm.s32 $0x108;
	s8 =	sld [smem:$0x3FAE]  }
0x2e: {  	s3 =	simm.s32 @!p0 $0x1082;
	s9 =	sld [smem:$0x3FAF]  }
0x2f: {  	lr =	sadd.s32 s0, s3;
	s0 =	sld [smem:$0x3FA6]  }
0x30: {  	s3 =	sld [smem:$0x3FA9]  }
0x31: {  	[smem:$0x3FB2] =	sst s10  }
0x32: {  	s10 =	sld [smem:$0x3FB0];
	_ =	sdelay $0x3  }
0x33: {  	p0 =	seq.s32 s10, $0x1;
	s10 =	sld [smem:$0x3FB2];
	_ =	sdelay $0x3  }
0x34: {  	[smem:$0x3FB2] =	sst s10  }
0x35: {  	s10 =	sld [smem:$0x3FB1];
	_ =	sdelay $0x3  }
0x36: {  	p1 =	seq.s32 s10, $0x1;
	s10 =	sld [smem:$0x3FB2];
	_ =	sdelay $0x3  }
0x37: {  	[smem:$0x3FB2] =	sst s10  }
0x38: {  	s10 =	sld [smem:$0x3FB3]  }
0x39: {  	_ = 	snop;
	(pc) =	sbr.ind lr, $3  }
0x3a: {  	_ = 	snop  }
0x3b: {  	_ = 	snop  }
0x3c: {  	p2 =	seq.s32 s10, $0x1;
	s10 =	sld [smem:$0x3FB2]  }
0x3d: {  	_ =	shalt  }
0x3e: {  	_ =	shalt  }
0x3f: {  	_ =	shalt  }
0x40: {  	_ =	shalt  }
0x41: {  	_ =	shalt  }
0x42: {  	_ =	shalt  }
0x43: {  	_ =	shalt  }
0x44: {  	_ =	shalt  }
0x45: {  	_ =	shalt  }
0x46: {  	_ =	shalt  }
0x47: {  	_ =	shalt  }
0x48: {  	_ =	shalt  }
0x49: {  	_ =	shalt  }
0x4a: {  	_ =	shalt  }
0x4b: {  	_ =	shalt  }
0x4c: {  	_ =	shalt  }
0x4d: {  	_ =	shalt  }
0x4e: {  	_ =	shalt  }
0x4f: {  	_ =	shalt  }
0x50: {  	_ =	shalt  }
0x51: {  	_ =	shalt  }
0x52: {  	_ =	shalt  }
0x53: {  	_ =	shalt  }
0x54: {  	_ =	shalt  }
0x55: {  	_ =	shalt  }
0x56: {  	_ =	shalt  }
0x57: {  	_ =	shalt  }
0x58: {  	_ =	shalt  }
0x59: {  	_ =	shalt  }
0x5a: {  	_ =	shalt  }
0x5b: {  	_ =	shalt  }
0x5c: {  	_ =	shalt  }
0x5d: {  	_ =	shalt  }
0x5e: {  	_ =	shalt  }
0x5f: {  	_ =	shalt  }
0x60: {  	_ =	shalt  }
0x61: {  	_ =	shalt  }
0x62: {  	_ =	shalt  }
0x63: {  	_ =	shalt  }
0x64: {  	_ =	shalt  }
0x65: {  	_ =	shalt  }
0x66: {  	_ =	shalt  }
0x67: {  	_ =	shalt  }
0x68: {  	_ =	shalt  }
0x69: {  	_ =	shalt  }
0x6a: {  	_ =	shalt  }
0x6b: {  	_ =	shalt  }
0x6c: {  	_ =	shalt  }
0x6d: {  	_ =	shalt  }
0x6e: {  	_ =	shalt  }
0x6f: {  	_ =	shalt  }
0x70: {  	_ =	shalt  }
0x71: {  	_ =	shalt  }
0x72: {  	_ =	shalt  }
0x73: {  	_ =	shalt  }
0x74: {  	_ =	shalt  }
0x75: {  	_ =	shalt  }
0x76: {  	_ =	shalt  }
0x77: {  	_ =	shalt  }
0x78: {  	_ =	shalt  }
0x79: {  	_ =	shalt  }
0x7a: {  	_ =	shalt  }
0x7b: {  	_ =	shalt  }
0x7c: {  	_ =	shalt  }
0x7d: {  	_ =	shalt  }
0x7e: {  	_ =	shalt  }
0x7f: {  	_ =	shalt  }
0x80: {  	_ =	shalt  }
0x81: {  	_ =	shalt  }
0x82: {  	_ =	shalt  }
0x83: {  	_ =	shalt  }
0x84: {  	_ =	shalt  }
0x85: {  	_ =	shalt  }
0x86: {  	_ =	shalt  }
0x87: {  	_ =	shalt  }
.Lfunc_end0:
.L_simem_size_0:
called_computation.1_lowered:
.L_overlay_start_0:
0x88: {  	s2 =	sld [smem:$0x3FD9]  }
0x89: {  	s3 =	sld [smem:$0x3FFE];
	_ =	sdelay $0x1  }
0x8a: {  	s1 =	srdreg.scid  }
0x8b: {  	s0 =	sand.u32 $0x1, s1  }
0x8c: {  	s14 =	sshll.u32 s0, $0xA;
	s2 =	sadd.s32 s3, s2  }
0x8d: {  	s2 =	sadd.s32 s2, s14  }
0x8e: {  	[smem:$0x3FBE] =	sst s2  }
0x8f: {  	_ = 	snop  }
0x90: {  	s2 =	sld [smem:$0x3FD0];
	_ =	sdelay $0x2  }
0x91: {  	s15 =	simm.s32 $0xA;
	s4 =	simm.s32 $0x10  }
0x92: {  	[smem:s4], [sflag:s15] =	dma.local [hbm:s2], $0x1  }
0x93: {  	_ =	swait.eq [sflag:s15], $0x1  }
0x94: {  	[sflag:s15] =	ssyncset.done $0x0  }
0x95: {  	s16 =	sld [smem:$0x10];
	[sflag:s15] =	ssyncadd.s32 $0xFFFFFFFF  }
0x96: {  	s17 =	sld [smem:$0x11];
	(tm) =	ssettm $0x1  }
0x97: {  	s18 =	sld [smem:$0x3FFB];
	_ =	sdelay $0x3  }
0x98: {  	_ =	strace s18  }
0x99: {  	s4 =	sld [smem:$0x3FFC];
	_ =	sdelay $0x3  }
0x9a: {  	_ =	strace s4  }
0x9b: {  	s4 =	sld [smem:$0x3FFD];
	_ =	sdelay $0x3  }
0x9c: {  	_ =	strace s4  }
0x9d: {  	_ =	strace $0x8FFFFFFF  }
0x9e: {  	s19 =	sld [smem:$0x3FDB];
	_ =	sdelay $0x1  }
0x9f: {  	s5 =	simm.s32 $_scs_section_size  }
0xa0: {  	s6 =	simm.s32 $_size__tile_overlayer_lowered;
	s7 =	simm.s32 $_tile_overlayer_lowered  }
0xa1: {  	s22 =	simm.s32 $0x1BFF;
	s21 =	sshll.u32 s7, $0x1;
	s4 =	sadd.s32 s5, s19  }
0xa2: {  	s8 =	simm.s32 $0x0;
	s20 =	sshll.u32 s6, $0x1;
	s6 =	sadd.s32 s21, s4  }
0xa3: {  	[timem:s8], [sflag:s22] =	dma.local [hbm:s6], s20  }
0xa4: {  	_ =	swait.ge [sflag:s22], s20  }
0xa5: {  	s5 =	ssub.s32 $0x0, s20;
	[sflag:s22] =	ssyncset.done $0x0  }
0xa6: {  	[sflag:s22] =	ssyncadd.s32 s5;
	_ =	sdelay $0x1  }
0xa7: {  	s23 =	simm.s32 $0x1B8B  }
0xa8: {  	_ =	swait.ge [sflag:s23], $0x1  }
0xa9: {  	[sflag:s23] =	ssyncset.done $0x0  }
0xaa: {  	s25 =	simm.s32 $0x1B8E;
	s24 =	sld [smem:$0x3FFE];
	[sflag:s23] =	ssyncadd.s32 $0xFFFFFFFF  }
0xab: {  	s26 =	simm.s32 $execute0_lowered;
	[smem:$0x3FD2] =	sst s25  }
0xac: {  	s6 =	sshll.u32 s26, $0x1;
	_ =	strace $0x80000049;
	[dreg:$0x1] =	wrdreg $0xFFFFFFFF  }
0xad: {  	s28 =	simm.s32 $_size_execute0_lowered;
	s4 =	sadd.s32 s4, s6;
	[dreg:$0x0] =	wrdreg $0x0  }
0xae: {  	s6 =	sshll.u32 s28, $0x1;
	[dreg:$0x2] =	wrdreg s4  }
0xaf: {  	[dreg:$0x3] =	wrdreg s6  }
0xb0: {  	[dreg:$0x4] =	wrdreg $0xC0  }
0xb1: {  	_ =	task [dreg:s8], $0x5FFFF  }
0xb2: {  	[dreg:$0x1] =	wrdreg $0xFFFFFFFF  }
0xb3: {  	[dreg:$0x0] =	wrdreg $0x60  }
0xb4: {  	[dreg:$0x2] =	wrdreg s16  }
0xb5: {  	[dreg:$0x3] =	wrdreg s24  }
0xb6: {  	[dreg:$0x4] =	wrdreg s17  }
0xb7: {  	[dreg:$0x5] =	wrdreg $0x123800  }
0xb8: {  	[dreg:$0x6] =	wrdreg $0x187800  }
0xb9: {  	[dreg:$0x7] =	wrdreg $0x9  }
0xba: {  	_ =	task.clear_ibuf [dreg:s8], $0x8FFFF;
	_ =	strace $0x90000049  }
0xbb: {  	s29 =	simm.s32 $0x9;
	_ =	strace $0x8000004B  }
0xbc: {  	_ =	swait.ge [sflag:s29], $0x1  }
0xbd: {  	[sflag:s29] =	ssyncadd.s32 $0xFFFFFFFF  }
0xbe: {  	_ =	strace $0x9000004B  }
0xbf: {  	_ =	sfence  }
0xc0: {  	s30 =	sld [smem:$0x0];
	_ =	sdelay $0x2  }
0xc1: {  	s31 =	sshll.u32 s1, $0xD;
	s1 =	sshrl.u32 s1, $0x2  }
0xc2: {  	s3 =	sand.u32 $0x4000, s31;
	s1 =	sadd.s32 s1, s30  }
0xc3: {  	s0 =	sor.u32 s3, s0;
	s1 =	sshll.u32 s1, $0x11  }
0xc4: {  	s0 =	sor.u32 s1, s0  }
0xc5: {  	s0 =	sadd.s32 $0x8F2B, s0  }
0xc6: {  	[sflag:s0] =	ssyncadd.remote.s32 $0x1  }
0xc7: {  	_ =	sfence.sel $0xFFFF  }
0xc8: {  	[dreg:$0x0] =	wrdreg $0xFFFFFFFF;
	(pc) =	sbr.abs _section_cstart, $3  }
0xc9: {  	[dreg:$0x1] =	wrdreg $0xFFFFFFFF  }
0xca: {  	_ =	task.clear_ibuf [dreg:s8], $0x2FFFF;
	_ =	strace $0x9FFFFFFF  }
0xcb: {  	(tm) =	ssettm $0x7FFFFFFF  }
tec
execute0_lowered:
.L_overlay_start_1:
0x0: {  	(tag) =	ssettag $0x1  }
0x1: {  	s0 =	rddreg [dreg:$0x0]  }
0x2: {  	s5 =	rddreg [dreg:$0x1]  }
0x3: {  	s1 =	rddreg [dreg:$0x2]  }
0x4: {  	s2 =	rddreg [dreg:$0x3];
	s12 =	stileid.u32  }
0x5: {  	s3 =	rddreg [dreg:$0x4];
	s6 =	smul.u32 $0x6400, s12  }
0x6: {  	s4 =	simm.s32 $0x0;
	s9 =	srdreg.scid;
	s8 =	smul.u32 $0x280, s12  }
0x7: {  	[smem:$0x7FF] =	sst s4;
	s9 =	sand.u32 $0x1, s9;
	s25 =	smul.u32 $0x2800, s12  }
0x8: {  	s28 =	simm.s32 $0x80;
	_ =	strace $0x8000004A;
	s21 =	smul.u32 $0x28000, s9  }
0x9: {  	s10 =	ssub.s32 $0x2, s9;
	s11 =	sshll.u32 s9, $0x4;
	s9 =	smul.u32 $0x64000, s9  }
0xa: {  	s7 =	sshrl.u32 s6, $0x3;
	s8 =	sshrl.u32 s8, $0x3;
	s16 =	sshrl.u32 s10, $0x1  }
0xb: {  	s11 =	sor.u32 s12, s11;
	s22 =	sadd.s32 s6, s2;
	s23 =	sadd.s32 s6, s3  }
0xc: {  	s7 =	sadd.s32 s7, s5;
	s5 =	sadd.s32 s8, s5;
	[dreg:$0x13] =	wrdreg s23  }
0xd: {  	s8 =	ssub.s32 s10, s16;
	[dreg:$0xf] =	wrdreg s22;
	s18 =	sadd.s32 $0xF600, s7  }
0xe: {  	s17 =	smul.u32 $0x2800, s11;
	s7 =	sadd.s32 $0x2E00, s7;
	[dreg:$0xe] =	wrdreg s18  }
0xf: {  	s6 =	sadd.s32 s6, s9;
	s19 =	sadd.s32 $0x2400, s5;
	[dreg:$0x10] =	wrdreg s7  }
0x10: {  	s11 =	simm.s32 $0x8;
	s5 =	sadd.s32 $0x2900, s5;
	[dreg:$0x11] =	wrdreg s19  }
0x11: {  	s6 =	sshrl.u32 s6, $0x3;
	[dreg:$0x12] =	wrdreg s5;
	s20 =	sshrl.u32 s17, $0x3  }
0x12: {  	s5 =	sadd.s32 s25, s21;
	s1 =	sadd.s32 s1, s6;
	s6 =	simm.s32 $0x0  }
0x13: {  	s24 =	sadd.s32 s0, s20;
	s13 =	sor.u32 $0x380, s5;
	s14 =	sadd.s32 $0x50380, s5  }
0x14: {  	s15 =	sor.u32 $0x300, s5;
	s19 =	sadd.s32 $0x50300, s5;
	s21 =	sor.u32 $0x280, s5  }
0x15: {  	s25 =	sadd.s32 $0x50280, s5;
	[dreg:$0x1c] =	wrdreg s1;
	s1 =	simm.s32 $0x5  }
0x16: {  	s26 =	sadd.s32 $0xA000, s24;
	s29 =	sadd.s32 $0x10, s24;
	[dreg:$0x14] =	wrdreg s24  }
0x17: {  	s30 =	sadd.s32 $0xA010, s24;
	s31 =	sadd.s32 $0x20, s24;
	[dreg:$0x15] =	wrdreg s26  }
0x18: {  	s10 =	sadd.s32 $0xA020, s24;
	s12 =	sadd.s32 $0x30, s24;
	[dreg:$0x16] =	wrdreg s29  }
0x19: {  	s7 =	sshrl.u32 s13, $0x3;
	s9 =	sshrl.u32 s14, $0x3;
	[dreg:$0x17] =	wrdreg s30  }
0x1a: {  	s17 =	sshrl.u32 s15, $0x3;
	s20 =	sshrl.u32 s19, $0x3;
	[dreg:$0x18] =	wrdreg s31  }
0x1b: {  	s23 =	sadd.s32 $0xA030, s24;
	s13 =	simm.s32 $0x1;
	[dreg:$0x19] =	wrdreg s10  }
0x1c: {  	s15 =	simm.s32 $0xB;
	s19 =	simm.s32 $0x4;
	[dreg:$0x1a] =	wrdreg s12  }
0x1d: {  	s7 =	sadd.s32 s7, s0;
	s16 =	sadd.s32 s9, s0;
	s18 =	sadd.s32 s17, s0  }
0x1e: {  	[dreg:$0x1b] =	wrdreg s23;
	s9 =	sshrl.u32 s21, $0x3;
	s26 =	sshrl.u32 s25, $0x3  }
0x1f: {  	s29 =	sor.u32 $0x200, s5;
	s5 =	sadd.s32 $0x50200, s5;
	s31 =	smax.u32 s8, $0x1  }
0x20: {  	s10 =	simm.s32 $0x11;
	s8 =	simm.s32 $0x6;
	[dreg:$0x6] =	wrdreg s7  }
0x21: {  	s25 =	simm.s32 $0x5;
	s12 =	simm.s32 $0x6;
	[dreg:$0x7] =	wrdreg s16  }
0x22: {  	s17 =	simm.s32 $0xD;
	[dreg:$0x8] =	wrdreg s18;
	s7 =	sadd.s32 s20, s0  }
0x23: {  	s24 =	sadd.s32 s9, s0;
	s9 =	sshrl.u32 s29, $0x3;
	[dreg:$0x1d] =	wrdreg s31  }
0x24: {  	s5 =	sshrl.u32 s5, $0x3;
	s18 =	simm.s32 $0x2;
	[dreg:$0x9] =	wrdreg s7  }
0x25: {  	s16 =	simm.s32 $0x7;
	[dreg:$0xa] =	wrdreg s24;
	s7 =	sadd.s32 s26, s0  }
0x26: {  	s20 =	simm.s32 $0xC;
	s30 =	sadd.s32 s9, s0;
	[dreg:$0xb] =	wrdreg s7  }
0x27: {  	s0 =	sadd.s32 s5, s0;
	s9 =	simm.s32 $0x5400;
	[dreg:$0xc] =	wrdreg s30  }
0x28: {  	[dreg:$0xd] =	wrdreg s0;
	s0 =	simm.s32 $0x9;
	s7 =	simm.s32 $0xA  }
.LBB2_1:
0x29: {  	s5 =	rddreg [dreg:$0xe]  }
0x2a: {  	[tilespmem:s9], [sflag:$0x11] =	stream.linear.gather [hbm4b:s5+s4], $0x6400, $0x38;
	[tilespmem:$0x1EB80] =	vst v63  }
0x2b: {  	_ =	swait.ge [sflag:s10], $0x6400  }
0x2c: {  	[sflag:s10] =	ssyncset.done $0x0  }
0x2d: {  	[sflag:s10] =	ssyncadd.s32 $0xFFFF9C00  }
0x2e: {  	[spmem:s22] =	stream.linear.scatter [tilespmem:s9], [sflag:$0x11], $0x6400, $0x38;
	[tilespmem:$0x1EB80] =	vst v63  }
0x2f: {  	_ =	swait.ge [sflag:s10], $0x6400  }
0x30: {  	[sflag:s10] =	ssyncset.done $0x0  }
0x31: {  	s22 =	rddreg [dreg:$0x10];
	[sflag:s10] =	ssyncadd.s32 $0xFFFF9C00  }
0x32: {  	[tilespmem:s9], [sflag:$0x11] =	stream.linear.gather [hbm4b:s22+s4], $0x6400, $0x38;
	[tilespmem:$0x1EB80] =	vst v63  }
0x33: {  	_ =	swait.ge [sflag:s10], $0x6400  }
0x34: {  	[sflag:s10] =	ssyncset.done $0x0  }
0x35: {  	s24 =	simm.s32 $0x11C00;
	s23 =	rddreg [dreg:$0x11];
	[sflag:s10] =	ssyncadd.s32 $0xFFFF9C00  }
0x36: {  	[tilespmem:s24], [sflag:$0x11] =	stream.linear.gather [hbm4b:s23+s4], $0x280, $0x38;
	[tilespmem:$0x1EB80] =	vst v63  }
0x37: {  	_ =	swait.ge [sflag:s10], $0x280  }
0x38: {  	[sflag:s10] =	ssyncset.done $0x0  }
0x39: {  	s30 =	simm.s32 $0x11E80;
	s26 =	rddreg [dreg:$0x12];
	[sflag:s10] =	ssyncadd.s32 $0xFFFFFD80  }
0x3a: {  	[tilespmem:s30], [sflag:$0x11] =	stream.linear.gather [hbm4b:s26+s4], $0x280, $0x38;
	[tilespmem:$0x1EB80] =	vst v63  }
0x3b: {  	_ =	swait.ge [sflag:s10], $0x280  }
0x3c: {  	[sflag:s10] =	ssyncset.done $0x0  }
0x3d: {  	s26 =	simm.s32 $0x0;
	[sflag:s10] =	ssyncadd.s32 $0xFFFFFD80  }
0x3e: {  	v0 =	vld [tilespmem:s26+$0x11C00];
	_ =	sdelay $0x1  }
0x3f: {  	v1 =	vld [tilespmem:s26+$0x11E80];
	_ =	sdelay $0x2  }
0x40: {  	s22 =	simm.s32 $0x10;
	v0 =	vadd.f32 $1.000000000e+00, v0  }
0x41: {  	v2 =	vld [tilespmem:s22+$0x11C00]  }
0x42: {  	v0 =	vadd.f32 v1, v0  }
0x43: {  	v1 =	vld [tilespmem:s22+$0x11E80]  }
0x44: {  	v3 =	vshra.s32 v0, $0x1;
	v6 =	vmul.f32 $5.000000000e-01, v0  }
0x45: {  	s29 =	simm.s32 $0x20;
	v3 =	vsub.s32 $0x5F3759DF, v3  }
0x46: {  	v0 =	vadd.f32 $1.000000000e+00, v2;
	v2 =	vld [tilespmem:s29+$0x11C00];
	v4 =	vmul.f32 v3, v6;
	_ =	sdelay $0x1  }
0x47: {  	v0 =	vadd.f32 v1, v0;
	v1 =	vld [tilespmem:s29+$0x11E80];
	v4 =	vmul.f32 v3, v4;
	_ =	sdelay $0x1  }
0x48: {  	v5 =	vshra.s32 v0, $0x1;
	v0 =	vmul.f32 $5.000000000e-01, v0;
	v4 =	vsub.f32 $1.500000000e+00, v4  }
0x49: {  	s31 =	simm.s32 $0x30;
	v2 =	vadd.f32 $1.000000000e+00, v2;
	v5 =	vsub.s32 $0x5F3759DF, v5  }
0x4a: {  	v7 =	vld [tilespmem:s31+$0x11C00];
	v8 =	vmul.f32 v5, v0;
	v3 =	vmul.f32 v3, v4  }
0x4b: {  	v1 =	vadd.f32 v1, v2  }
0x4c: {  	s23 =	simm.s32 $0x40;
	v2 =	vld [tilespmem:s31+$0x11E80];
	v4 =	vmul.f32 v5, v8;
	v8 =	vmul.f32 v3, v6  }
0x4d: {  	v9 =	vld [tilespmem:s23+$0x11C00];
	v10 =	vshra.s32 v1, $0x1;
	v1 =	vmul.f32 $5.000000000e-01, v1  }
0x4e: {  	v4 =	vsub.f32 $1.500000000e+00, v4;
	v11 =	vsub.s32 $0x5F3759DF, v10;
	v8 =	vmul.f32 v8, v3  }
0x4f: {  	v7 =	vadd.f32 $1.000000000e+00, v7;
	v10 =	vmul.f32 v11, v1  }
0x50: {  	v4 =	vmul.f32 v5, v4;
	v5 =	vsub.f32 $1.500000000e+00, v8  }
0x51: {  	v12 =	vld [tilespmem:s23+$0x11E80];
	v7 =	vadd.f32 v2, v7;
	v8 =	vmul.f32 v11, v10  }
0x52: {  	s24 =	simm.s32 $0x50;
	v9 =	vadd.f32 $1.000000000e+00, v9;
	v10 =	vmul.f32 v4, v0;
	v2 =	vmul.f32 v5, v3  }
0x53: {  	v5 =	vshra.s32 v7, $0x1;
	v3 =	vmul.f32 $5.000000000e-01, v7;
	v7 =	vsub.f32 $1.500000000e+00, v8;
	v8 =	vld [tilespmem:s24+$0x11C00]  }
0x54: {  	v13 =	vmul.f32 v10, v4;
	v5 =	vsub.s32 $0x5F3759DF, v5;
	v14 =	vmul.f32 v2, v6  }
0x55: {  	v10 =	vmul.f32 v5, v3;
	v6 =	vmul.f32 v11, v7  }
0x56: {  	s5 =	simm.s32 $0x180;
	v11 =	vadd.f32 v12, v9;
	v9 =	vsub.f32 $1.500000000e+00, v13;
	v7 =	vmul.f32 v14, v2  }
.LBB2_2:
0x57: {  	s9 =	sshra.s32 s5, $0x2  }
0x58: {  	v12 =	vadd.f32 $1.000000000e+00, v8;
	v13 =	vld [tilespmem:s24+$0x11E80];
	v10 =	vmul.f32 v5, v10;
	v14 =	vmul.f32 v6, v1;
	s10 =	smov.u32 s22;
	s22 =	smov.u32 s29;
	p0 =	sne.s32 s5, $0x9C0  }
.Ltmp0:
0x59: {  	s29 =	smov.u32 s31;
	s31 =	smov.u32 s23;
	v8 =	vld [tilespmem:s9+$0x11C00];
	v15 =	vshra.s32 v11, $0x1;
	v9 =	vmul.f32 v9, v4;
	v7 =	vsub.f32 $1.500000000e+00, v7;
	v4 =	vmovc v6;
	(pc) =	sbr.rel @p0 .LBB2_2-.Ltmp0, $4  }
0x5a: {  	s23 =	smov.u32 s24;
	v11 =	vmul.f32 $5.000000000e-01, v11;
	s24 =	smov.u32 s9;
	v6 =	vsub.f32 $1.500000000e+00, v10;
	v14 =	vmul.f32 v14, v4  }
0x5b: {  	v15 =	vsub.s32 $0x5F3759DF, v15;
	v16 =	vmul.f32 v9, v0;
	v17 =	vmul.f32 v7, v2;
	v2 =	vmovc v9;
	v0 =	vmovc v1  }
0x5c: {  	v10 =	vmul.f32 v15, v11;
	v1 =	vmovc v3;
	v3 =	vmovc v11;
	v6 =	vmul.f32 v5, v6;
	v5 =	vmov v15  }
0x5d: {  	s5 =	sadd.s32 $0x40, s5;
	v9 =	vsub.f32 $1.500000000e+00, v14;
	v11 =	vadd.f32 v13, v12;
	v7 =	vmul.f32 v16, v2;
	[tilespmem:s26+$0x12100] =	vst v17;
	s26 =	smov.u32 s10  }
0x5e: {  	v12 =	vld [tilespmem:s24+$0x11E80];
	_ =	sdelay $0x2  }
0x5f: {  	v8 =	vadd.f32 $1.000000000e+00, v8;
	_ =	sdelay $0x1  }
0x60: {  	v8 =	vadd.f32 v12, v8  }
0x61: {  	v45 =	vshra.s32 v11, $0x1;
	v46 =	vmul.f32 $5.000000000e-01, v11  }
0x62: {  	v12 =	vsub.s32 $0x5F3759DF, v45;
	v13 =	vshra.s32 v8, $0x1;
	v8 =	vmul.f32 $5.000000000e-01, v8  }
0x63: {  	v14 =	vmul.f32 v12, v46;
	v13 =	vsub.s32 $0x5F3759DF, v13  }
0x64: {  	v10 =	vmul.f32 v5, v10;
	v15 =	vmul.f32 v13, v8  }
0x65: {  	v14 =	vmul.f32 v12, v14  }
0x66: {  	v10 =	vsub.f32 $1.500000000e+00, v10;
	v15 =	vmul.f32 v13, v15  }
0x67: {  	v14 =	vsub.f32 $1.500000000e+00, v14  }
0x68: {  	v48 =	vmul.f32 v6, v1;
	v47 =	vmul.f32 v5, v10;
	v15 =	vsub.f32 $1.500000000e+00, v15  }
0x69: {  	v4 =	vmul.f32 v9, v4;
	v49 =	vmul.f32 v12, v14  }
0x6a: {  	v50 =	vmul.f32 v47, v3;
	v13 =	vmul.f32 v13, v15  }
0x6b: {  	v10 =	vmul.f32 v48, v6;
	v14 =	vmul.f32 v49, v46  }
0x6c: {  	v12 =	vmul.f32 v50, v47;
	v15 =	vmul.f32 v13, v8  }
0x6d: {  	v10 =	vsub.f32 $1.500000000e+00, v10;
	v14 =	vmul.f32 v14, v49  }
0x6e: {  	v0 =	vmul.f32 v4, v0;
	v12 =	vsub.f32 $1.500000000e+00, v12;
	v15 =	vmul.f32 v15, v13  }
0x6f: {  	v51 =	vmul.f32 v10, v6;
	v52 =	vsub.f32 $1.500000000e+00, v14  }
0x70: {  	v0 =	vmul.f32 v0, v4;
	v5 =	vmul.f32 v12, v47;
	v53 =	vsub.f32 $1.500000000e+00, v15  }
0x71: {  	v54 =	vmul.f32 v51, v1;
	v9 =	vmul.f32 v52, v49  }
0x72: {  	v55 =	vmul.f32 v5, v3;
	v56 =	vmul.f32 v53, v13  }
0x73: {  	v7 =	vsub.f32 $1.500000000e+00, v7;
	v1 =	vmul.f32 v54, v51;
	v11 =	vmul.f32 v9, v46  }
0x74: {  	v0 =	vsub.f32 $1.500000000e+00, v0;
	v3 =	vmul.f32 v55, v5;
	v8 =	vmul.f32 v56, v8  }
0x75: {  	v2 =	vmul.f32 v7, v2;
	v1 =	vsub.f32 $1.500000000e+00, v1;
	v57 =	vmul.f32 v11, v9  }
0x76: {  	v0 =	vmul.f32 v0, v4;
	v3 =	vsub.f32 $1.500000000e+00, v3;
	v58 =	vmul.f32 v8, v56  }
0x77: {  	[tilespmem:s26+$0x12100] =	vst v2;
	v1 =	vmul.f32 v1, v51;
	v59 =	vsub.f32 $1.500000000e+00, v57  }
0x78: {  	[tilespmem:s22+$0x12100] =	vst v0;
	v60 =	vmul.f32 v3, v5;
	v61 =	vsub.f32 $1.500000000e+00, v58  }
0x79: {  	[tilespmem:s29+$0x12100] =	vst v1;
	v62 =	vmul.f32 v59, v9  }
0x7a: {  	[tilespmem:s31+$0x12100] =	vst v60;
	v63 =	vmul.f32 v61, v56  }
0x7b: {  	[tilespmem:s23+$0x12100] =	vst v62  }
0x7c: {  	[dreg:$0x1e] =	wrdreg s6;
	s5 =	simm.s32 $0x9C0;
	s6 =	simm.s32 $0x12100;
	[tilespmem:s24+$0x12100] =	vst v63  }
.LBB2_4:
0x7d: {  	v0 =	vld [tilespmem:s6+$0x0]  }
0x7e: {  	s22 =	sshra.s32 s5, $0x2  }
0x7f: {  	v1 =	vld [tilespmem:s22+$0x5190]  }
0x80: {  	v2 =	vld [tilespmem:s22+$0x51A0]  }
0x81: {  	v5 =	vld [tilespmem:s22+$0x51B8]  }
0x82: {  	v6 =	vld [tilespmem:s22+$0x51C8];
	v4 =	vbroadcast v0, $0x0  }
0x83: {  	v9 =	vld [tilespmem:s22+$0x51E0]  }
0x84: {  	v19 =	vld [tilespmem:s22+$0x51F0];
	v8 =	vbroadcast v0, $0x1;
	v1 =	vmul.f32 v4, v1  }
0x85: {  	v24 =	vld [tilespmem:s22+$0x5208];
	v2 =	vmul.f32 v2, v4  }
0x86: {  	v26 =	vld [tilespmem:s22+$0x5218];
	v23 =	vbroadcast v0, $0x2;
	v20 =	vmul.f32 v5, v8;
	[tilespmem:s22+$0xB590] =	vst v1  }
0x87: {  	v31 =	vld [tilespmem:s22+$0x5230];
	v22 =	vmul.f32 v6, v8;
	[tilespmem:s22+$0xB5A0] =	vst v2  }
0x88: {  	v33 =	vld [tilespmem:s22+$0x5240];
	v30 =	vbroadcast v0, $0x3;
	v27 =	vmul.f32 v9, v23;
	[tilespmem:s22+$0xB5B8] =	vst v20  }
0x89: {  	v38 =	vld [tilespmem:s22+$0x5258];
	v29 =	vmul.f32 v19, v23;
	[tilespmem:s22+$0xB5C8] =	vst v22  }
0x8a: {  	v40 =	vld [tilespmem:s22+$0x5268];
	v37 =	vbroadcast v0, $0x4;
	v34 =	vmul.f32 v24, v30;
	[tilespmem:s22+$0xB5E0] =	vst v27  }
0x8b: {  	v45 =	vld [tilespmem:s22+$0x5280];
	v36 =	vmul.f32 v26, v30;
	[tilespmem:s22+$0xB5F0] =	vst v29  }
0x8c: {  	v47 =	vld [tilespmem:s22+$0x5290];
	v44 =	vbroadcast v0, $0x5;
	v41 =	vmul.f32 v31, v37;
	[tilespmem:s22+$0xB608] =	vst v34  }
0x8d: {  	v52 =	vld [tilespmem:s22+$0x52A8];
	v43 =	vmul.f32 v33, v37;
	[tilespmem:s22+$0xB618] =	vst v36  }
0x8e: {  	v54 =	vld [tilespmem:s22+$0x52B8];
	v51 =	vbroadcast v0, $0x6;
	v48 =	vmul.f32 v38, v44;
	[tilespmem:s22+$0xB630] =	vst v41  }
0x8f: {  	v59 =	vld [tilespmem:s22+$0x52D0];
	v50 =	vmul.f32 v40, v44;
	[tilespmem:s22+$0xB640] =	vst v43  }
0x90: {  	v3 =	vld [tilespmem:s22+$0x51A8];
	v58 =	vbroadcast v0, $0x7;
	v55 =	vmul.f32 v45, v51;
	[tilespmem:s22+$0xB658] =	vst v48  }
0x91: {  	v7 =	vld [tilespmem:s22+$0x51D0];
	v57 =	vmul.f32 v47, v51;
	[tilespmem:s22+$0xB668] =	vst v50  }
0x92: {  	v21 =	vld [tilespmem:s22+$0x51F8];
	v12 =	vbroadcast v0, $0x8;
	v62 =	vmul.f32 v52, v58;
	[tilespmem:s22+$0xB680] =	vst v55  }
0x93: {  	v28 =	vld [tilespmem:s22+$0x5220];
	v11 =	vmul.f32 v54, v58;
	[tilespmem:s22+$0xB690] =	vst v57  }
0x94: {  	v35 =	vld [tilespmem:s22+$0x5248];
	v16 =	vmul.f32 v59, v12;
	[tilespmem:s22+$0xB6A8] =	vst v62  }
0x95: {  	v42 =	vld [tilespmem:s22+$0x5270];
	v18 =	vmul.f32 v3, v4;
	[tilespmem:s22+$0xB6B8] =	vst v11  }
0x96: {  	v49 =	vld [tilespmem:s22+$0x5298];
	v25 =	vmul.f32 v7, v8;
	[tilespmem:s22+$0xB6D0] =	vst v16  }
0x97: {  	v56 =	vld [tilespmem:s22+$0x52C0];
	v32 =	vmul.f32 v21, v23;
	[tilespmem:s22+$0xB5A8] =	vst v18  }
0x98: {  	v13 =	vld [tilespmem:s22+$0x52F8];
	v39 =	vmul.f32 v28, v30;
	[tilespmem:s22+$0xB5D0] =	vst v25  }
0x99: {  	v61 =	vld [tilespmem:s22+$0x52E0];
	v46 =	vmul.f32 v35, v37;
	[tilespmem:s22+$0xB5F8] =	vst v32  }
0x9a: {  	v15 =	vld [tilespmem:s22+$0x5308];
	v53 =	vmul.f32 v42, v44;
	[tilespmem:s22+$0xB620] =	vst v39  }
0x9b: {  	v63 =	vld [tilespmem:s22+$0x52E8];
	v60 =	vmul.f32 v49, v51;
	v19 =	vbroadcast v0, $0x9;
	[tilespmem:s22+$0xB648] =	vst v46  }
0x9c: {  	v17 =	vld [tilespmem:s22+$0x5310];
	v14 =	vmul.f32 v56, v58;
	[tilespmem:s22+$0xB670] =	vst v53  }
0x9d: {  	v20 =	vld [tilespmem:s22+$0x5320];
	v23 =	vmul.f32 v13, v19;
	[tilespmem:s22+$0xB698] =	vst v60  }
0x9e: {  	v22 =	vld [tilespmem:s22+$0x5330];
	[tilespmem:s22+$0xB6C0] =	vst v14;
	v18 =	vmul.f32 v61, v12  }
0x9f: {  	v27 =	vld [tilespmem:s22+$0x5348];
	v25 =	vmul.f32 v15, v19;
	[tilespmem:s22+$0xB6F8] =	vst v23  }
0xa0: {  	v21 =	vmul.f32 v63, v12;
	v26 =	vbroadcast v0, $0xA;
	v29 =	vld [tilespmem:s22+$0x5358];
	[tilespmem:s22+$0xB6E0] =	vst v18  }
0xa1: {  	v28 =	vmul.f32 v17, v19;
	v34 =	vld [tilespmem:s22+$0x5370];
	[tilespmem:s22+$0xB708] =	vst v25  }
0xa2: {  	v33 =	vbroadcast v0, $0xB;
	v36 =	vld [tilespmem:s22+$0x5380];
	[tilespmem:s22+$0xB6E8] =	vst v21;
	v30 =	vmul.f32 v20, v26  }
0xa3: {  	v41 =	vld [tilespmem:s22+$0x5398];
	[tilespmem:s22+$0xB710] =	vst v28;
	v32 =	vmul.f32 v22, v26  }
0xa4: {  	v40 =	vbroadcast v0, $0xC;
	v43 =	vld [tilespmem:s22+$0x53A8];
	v37 =	vmul.f32 v27, v33;
	[tilespmem:s22+$0xB720] =	vst v30  }
0xa5: {  	v48 =	vld [tilespmem:s22+$0x53C0];
	v39 =	vmul.f32 v29, v33;
	[tilespmem:s22+$0xB730] =	vst v32  }
0xa6: {  	v47 =	vbroadcast v0, $0xD;
	v50 =	vld [tilespmem:s22+$0x53D0];
	v44 =	vmul.f32 v34, v40;
	[tilespmem:s22+$0xB748] =	vst v37  }
0xa7: {  	v55 =	vld [tilespmem:s22+$0x53E8];
	v46 =	vmul.f32 v36, v40;
	[tilespmem:s22+$0xB758] =	vst v39  }
0xa8: {  	v54 =	vbroadcast v0, $0xE;
	v57 =	vld [tilespmem:s22+$0x53F8];
	v51 =	vmul.f32 v41, v47;
	[tilespmem:s22+$0xB770] =	vst v44  }
0xa9: {  	v24 =	vld [tilespmem:s22+$0x5338];
	v53 =	vmul.f32 v43, v47;
	[tilespmem:s22+$0xB780] =	vst v46  }
0xaa: {  	v31 =	vld [tilespmem:s22+$0x5360];
	v0 =	vbroadcast v0, $0xF;
	v58 =	vmul.f32 v48, v54;
	[tilespmem:s22+$0xB798] =	vst v51  }
0xab: {  	v38 =	vld [tilespmem:s22+$0x5388];
	v60 =	vmul.f32 v50, v54;
	[tilespmem:s22+$0xB7A8] =	vst v53  }
0xac: {  	v45 =	vld [tilespmem:s22+$0x53B0];
	v62 =	vmul.f32 v55, v0;
	[tilespmem:s22+$0xB7C0] =	vst v58  }
0xad: {  	v52 =	vld [tilespmem:s22+$0x53D8];
	v63 =	vmul.f32 v57, v0;
	[tilespmem:s22+$0xB7D0] =	vst v60  }
0xae: {  	v59 =	vld [tilespmem:s22+$0x5400];
	v35 =	vmul.f32 v24, v26;
	[tilespmem:s22+$0xB7E8] =	vst v62  }
0xaf: {  	v42 =	vmul.f32 v31, v33;
	[tilespmem:s22+$0xB7F8] =	vst v63  }
0xb0: {  	p0 =	sne.s32 s5, $0x18FC0;
	v49 =	vmul.f32 v38, v40;
	[tilespmem:s22+$0xB738] =	vst v35  }
.Ltmp1:
0xb1: {  	v56 =	vmul.f32 v45, v47;
	[tilespmem:s22+$0xB760] =	vst v42;
	(pc) =	sbr.rel @p0 .LBB2_4-.Ltmp1, $4  }
0xb2: {  	v61 =	vmul.f32 v52, v54;
	[tilespmem:s22+$0xB788] =	vst v49  }
0xb3: {  	v0 =	vmul.f32 v59, v0;
	[tilespmem:s22+$0xB7B0] =	vst v56  }
0xb4: {  	[tilespmem:s22+$0xB7D8] =	vst v61  }
0xb5: {  	s6 =	sadd.s32 $0x10, s6;
	s5 =	sadd.s32 $0xA00, s5;
	[tilespmem:s22+$0xB800] =	vst v0  }
0xb6: {  	s5 =	rddreg [dreg:$0x13];
	s9 =	simm.s32 $0xB800;
	s14 =	simm.s32 $0x11  }
0xb7: {  	[spmem:s5] =	stream.linear.scatter [tilespmem:s9], [sflag:$0x11], $0x6400, $0x38;
	[tilespmem:$0x1EB80] =	vst v63  }
0xb8: {  	_ =	swait.ge [sflag:s14], $0x6400  }
0xb9: {  	[sflag:s14] =	ssyncset.done $0x0  }
0xba: {  	[sflag:s14] =	ssyncadd.s32 $0xFFFF9C00  }
0xbb: {  	[bflag:$0x0] =	sbarrier.arrive $0xFFFF  }
0xbc: {  	s5 =	simm.s32 $0x0;
	s21 =	rddreg [dreg:$0x14]  }
0xbd: {  	[tilespmem:s5], [sflag:$0x1] =	stream.linear.gather [hbm4b:s21+s5], $0x80, $0x38;
	[tilespmem:$0x1EB80] =	vst v63  }
0xbe: {  	s22 =	rddreg [dreg:$0x15];
	s21 =	simm.s32 $0x200  }
0xbf: {  	[tilespmem:s21], [sflag:$0x5] =	stream.linear.gather [hbm4b:s22+s5], $0x80, $0x38;
	[tilespmem:$0x1EB80] =	vst v63  }
0xc0: {  	s23 =	rddreg [dreg:$0x16]  }
0xc1: {  	[tilespmem:s28], [sflag:$0x2] =	stream.linear.gather [hbm4b:s23+s5], $0x80, $0x38;
	[tilespmem:$0x1EB80] =	vst v63  }
0xc2: {  	s24 =	rddreg [dreg:$0x17];
	s22 =	simm.s32 $0x280  }
0xc3: {  	[tilespmem:s22], [sflag:$0x6] =	stream.linear.gather [hbm4b:s24+s5], $0x80, $0x38;
	[tilespmem:$0x1EB80] =	vst v63  }
0xc4: {  	_ =	swait.ge [sflag:s13], $0x80  }
0xc5: {  	[sflag:s13] =	ssyncset.done $0x0  }
0xc6: {  	s10 =	simm.s32 $0x400;
	[sflag:s13] =	ssyncadd.s32 $0xFFFFFF80  }
0xc7: {  	[tilespmem:s10], [sflag:$0x9] =	stream.indirect.gather [spmem:s3], $0x28, s5, s28, $0xb8;
	[tilespmem:$0x1EB80] =	vst v63  }
0xc8: {  	_ =	swait.ge [sflag:s0], $0x1400  }
0xc9: {  	[sflag:s0] =	ssyncset.done $0x0  }
0xca: {  	[sflag:s0] =	ssyncadd.s32 $0xFFFFEC00  }
0xcb: {  	_ =	swait.ge [sflag:s1], $0x80  }
0xcc: {  	[sflag:s1] =	ssyncset.done $0x0  }
0xcd: {  	[sflag:s1] =	ssyncadd.s32 $0xFFFFFF80  }
0xce: {  	[spmem:s2] =	stream.indirect.scatter.add.f32 [tilespmem:s10], [sflag:$0xD], $0x28, s21, s28, $0xb8;
	[tilespmem:$0x1EB80] =	vst v63  }
0xcf: {  	s30 =	simm.s32 $0x100;
	s26 =	rddreg [dreg:$0x18]  }
0xd0: {  	[tilespmem:s30], [sflag:$0x3] =	stream.linear.gather [hbm4b:s26+s5], $0x80, $0x38;
	[tilespmem:$0x1EB80] =	vst v63  }
0xd1: {  	s24 =	simm.s32 $0x300;
	s29 =	rddreg [dreg:$0x19]  }
0xd2: {  	[tilespmem:s24], [sflag:$0x7] =	stream.linear.gather [hbm4b:s29+s5], $0x80, $0x38;
	[tilespmem:$0x1EB80] =	vst v63  }
0xd3: {  	_ =	swait.ge [sflag:s18], $0x80  }
0xd4: {  	[sflag:s18] =	ssyncset.done $0x0  }
0xd5: {  	s14 =	simm.s32 $0x1800;
	[sflag:s18] =	ssyncadd.s32 $0xFFFFFF80  }
0xd6: {  	[tilespmem:s14], [sflag:$0xA] =	stream.indirect.gather [spmem:s3], $0x28, s28, s28, $0xb8;
	[tilespmem:$0x1EB80] =	vst v63  }
0xd7: {  	_ =	swait.ge [sflag:s7], $0x1400  }
0xd8: {  	[sflag:s7] =	ssyncset.done $0x0  }
0xd9: {  	[sflag:s7] =	ssyncadd.s32 $0xFFFFEC00  }
0xda: {  	_ =	swait.ge [sflag:s8], $0x80  }
0xdb: {  	[sflag:s8] =	ssyncset.done $0x0  }
0xdc: {  	[sflag:s8] =	ssyncadd.s32 $0xFFFFFF80  }
0xdd: {  	[spmem:s2] =	stream.indirect.scatter.add.f32 [tilespmem:s14], [sflag:$0xE], $0x28, s22, s28, $0xb8;
	[tilespmem:$0x1EB80] =	vst v63  }
0xde: {  	s13 =	simm.s32 $0x180;
	s31 =	rddreg [dreg:$0x1a]  }
0xdf: {  	[tilespmem:s13], [sflag:$0x4] =	stream.linear.gather [hbm4b:s31+s5], $0x80, $0x38;
	[tilespmem:$0x1EB80] =	vst v63  }
0xe0: {  	s26 =	simm.s32 $0x3;
	s29 =	simm.s32 $0x380;
	s6 =	rddreg [dreg:$0x1b]  }
0xe1: {  	[tilespmem:s29], [sflag:$0x8] =	stream.linear.gather [hbm4b:s6+s5], $0x80, $0x38;
	[tilespmem:$0x1EB80] =	vst v63  }
0xe2: {  	_ =	swait.ge [sflag:s26], $0x80  }
0xe3: {  	[sflag:s26] =	ssyncset.done $0x0  }
0xe4: {  	s18 =	simm.s32 $0x2C00;
	[sflag:s26] =	ssyncadd.s32 $0xFFFFFF80  }
0xe5: {  	[tilespmem:s18], [sflag:$0xB] =	stream.indirect.gather [spmem:s3], $0x28, s30, s28, $0xb8;
	[tilespmem:$0x1EB80] =	vst v63  }
0xe6: {  	_ =	swait.ge [sflag:s15], $0x1400  }
0xe7: {  	[sflag:s15] =	ssyncset.done $0x0  }
0xe8: {  	[sflag:s15] =	ssyncadd.s32 $0xFFFFEC00  }
0xe9: {  	_ =	swait.ge [sflag:s16], $0x80  }
0xea: {  	[sflag:s16] =	ssyncset.done $0x0  }
0xeb: {  	[sflag:s16] =	ssyncadd.s32 $0xFFFFFF80  }
0xec: {  	[spmem:s2] =	stream.indirect.scatter.add.f32 [tilespmem:s18], [sflag:$0xF], $0x28, s24, s28, $0xb8;
	[tilespmem:$0x1EB80] =	vst v63  }
0xed: {  	_ =	swait.ge [sflag:s17], $0x1400  }
0xee: {  	s23 =	rddreg [dreg:$0xc];
	[sflag:s17] =	ssyncset.done $0x0  }
0xef: {  	s31 =	rddreg [dreg:$0xd];
	[sflag:s17] =	ssyncadd.s32 $0xFFFFEC00;
	s5 =	sadd.s32 $0x0, s23  }
0xf0: {  	[tilespmem:s4], [sflag:$0x1] =	stream.linear.gather [hbm4b:s5+s4], $0x80, $0x38;
	[tilespmem:$0x1EB80] =	vst v63  }
0xf1: {  	s6 =	sadd.s32 $0x0, s31  }
0xf2: {  	[tilespmem:s21], [sflag:$0x5] =	stream.linear.gather [hbm4b:s6+s4], $0x80, $0x38;
	[tilespmem:$0x1EB80] =	vst v63  }
0xf3: {  	_ =	swait.ge [sflag:s19], $0x80  }
0xf4: {  	[sflag:s19] =	ssyncset.done $0x0  }
0xf5: {  	s23 =	simm.s32 $0x4000;
	[sflag:s19] =	ssyncadd.s32 $0xFFFFFF80  }
0xf6: {  	[tilespmem:s23], [sflag:$0xC] =	stream.indirect.gather [spmem:s3], $0x28, s13, s28, $0xb8;
	[tilespmem:$0x1EB80] =	vst v63  }
0xf7: {  	_ =	swait.ge [sflag:s20], $0x1400  }
0xf8: {  	[sflag:s20] =	ssyncset.done $0x0  }
0xf9: {  	[sflag:s20] =	ssyncadd.s32 $0xFFFFEC00  }
0xfa: {  	_ =	swait.ge [sflag:s11], $0x80  }
0xfb: {  	[sflag:s11] =	ssyncset.done $0x0  }
0xfc: {  	s6 =	simm.s32 $0xE;
	[sflag:s11] =	ssyncadd.s32 $0xFFFFFF80  }
0xfd: {  	[spmem:s2] =	stream.indirect.scatter.add.f32 [tilespmem:s23], [sflag:$0x10], $0x28, s29, s28, $0xb8;
	[tilespmem:$0x1EB80] =	vst v63  }
0xfe: {  	_ =	swait.ge [sflag:s6], $0x1400  }
0xff: {  	s9 =	rddreg [dreg:$0xa];
	[sflag:s6] =	ssyncset.done $0x0  }
0x100: {  	s18 =	rddreg [dreg:$0xb];
	[sflag:s6] =	ssyncadd.s32 $0xFFFFEC00;
	s5 =	sadd.s32 $0x0, s9  }
0x101: {  	[tilespmem:s28], [sflag:$0x2] =	stream.linear.gather [hbm4b:s5+s4], $0x80, $0x38;
	[tilespmem:$0x1EB80] =	vst v63  }
0x102: {  	s0 =	simm.s32 $0x1;
	s31 =	sadd.s32 $0x0, s18  }
0x103: {  	[tilespmem:s22], [sflag:$0x6] =	stream.linear.gather [hbm4b:s31+s4], $0x80, $0x38;
	[tilespmem:$0x1EB80] =	vst v63  }
0x104: {  	_ =	swait.ge [sflag:s0], $0x80  }
0x105: {  	[sflag:s0] =	ssyncset.done $0x0  }
0x106: {  	s1 =	simm.s32 $0x9;
	[sflag:s0] =	ssyncadd.s32 $0xFFFFFF80  }
0x107: {  	[tilespmem:s10], [sflag:$0x9] =	stream.indirect.gather [spmem:s3], $0x28, s4, s28, $0xb8;
	[tilespmem:$0x1EB80] =	vst v63  }
0x108: {  	_ =	swait.ge [sflag:s1], $0x1400  }
0x109: {  	[sflag:s1] =	ssyncset.done $0x0  }
0x10a: {  	[sflag:s1] =	ssyncadd.s32 $0xFFFFEC00  }
0x10b: {  	_ =	swait.ge [sflag:s25], $0x80  }
0x10c: {  	[sflag:s25] =	ssyncset.done $0x0  }
0x10d: {  	[sflag:s25] =	ssyncadd.s32 $0xFFFFFF80  }
0x10e: {  	[spmem:s2] =	stream.indirect.scatter.add.f32 [tilespmem:s10], [sflag:$0xD], $0x28, s21, s28, $0xb8;
	[tilespmem:$0x1EB80] =	vst v63  }
0x10f: {  	s21 =	simm.s32 $0xF  }
0x110: {  	_ =	swait.ge [sflag:s21], $0x1400  }
0x111: {  	s9 =	rddreg [dreg:$0x8];
	[sflag:s21] =	ssyncset.done $0x0  }
0x112: {  	s10 =	rddreg [dreg:$0x9];
	[sflag:s21] =	ssyncadd.s32 $0xFFFFEC00;
	s5 =	sadd.s32 $0x0, s9  }
0x113: {  	[tilespmem:s30], [sflag:$0x3] =	stream.linear.gather [hbm4b:s5+s4], $0x80, $0x38;
	[tilespmem:$0x1EB80] =	vst v63  }
0x114: {  	s7 =	simm.s32 $0x2;
	s18 =	sadd.s32 $0x0, s10  }
0x115: {  	[tilespmem:s24], [sflag:$0x7] =	stream.linear.gather [hbm4b:s18+s4], $0x80, $0x38;
	[tilespmem:$0x1EB80] =	vst v63  }
0x116: {  	_ =	swait.ge [sflag:s7], $0x80  }
0x117: {  	[sflag:s7] =	ssyncset.done $0x0  }
0x118: {  	s8 =	simm.s32 $0xA;
	[sflag:s7] =	ssyncadd.s32 $0xFFFFFF80  }
0x119: {  	[tilespmem:s14], [sflag:$0xA] =	stream.indirect.gather [spmem:s3], $0x28, s28, s28, $0xb8;
	[tilespmem:$0x1EB80] =	vst v63  }
0x11a: {  	_ =	swait.ge [sflag:s8], $0x1400  }
0x11b: {  	[sflag:s8] =	ssyncset.done $0x0  }
0x11c: {  	[sflag:s8] =	ssyncadd.s32 $0xFFFFEC00  }
0x11d: {  	_ =	swait.ge [sflag:s12], $0x80  }
0x11e: {  	[sflag:s12] =	ssyncset.done $0x0  }
0x11f: {  	s24 =	simm.s32 $0x10;
	[sflag:s12] =	ssyncadd.s32 $0xFFFFFF80  }
0x120: {  	[spmem:s2] =	stream.indirect.scatter.add.f32 [tilespmem:s14], [sflag:$0xE], $0x28, s22, s28, $0xb8;
	[tilespmem:$0x1EB80] =	vst v63  }
0x121: {  	_ =	swait.ge [sflag:s24], $0x1400  }
0x122: {  	s22 =	rddreg [dreg:$0x6];
	[sflag:s24] =	ssyncset.done $0x0  }
0x123: {  	s30 =	rddreg [dreg:$0x7];
	[sflag:s24] =	ssyncadd.s32 $0xFFFFEC00;
	s5 =	sadd.s32 $0x0, s22  }
0x124: {  	[tilespmem:s13], [sflag:$0x4] =	stream.linear.gather [hbm4b:s5+s4], $0x80, $0x38;
	[tilespmem:$0x1EB80] =	vst v63  }
0x125: {  	s31 =	sadd.s32 $0x0, s30  }
0x126: {  	[tilespmem:s29], [sflag:$0x8] =	stream.linear.gather [hbm4b:s31+s4], $0x80, $0x38;
	[tilespmem:$0x1EB80] =	vst v63  }
0x127: {  	_ =	swait.ge [sflag:s26], $0x80  }
0x128: {  	[sflag:s26] =	ssyncset.done $0x0  }
0x129: {  	s22 =	simm.s32 $0x40;
	[sflag:s26] =	ssyncadd.s32 $0xFFFFFF80  }
.LBB2_6:
0x12a: {  	s18 =	simm.s32 $0x100;
	s5 =	simm.s32 $0x2C00  }
0x12b: {  	[tilespmem:s5], [sflag:$0xB] =	stream.indirect.gather [spmem:s3], $0x28, s18, s28, $0xb8;
	[tilespmem:$0x1EB80] =	vst v63  }
0x12c: {  	_ =	swait.ge [sflag:s15], $0x1400  }
0x12d: {  	[sflag:s15] =	ssyncset.done $0x0  }
0x12e: {  	[sflag:s15] =	ssyncadd.s32 $0xFFFFEC00  }
0x12f: {  	_ =	swait.ge [sflag:s16], $0x80  }
0x130: {  	[sflag:s16] =	ssyncset.done $0x0  }
0x131: {  	s30 =	simm.s32 $0x300;
	[sflag:s16] =	ssyncadd.s32 $0xFFFFFF80  }
0x132: {  	[spmem:s2] =	stream.indirect.scatter.add.f32 [tilespmem:s5], [sflag:$0xF], $0x28, s30, s28, $0xb8;
	[tilespmem:$0x1EB80] =	vst v63  }
0x133: {  	_ =	swait.ge [sflag:s17], $0x1400  }
0x134: {  	s26 =	smov.u32 s22;
	s14 =	rddreg [dreg:$0xc];
	[sflag:s17] =	ssyncset.done $0x0  }
0x135: {  	s9 =	rddreg [dreg:$0xd];
	[sflag:s17] =	ssyncadd.s32 $0xFFFFEC00;
	s5 =	sadd.s32 s26, s14  }
0x136: {  	[tilespmem:s4], [sflag:$0x1] =	stream.linear.gather [hbm4b:s5+s4], $0x80, $0x38;
	[tilespmem:$0x1EB80] =	vst v63  }
0x137: {  	s29 =	simm.s32 $0x200;
	s31 =	sadd.s32 s26, s9  }
0x138: {  	[tilespmem:s29], [sflag:$0x5] =	stream.linear.gather [hbm4b:s31+s4], $0x80, $0x38;
	[tilespmem:$0x1EB80] =	vst v63  }
0x139: {  	_ =	swait.ge [sflag:s19], $0x80  }
0x13a: {  	[sflag:s19] =	ssyncset.done $0x0  }
0x13b: {  	s14 =	simm.s32 $0x180;
	[sflag:s19] =	ssyncadd.s32 $0xFFFFFF80  }
0x13c: {  	[tilespmem:s23], [sflag:$0xC] =	stream.indirect.gather [spmem:s3], $0x28, s14, s28, $0xb8;
	[tilespmem:$0x1EB80] =	vst v63  }
0x13d: {  	_ =	swait.ge [sflag:s20], $0x1400  }
0x13e: {  	[sflag:s20] =	ssyncset.done $0x0  }
0x13f: {  	[sflag:s20] =	ssyncadd.s32 $0xFFFFEC00  }
0x140: {  	_ =	swait.ge [sflag:s11], $0x80  }
0x141: {  	[sflag:s11] =	ssyncset.done $0x0  }
0x142: {  	s31 =	simm.s32 $0x380;
	[sflag:s11] =	ssyncadd.s32 $0xFFFFFF80  }
0x143: {  	[spmem:s2] =	stream.indirect.scatter.add.f32 [tilespmem:s23], [sflag:$0x10], $0x28, s31, s28, $0xb8;
	[tilespmem:$0x1EB80] =	vst v63  }
0x144: {  	_ =	swait.ge [sflag:s6], $0x1400  }
0x145: {  	s9 =	rddreg [dreg:$0xa];
	[sflag:s6] =	ssyncset.done $0x0  }
0x146: {  	s10 =	rddreg [dreg:$0xb];
	[sflag:s6] =	ssyncadd.s32 $0xFFFFEC00;
	s5 =	sadd.s32 s26, s9  }
0x147: {  	[tilespmem:s28], [sflag:$0x2] =	stream.linear.gather [hbm4b:s5+s4], $0x80, $0x38;
	[tilespmem:$0x1EB80] =	vst v63  }
0x148: {  	s13 =	sadd.s32 s26, s10;
	s10 =	simm.s32 $0x280  }
0x149: {  	[tilespmem:s10], [sflag:$0x6] =	stream.linear.gather [hbm4b:s13+s4], $0x80, $0x38;
	[tilespmem:$0x1EB80] =	vst v63  }
0x14a: {  	_ =	swait.ge [sflag:s0], $0x80  }
0x14b: {  	[sflag:s0] =	ssyncset.done $0x0  }
0x14c: {  	s9 =	simm.s32 $0x400;
	[sflag:s0] =	ssyncadd.s32 $0xFFFFFF80  }
0x14d: {  	[tilespmem:s9], [sflag:$0x9] =	stream.indirect.gather [spmem:s3], $0x28, s4, s28, $0xb8;
	[tilespmem:$0x1EB80] =	vst v63  }
0x14e: {  	_ =	swait.ge [sflag:s1], $0x1400  }
0x14f: {  	[sflag:s1] =	ssyncset.done $0x0  }
0x150: {  	[sflag:s1] =	ssyncadd.s32 $0xFFFFEC00  }
0x151: {  	_ =	swait.ge [sflag:s25], $0x80  }
0x152: {  	[sflag:s25] =	ssyncset.done $0x0  }
0x153: {  	[sflag:s25] =	ssyncadd.s32 $0xFFFFFF80  }
0x154: {  	[spmem:s2] =	stream.indirect.scatter.add.f32 [tilespmem:s9], [sflag:$0xD], $0x28, s29, s28, $0xb8;
	[tilespmem:$0x1EB80] =	vst v63  }
0x155: {  	_ =	swait.ge [sflag:s21], $0x1400  }
0x156: {  	s13 =	rddreg [dreg:$0x8];
	[sflag:s21] =	ssyncset.done $0x0  }
0x157: {  	s9 =	rddreg [dreg:$0x9];
	[sflag:s21] =	ssyncadd.s32 $0xFFFFEC00;
	s5 =	sadd.s32 s26, s13  }
0x158: {  	[tilespmem:s18], [sflag:$0x3] =	stream.linear.gather [hbm4b:s5+s4], $0x80, $0x38;
	[tilespmem:$0x1EB80] =	vst v63  }
0x159: {  	s18 =	sadd.s32 s26, s9  }
0x15a: {  	[tilespmem:s30], [sflag:$0x7] =	stream.linear.gather [hbm4b:s18+s4], $0x80, $0x38;
	[tilespmem:$0x1EB80] =	vst v63  }
0x15b: {  	_ =	swait.ge [sflag:s7], $0x80  }
0x15c: {  	[sflag:s7] =	ssyncset.done $0x0  }
0x15d: {  	s30 =	simm.s32 $0x1800;
	[sflag:s7] =	ssyncadd.s32 $0xFFFFFF80  }
0x15e: {  	[tilespmem:s30], [sflag:$0xA] =	stream.indirect.gather [spmem:s3], $0x28, s28, s28, $0xb8;
	[tilespmem:$0x1EB80] =	vst v63  }
0x15f: {  	_ =	swait.ge [sflag:s8], $0x1400  }
0x160: {  	[sflag:s8] =	ssyncset.done $0x0  }
0x161: {  	[sflag:s8] =	ssyncadd.s32 $0xFFFFEC00  }
0x162: {  	_ =	swait.ge [sflag:s12], $0x80  }
0x163: {  	[sflag:s12] =	ssyncset.done $0x0  }
0x164: {  	[sflag:s12] =	ssyncadd.s32 $0xFFFFFF80  }
0x165: {  	[spmem:s2] =	stream.indirect.scatter.add.f32 [tilespmem:s30], [sflag:$0xE], $0x28, s10, s28, $0xb8;
	[tilespmem:$0x1EB80] =	vst v63  }
0x166: {  	_ =	swait.ge [sflag:s24], $0x1400  }
0x167: {  	p0 =	sne.s32 s22, $0x480;
	s9 =	rddreg [dreg:$0x6];
	[sflag:s24] =	ssyncset.done $0x0  }
0x168: {  	s10 =	rddreg [dreg:$0x7];
	[sflag:s24] =	ssyncadd.s32 $0xFFFFEC00;
	s5 =	sadd.s32 s26, s9  }
0x169: {  	[tilespmem:s14], [sflag:$0x4] =	stream.linear.gather [hbm4b:s5+s4], $0x80, $0x38;
	[tilespmem:$0x1EB80] =	vst v63  }
.Ltmp2:
0x16a: {  	s30 =	simm.s32 $0x3;
	s26 =	sadd.s32 s26, s10;
	(pc) =	sbr.rel @p0 .LBB2_6-.Ltmp2, $4  }
0x16b: {  	[tilespmem:s31], [sflag:$0x8] =	stream.linear.gather [hbm4b:s26+s4], $0x80, $0x38;
	[tilespmem:$0x1EB80] =	vst v63  }
0x16c: {  	s22 =	sadd.s32 $0x40, s22;
	_ =	swait.ge [sflag:s30], $0x80  }
0x16d: {  	s29 =	simm.s32 $0x300;
	s13 =	simm.s32 $0x100;
	[sflag:s30] =	ssyncset.done $0x0  }
0x16e: {  	s18 =	simm.s32 $0x180;
	s10 =	simm.s32 $0x380;
	[sflag:s30] =	ssyncadd.s32 $0xFFFFFF80  }
0x16f: {  	s0 =	simm.s32 $0x2C00  }
0x170: {  	[tilespmem:s0], [sflag:$0xB] =	stream.indirect.gather [spmem:s3], $0x28, s13, s28, $0xb8;
	[tilespmem:$0x1EB80] =	vst v63  }
0x171: {  	_ =	swait.ge [sflag:s15], $0x1400  }
0x172: {  	[sflag:s15] =	ssyncset.done $0x0  }
0x173: {  	[sflag:s15] =	ssyncadd.s32 $0xFFFFEC00  }
0x174: {  	_ =	swait.ge [sflag:s16], $0x80  }
0x175: {  	[sflag:s16] =	ssyncset.done $0x0  }
0x176: {  	[sflag:s16] =	ssyncadd.s32 $0xFFFFFF80  }
0x177: {  	[spmem:s2] =	stream.indirect.scatter.add.f32 [tilespmem:s0], [sflag:$0xF], $0x28, s29, s28, $0xb8;
	[tilespmem:$0x1EB80] =	vst v63  }
0x178: {  	_ =	swait.ge [sflag:s19], $0x80  }
0x179: {  	[sflag:s19] =	ssyncset.done $0x0  }
0x17a: {  	[sflag:s19] =	ssyncadd.s32 $0xFFFFFF80  }
0x17b: {  	[tilespmem:s23], [sflag:$0xC] =	stream.indirect.gather [spmem:s3], $0x28, s18, s28, $0xb8;
	[tilespmem:$0x1EB80] =	vst v63  }
0x17c: {  	_ =	swait.ge [sflag:s20], $0x1400  }
0x17d: {  	[sflag:s20] =	ssyncset.done $0x0  }
0x17e: {  	[sflag:s20] =	ssyncadd.s32 $0xFFFFEC00  }
0x17f: {  	_ =	swait.ge [sflag:s11], $0x80  }
0x180: {  	[sflag:s11] =	ssyncset.done $0x0  }
0x181: {  	[sflag:s11] =	ssyncadd.s32 $0xFFFFFF80  }
0x182: {  	[spmem:s2] =	stream.indirect.scatter.add.f32 [tilespmem:s23], [sflag:$0x10], $0x28, s10, s28, $0xb8;
	[tilespmem:$0x1EB80] =	vst v63  }
0x183: {  	_ =	swait.ge [sflag:s17], $0x1400  }
0x184: {  	[sflag:s17] =	ssyncset.done $0x0  }
0x185: {  	[sflag:s17] =	ssyncadd.s32 $0xFFFFEC00  }
0x186: {  	_ =	swait.ge [sflag:s6], $0x1400  }
0x187: {  	[sflag:s6] =	ssyncset.done $0x0  }
0x188: {  	[sflag:s6] =	ssyncadd.s32 $0xFFFFEC00  }
0x189: {  	_ =	swait.ge [sflag:s21], $0x1400  }
0x18a: {  	[sflag:s21] =	ssyncset.done $0x0  }
0x18b: {  	[sflag:s21] =	ssyncadd.s32 $0xFFFFEC00  }
0x18c: {  	_ =	swait.ge [sflag:s24], $0x1400  }
0x18d: {  	[sflag:s24] =	ssyncset.done $0x0  }
0x18e: {  	[sflag:s24] =	ssyncadd.s32 $0xFFFFEC00  }
0x18f: {  	[bflag:$0x0] =	sbarrier.arrive $0xFFFF  }
0x190: {  	s9 =	simm.s32 $0x5400;
	s10 =	simm.s32 $0x11;
	s22 =	rddreg [dreg:$0xf]  }
0x191: {  	[tilespmem:s9], [sflag:$0x11] =	stream.linear.gather [spmem:s22], $0x6400, $0x38;
	[tilespmem:$0x1EB80] =	vst v63  }
0x192: {  	_ =	swait.ge [sflag:s10], $0x6400  }
0x193: {  	[sflag:s10] =	ssyncset.done $0x0  }
0x194: {  	s5 =	rddreg [dreg:$0x1c];
	[sflag:s10] =	ssyncadd.s32 $0xFFFF9C00  }
0x195: {  	[hbm4b:s5+s4] =	stream.linear.scatter [tilespmem:s9], [sflag:$0x11], $0x6400, $0x38;
	[tilespmem:$0x1EB80] =	vst v63  }
0x196: {  	_ =	swait.ge [sflag:s10], $0x6400  }
0x197: {  	s30 =	rddreg [dreg:$0x1e]  }
0x198: {  	s31 =	rddreg [dreg:$0x1d];
	s6 =	sadd.s32 $0x1, s30  }
0x199: {  	p0 =	sne.s32 s6, s31  }
.Ltmp3:
0x19a: {  	_ = 	snop;
	(pc) =	sbr.rel @p0 .LBB2_1-.Ltmp3, $4  }
0x19b: {  	_ = 	snop  }
0x19c: {  	s1 =	simm.s32 $0x5;
	s7 =	simm.s32 $0xA  }
0x19d: {  	s8 =	simm.s32 $0x6;
	s13 =	simm.s32 $0x1;
	[sflag:s10] =	ssyncset.done $0x0  }
0x19e: {  	s0 =	simm.s32 $0x9;
	s18 =	simm.s32 $0x2;
	[sflag:s10] =	ssyncadd.s32 $0xFFFF9C00  }
0x19f: {  	_ =	sfence.sel $0x180000  }
0x1a0: {  	[bflag:$0x0] =	sbarrier.arrive $0xFFFF  }
0x1a1: {  	_ =	strace $0x9000004A  }
0x1a2: {  	s0 =	stileid.u32;
	[bflag:$0x2] =	sbarrier.arrive $0xFFFF  }
0x1a3: {  	p0 =	sne.s32 s0, $0x0;
	s0 =	rddreg [dreg:$0x5]  }
0x1a4: {  	s0 =	sadd.s32 @!p0 $0x100000, s0  }
0x1a5: {  	[sflag:s0] =	ssyncadd.tile.s32 @!p0 $0x1;
	_ =	shalt  }
.Lfunc_end2:
_tile_overlayer_lowered:
.L_overlay_start_2:
0x1a6: {  	(tag) =	ssettag $0x2  }
0x1a7: {  	s0 =	rddreg [dreg:$0x0];
	s2 =	stileid.u32  }
0x1a8: {  	s1 =	rddreg [dreg:$0x1];
	p0 =	sne.s32 s2, $0x0  }
0x1a9: {  	s3 =	rddreg [dreg:$0x2];
	[bflag:$0x3] =	sbarrier.arrive $0xFFFF;
	s2 =	simm.s32 @!p0 $0x1C11  }
0x1aa: {  	[timem:s3], [sflag:s2] =	dma.local @!p0 [hbm:s0], s1  }
0x1ab: {  	s0 =	simm.s32 @!p0 $0x11  }
0x1ac: {  	_ =	swait.ge @!p0 [sflag:s0], s1  }
0x1ad: {  	s1 =	ssub.s32 @!p0 $0x0, s1;
	[sflag:s0] =	ssyncset.done @!p0 $0x0  }
0x1ae: {  	[sflag:s0] =	ssyncadd.s32 @!p0 s1  }
0x1af: {  	[bflag:$0x3] =	sbarrier.arrive $0xFFFF  }
0x1b0: {  	_ =	shalt  }

</sc_bundles>
